<compile_context>
chip_gen: v7x
topology: tpu7x:2x2x1
jax: 0.10.2.dev20260603
libtpu: 0.0.44.dev20260713+nightly
codegen_flags: <defaults>
</compile_context>

<pallas_src>
import functools

import jax
import jax.numpy as jnp
from jax import lax
from jax.experimental import pallas as pl
from jax.experimental.pallas import tpu as pltpu
from jax.experimental.pallas import tpu_sc as plsc

ROWS = 64
N = 32768
TOPK = 64
L = 16
NVREG = N // L
CHUNKS = 64
VPC = NVREG // CHUNKS
CAP = 192
NW = 32
ROWS_PER_W = ROWS // NW

_NEG = float("-inf")
_BIGI = 0x7FFFFFFF

_GDN = lax.GatherDimensionNumbers(
    offset_dims=(), collapsed_slice_dims=(0,), start_index_map=(0,))


def _shuf(v, perm):
    return lax.gather(v, perm[:, None], _GDN, (1,),
                      mode=lax.GatherScatterMode.PROMISE_IN_BOUNDS)


def _bfly(v, op, lanes):
    for s in (8, 4, 2, 1):
        v = op(v, _shuf(v, lanes ^ s))
    return v


@functools.partial(
    pl.kernel,
    out_type=(
        jax.ShapeDtypeStruct((ROWS, TOPK), jnp.float32),
        jax.ShapeDtypeStruct((ROWS, TOPK), jnp.int32),
    ),
    mesh=plsc.VectorSubcoreMesh(core_axis_name="c", subcore_axis_name="s"),
    compiler_params=pltpu.CompilerParams(needs_layout_passes=False),
    scratch_types=[
        pltpu.VMEM((N,), jnp.float32),
        pltpu.VMEM((N,), jnp.float32),
        pltpu.VMEM((CAP * L,), jnp.float32),
        pltpu.VMEM((CAP * L,), jnp.int32),
        pltpu.VMEM((TOPK,), jnp.float32),
        pltpu.VMEM((TOPK,), jnp.float32),
        pltpu.VMEM((TOPK,), jnp.int32),
        pltpu.VMEM((TOPK,), jnp.int32),
        pltpu.VMEM((CHUNKS * L,), jnp.float32),
        pltpu.SemaphoreType.DMA,
        pltpu.SemaphoreType.DMA,
    ],
)
def _topk_kernel(inp_hbm, vals_hbm, idxs_hbm, row_a, row_b, cval, cidx,
                 oval_a, oval_b, oidx_a, oidx_b, gmax, sem_a, sem_b):
    wid = lax.axis_index("c") * 16 + lax.axis_index("s")
    lanes = lax.iota(jnp.int32, L)
    neg = jnp.full((L,), _NEG, jnp.float32)
    bigi = jnp.full((L,), _BIGI, jnp.int32)
    clampv = jnp.full((L,), (CAP - 1) * L, jnp.int32) + lanes
    c16 = jnp.full((L,), L, jnp.int32)
    zero = jnp.zeros((L,), jnp.int32)

    rows = (row_a, row_b)
    copies = [
        pltpu.async_copy(inp_hbm.at[rr * NW + wid], rows[rr], (sem_a, sem_b)[rr])
        for rr in range(ROWS_PER_W)
    ]

    out_copies = []
    for rr in range(ROWS_PER_W):
        r = rr * NW + wid
        row_v = rows[rr]
        oval = (oval_a, oval_b)[rr]
        oidx = (oidx_a, oidx_b)[rr]
        copies[rr].wait()

        @plsc.parallel_loop(
            0, CHUNKS,
            carry=(jnp.full((L,), float("inf"), jnp.float32), neg))
        def chunk_loop(c, st):
            t0mn, t0mx = st
            m = [neg, neg, neg, neg]
            for j in range(VPC):
                m[j % 4] = jnp.maximum(
                    m[j % 4], row_v[pl.ds(c * (VPC * L) + j * L, L)])
            mm = jnp.maximum(jnp.maximum(m[0], m[1]),
                             jnp.maximum(m[2], m[3]))
            gmax[pl.ds(c * L, L)] = mm
            bmx = _bfly(mm, jnp.maximum, lanes)
            return jnp.minimum(t0mn, bmx), jnp.maximum(t0mx, bmx)

        t0v, gmx = chunk_loop

        def probe(p, st):
            lo, hi = st
            t = (lo + hi) * 0.5

            @plsc.parallel_loop(0, CHUNKS, unroll=4, carry=zero)
            def cnt_loop(c, cnt, t=t):
                return cnt + jnp.where(gmax[pl.ds(c * L, L)] >= t,
                                       jnp.ones((L,), jnp.int32), zero)

            cnt = _bfly(cnt_loop, lambda a, b: a + b, lanes)
            ok = cnt >= jnp.full((L,), TOPK, jnp.int32)
            return jnp.where(ok, t, lo), jnp.where(ok, hi, t)

        t0v, _ = lax.fori_loop(0, 4, probe, (t0v, gmx))

        @plsc.parallel_loop(0, NVREG, unroll=8, carry=(lanes, lanes))
        def collect(i, st):
            ptr16, iv = st
            v = row_v[pl.ds(i * L, L)]
            msk = v >= t0v
            pos = jnp.minimum(ptr16, clampv)
            plsc.store_scatter(cidx, [pos], iv, mask=msk)
            return ptr16 + jnp.where(msk, c16, zero), iv + c16

        ptr16, _ = collect
        maxd = jnp.minimum(
            lax.shift_right_logical(_bfly(ptr16, jnp.maximum, lanes)[0], 4),
            CAP - 1)
        cntd = lax.shift_right_logical(ptr16 - lanes, 4)

        @plsc.parallel_loop(0, maxd + 1, carry=jnp.int32(0))
        def mat_loop(d, carry):
            dv = jnp.full((L,), d, jnp.int32)
            valid = dv < cntd
            idxv = jnp.where(valid, cidx[pl.ds(d * L, L)], zero)
            vv = plsc.load_gather(row_v, [idxv])
            cval[pl.ds(d * L, L)] = jnp.where(valid, vv, neg)
            return carry

        del mat_loop

        def isort_body(i, carry):
            kv = cval[pl.ds(i * L, L)]
            ki = cidx[pl.ds(i * L, L)]

            def down(jj, moving):
                j = i - 1 - jj
                vj = cval[pl.ds(j * L, L)]
                ij = cidx[pl.ds(j * L, L)]
                lt = (kv > vj) | ((kv == vj) & (ki < ij))
                pos1 = (j + 1) * L + lanes
                wv = jnp.where(lt, vj, kv)
                wi = jnp.where(lt, ij, ki)
                plsc.store_scatter(cval, [pos1], wv, mask=moving)
                plsc.store_scatter(cidx, [pos1], wi, mask=moving)
                return moving & lt

            moving = lax.fori_loop(0, i, down, jnp.ones((L,), jnp.bool_))
            plsc.store_scatter(cval, [lanes], kv, mask=moving)
            plsc.store_scatter(cidx, [lanes], ki, mask=moving)
            return carry

        lax.fori_loop(1, maxd, isort_body, 0)

        @plsc.parallel_loop(0, TOPK, carry=zero)
        def merge_loop(k, hp):
            addr = hp * L + lanes
            hv0 = plsc.load_gather(cval, [addr])
            hi0 = plsc.load_gather(cidx, [addr])
            hv, hi = hv0, hi0
            for s in (8, 4, 2, 1):
                sv = _shuf(hv, lanes ^ s)
                si = _shuf(hi, lanes ^ s)
                better = (sv > hv) | ((sv == hv) & (si < hi))
                hv = jnp.where(better, sv, hv)
                hi = jnp.where(better, si, hi)
            chosen = (hv0 == hv) & (hi0 == hi)
            l0 = lanes == 0
            kv = jnp.full((L,), k, jnp.int32)
            plsc.store_scatter(oval, [kv], hv, mask=l0)
            plsc.store_scatter(oidx, [kv], hi, mask=l0)
            return hp + chosen.astype(jnp.int32)

        del merge_loop

        out_copies.append(
            pltpu.async_copy(oval, vals_hbm.at[r], (sem_a, sem_b)[rr]))
        out_copies.append(
            pltpu.async_copy(oidx, idxs_hbm.at[r], (sem_a, sem_b)[rr]))

    for cp in out_copies:
        cp.wait()


def kernel(inp, shared_refpanel):
    vals, idxs = _topk_kernel(inp)
    return (vals, idxs)

# --- scband reference (transcript-rebuilt; emitter-appended) ---
"""Pipeline reference for scband-top-kpool-9277129359374 (READ-ONLY COPY).

The authoritative reference and input builder live on the scoring server;
editing this copy changes nothing except your own understanding.
"""

import jax, jax.numpy as jnp
import numpy as np

K = 64  # init_kwargs k


def setup_inputs(seed: int = 0) -> dict:
    key = jax.random.key(seed)
    inp = jax.random.normal(key, (64, 32768), dtype=jnp.float32)
    return {"inp": inp, "shared_refpanel": True}


def reference(inp, shared_refpanel):
    # shared_refpanel path: topk over dim=1
    # (setup_inputs always passes shared_refpanel=True; the alternative branch
    # has a different output pytree shape, so the branch is resolved statically
    # while the traced flag is folded into the outputs value-preservingly.)
    k = min(K, inp.shape[1])
    maximums, indices = jax.lax.top_k(inp, k)
    maximums = jnp.where(shared_refpanel, maximums, maximums)
    indices = jnp.where(shared_refpanel, indices, indices)
    return (maximums, indices)

if __name__ == "__main__":
    import jax
    _d = setup_inputs()
    print(jax.jit(kernel)(*tuple(_d.values())))

</pallas_src>

<mosaic_0001>
#map = affine_map<(d0, d1) -> (0, 0)>
module attributes {stable_mosaic.version = 14 : i64} {
  func.func @_topk_kernel(%arg0: i32, %arg1: i32, %arg2: memref<64x32768xf32, #tpu.memory_space<hbm>>, %arg3: memref<64x64xf32, #tpu.memory_space<hbm>>, %arg4: memref<64x64xi32, #tpu.memory_space<hbm>>, %arg5: memref<32768xf32, #tpu.memory_space<vmem>>, %arg6: memref<32768xf32, #tpu.memory_space<vmem>>, %arg7: memref<3072xf32, #tpu.memory_space<vmem>>, %arg8: memref<3072xi32, #tpu.memory_space<vmem>>, %arg9: memref<64xf32, #tpu.memory_space<vmem>>, %arg10: memref<64xf32, #tpu.memory_space<vmem>>, %arg11: memref<64xi32, #tpu.memory_space<vmem>>, %arg12: memref<64xi32, #tpu.memory_space<vmem>>, %arg13: memref<1024xf32, #tpu.memory_space<vmem>>, %arg14: memref<!tpu.dma_semaphore, #tpu.memory_space<semaphore_mem>>, %arg15: memref<!tpu.dma_semaphore, #tpu.memory_space<semaphore_mem>>) attributes {dimension_semantics = [#tpu.dimension_semantics<core_parallel>, #tpu.dimension_semantics<subcore_parallel>], iteration_bounds = array<i64: 2, 16>, scalar_prefetch = 0 : i64, scratch_operands = 11 : i64, tpu.core_type = #tpu.core_type<sc_vector_subcore>, window_params = [{transform_indices = #map}, {transform_indices = #map}, {transform_indices = #map}]} {
    %mul3A = arith.constant 16 : i32
    %mul3A_0 = arith.muli %arg0, %mul3A : i32
    %add3A = arith.addi %mul3A_0, %arg1 : i32
    %iota3A = tpu.iota {dimensions = array<i32: 0>} : vector<16xi32>
    %broadcast_in_dim3A = arith.constant 0xFF800000 : f32
    %broadcast_in_dim3A_1 = vector.broadcast %broadcast_in_dim3A : f32 to vector<16xf32>
    %broadcast_in_dim3A_2 = arith.constant 2147483647 : i32
    %broadcast_in_dim3A_3 = vector.broadcast %broadcast_in_dim3A_2 : i32 to vector<16xi32>
    %broadcast_in_dim3A_4 = arith.constant 3056 : i32
    %broadcast_in_dim3A_5 = vector.broadcast %broadcast_in_dim3A_4 : i32 to vector<16xi32>
    %add3A_6 = arith.addi %broadcast_in_dim3A_5, %iota3A : vector<16xi32>
    %broadcast_in_dim3A_7 = arith.constant 16 : i32
    %broadcast_in_dim3A_8 = vector.broadcast %broadcast_in_dim3A_7 : i32 to vector<16xi32>
    %broadcast_in_dim3A_9 = arith.constant 0 : i32
    %broadcast_in_dim3A_10 = vector.broadcast %broadcast_in_dim3A_9 : i32 to vector<16xi32>
    %add3A_11 = arith.constant 0 : i32
    %add3A_12 = arith.addi %add3A_11, %add3A : i32
    %dma_start3A = arith.constant 0 : i32
    %dma_start3A_13 = tpu.memref_slice %arg2[%add3A_12, %dma_start3A] : memref<64x32768xf32, #tpu.memory_space<hbm>> -> memref<1x32768xf32, #tpu.memory_space<hbm>>
    %dma_start3A_14 = tpu.memref_squeeze %dma_start3A_13 : memref<1x32768xf32, #tpu.memory_space<hbm>> -> memref<32768xf32, #tpu.memory_space<hbm>>
    %dma_start3A_15 = arith.constant 0 : i32
    %dma_start3A_16 = tpu.memref_slice %arg2[%add3A_12, %dma_start3A_15] : memref<64x32768xf32, #tpu.memory_space<hbm>> -> memref<1x32768xf32, #tpu.memory_space<hbm>>
    %dma_start3A_17 = tpu.memref_squeeze %dma_start3A_16 : memref<1x32768xf32, #tpu.memory_space<hbm>> -> memref<32768xf32, #tpu.memory_space<hbm>>
    tpu.enqueue_dma source(%dma_start3A_17 : memref<32768xf32, #tpu.memory_space<hbm>>) target(%arg5 : memref<32768xf32, #tpu.memory_space<vmem>>) target_semaphore(%arg14 : memref<!tpu.dma_semaphore, #tpu.memory_space<semaphore_mem>>)
    %add3A_18 = arith.constant 32 : i32
    %add3A_19 = arith.addi %add3A_18, %add3A : i32
    %dma_start3A_20 = arith.constant 0 : i32
    %dma_start3A_21 = tpu.memref_slice %arg2[%add3A_19, %dma_start3A_20] : memref<64x32768xf32, #tpu.memory_space<hbm>> -> memref<1x32768xf32, #tpu.memory_space<hbm>>
    %dma_start3A_22 = tpu.memref_squeeze %dma_start3A_21 : memref<1x32768xf32, #tpu.memory_space<hbm>> -> memref<32768xf32, #tpu.memory_space<hbm>>
    %dma_start3A_23 = arith.constant 0 : i32
    %dma_start3A_24 = tpu.memref_slice %arg2[%add3A_19, %dma_start3A_23] : memref<64x32768xf32, #tpu.memory_space<hbm>> -> memref<1x32768xf32, #tpu.memory_space<hbm>>
    %dma_start3A_25 = tpu.memref_squeeze %dma_start3A_24 : memref<1x32768xf32, #tpu.memory_space<hbm>> -> memref<32768xf32, #tpu.memory_space<hbm>>
    tpu.enqueue_dma source(%dma_start3A_25 : memref<32768xf32, #tpu.memory_space<hbm>>) target(%arg6 : memref<32768xf32, #tpu.memory_space<vmem>>) target_semaphore(%arg15 : memref<!tpu.dma_semaphore, #tpu.memory_space<semaphore_mem>>)
    %add3A_26 = arith.constant 0 : i32
    %add3A_27 = arith.addi %add3A_26, %add3A : i32
    %dma_wait3A = arith.constant 0 : i32
    %dma_wait3A_28 = tpu.memref_slice %arg2[%add3A_12, %dma_wait3A] : memref<64x32768xf32, #tpu.memory_space<hbm>> -> memref<1x32768xf32, #tpu.memory_space<hbm>>
    %dma_wait3A_29 = tpu.memref_squeeze %dma_wait3A_28 : memref<1x32768xf32, #tpu.memory_space<hbm>> -> memref<32768xf32, #tpu.memory_space<hbm>>
    %dma_wait3A_30 = arith.constant 0 : i32
    %dma_wait3A_31 = tpu.memref_slice %arg2[%add3A_12, %dma_wait3A_30] : memref<64x32768xf32, #tpu.memory_space<hbm>> -> memref<1x32768xf32, #tpu.memory_space<hbm>>
    %dma_wait3A_32 = tpu.memref_squeeze %dma_wait3A_31 : memref<1x32768xf32, #tpu.memory_space<hbm>> -> memref<32768xf32, #tpu.memory_space<hbm>>
    tpu.wait_dma2 semaphore(%arg14 : memref<!tpu.dma_semaphore, #tpu.memory_space<semaphore_mem>>) src(%dma_wait3A_32 : memref<32768xf32, #tpu.memory_space<hbm>>) dst(%arg5 : memref<32768xf32, #tpu.memory_space<vmem>>)
    %broadcast_in_dim3A_33 = arith.constant 0x7F800000 : f32
    %broadcast_in_dim3A_34 = vector.broadcast %broadcast_in_dim3A_33 : f32 to vector<16xf32>
    %parallel_loop3A = arith.constant 0 : i32
    %parallel_loop3A_35 = arith.constant 64 : i32
    %parallel_loop3A_36 = arith.constant 1 : i32
    %parallel_loop3A_37:2 = scf.for %parallel_loop3A_226 = %parallel_loop3A to %parallel_loop3A_35 step %parallel_loop3A_36 iter_args(%parallel_loop3A_227 = %broadcast_in_dim3A_34, %parallel_loop3A_228 = %broadcast_in_dim3A_1) -> (vector<16xf32>, vector<16xf32>)  : i32 {
      %parallel_loop3A_229 = arith.constant 512 : i32
      %parallel_loop3A_230 = arith.muli %parallel_loop3A_226, %parallel_loop3A_229 : i32
      %parallel_loop3A_231 = arith.constant 0 : i32
      %parallel_loop3A_232 = arith.addi %parallel_loop3A_230, %parallel_loop3A_231 : i32
      %parallel_loop3A_233 = arith.index_cast %parallel_loop3A_232 : i32 to index
      %parallel_loop3A_234 = tpu.vector_load %arg5[%parallel_loop3A_233] {strides = array<i32>} : memref<32768xf32, #tpu.memory_space<vmem>>, vector<16xf32>,
      %parallel_loop3A_235 = arith.maximumf %broadcast_in_dim3A_1, %parallel_loop3A_234 : vector<16xf32>
      %parallel_loop3A_236 = arith.constant 512 : i32
      %parallel_loop3A_237 = arith.muli %parallel_loop3A_226, %parallel_loop3A_236 : i32
      %parallel_loop3A_238 = arith.constant 16 : i32
      %parallel_loop3A_239 = arith.addi %parallel_loop3A_237, %parallel_loop3A_238 : i32
      %parallel_loop3A_240 = arith.index_cast %parallel_loop3A_239 : i32 to index
      %parallel_loop3A_241 = tpu.vector_load %arg5[%parallel_loop3A_240] {strides = array<i32>} : memref<32768xf32, #tpu.memory_space<vmem>>, vector<16xf32>,
      %parallel_loop3A_242 = arith.maximumf %broadcast_in_dim3A_1, %parallel_loop3A_241 : vector<16xf32>
      %parallel_loop3A_243 = arith.constant 512 : i32
      %parallel_loop3A_244 = arith.muli %parallel_loop3A_226, %parallel_loop3A_243 : i32
      %parallel_loop3A_245 = arith.constant 32 : i32
      %parallel_loop3A_246 = arith.addi %parallel_loop3A_244, %parallel_loop3A_245 : i32
      %parallel_loop3A_247 = arith.index_cast %parallel_loop3A_246 : i32 to index
      %parallel_loop3A_248 = tpu.vector_load %arg5[%parallel_loop3A_247] {strides = array<i32>} : memref<32768xf32, #tpu.memory_space<vmem>>, vector<16xf32>,
      %parallel_loop3A_249 = arith.maximumf %broadcast_in_dim3A_1, %parallel_loop3A_248 : vector<16xf32>
      %parallel_loop3A_250 = arith.constant 512 : i32
      %parallel_loop3A_251 = arith.muli %parallel_loop3A_226, %parallel_loop3A_250 : i32
      %parallel_loop3A_252 = arith.constant 48 : i32
      %parallel_loop3A_253 = arith.addi %parallel_loop3A_251, %parallel_loop3A_252 : i32
      %parallel_loop3A_254 = arith.index_cast %parallel_loop3A_253 : i32 to index
      %parallel_loop3A_255 = tpu.vector_load %arg5[%parallel_loop3A_254] {strides = array<i32>} : memref<32768xf32, #tpu.memory_space<vmem>>, vector<16xf32>,
      %parallel_loop3A_256 = arith.maximumf %broadcast_in_dim3A_1, %parallel_loop3A_255 : vector<16xf32>
      %parallel_loop3A_257 = arith.constant 512 : i32
      %parallel_loop3A_258 = arith.muli %parallel_loop3A_226, %parallel_loop3A_257 : i32
      %parallel_loop3A_259 = arith.constant 64 : i32
      %parallel_loop3A_260 = arith.addi %parallel_loop3A_258, %parallel_loop3A_259 : i32
      %parallel_loop3A_261 = arith.index_cast %parallel_loop3A_260 : i32 to index
      %parallel_loop3A_262 = tpu.vector_load %arg5[%parallel_loop3A_261] {strides = array<i32>} : memref<32768xf32, #tpu.memory_space<vmem>>, vector<16xf32>,
      %parallel_loop3A_263 = arith.maximumf %parallel_loop3A_235, %parallel_loop3A_262 : vector<16xf32>
      %parallel_loop3A_264 = arith.constant 512 : i32
      %parallel_loop3A_265 = arith.muli %parallel_loop3A_226, %parallel_loop3A_264 : i32
      %parallel_loop3A_266 = arith.constant 80 : i32
      %parallel_loop3A_267 = arith.addi %parallel_loop3A_265, %parallel_loop3A_266 : i32
      %parallel_loop3A_268 = arith.index_cast %parallel_loop3A_267 : i32 to index
      %parallel_loop3A_269 = tpu.vector_load %arg5[%parallel_loop3A_268] {strides = array<i32>} : memref<32768xf32, #tpu.memory_space<vmem>>, vector<16xf32>,
      %parallel_loop3A_270 = arith.maximumf %parallel_loop3A_242, %parallel_loop3A_269 : vector<16xf32>
      %parallel_loop3A_271 = arith.constant 512 : i32
      %parallel_loop3A_272 = arith.muli %parallel_loop3A_226, %parallel_loop3A_271 : i32
      %parallel_loop3A_273 = arith.constant 96 : i32
      %parallel_loop3A_274 = arith.addi %parallel_loop3A_272, %parallel_loop3A_273 : i32
      %parallel_loop3A_275 = arith.index_cast %parallel_loop3A_274 : i32 to index
      %parallel_loop3A_276 = tpu.vector_load %arg5[%parallel_loop3A_275] {strides = array<i32>} : memref<32768xf32, #tpu.memory_space<vmem>>, vector<16xf32>,
      %parallel_loop3A_277 = arith.maximumf %parallel_loop3A_249, %parallel_loop3A_276 : vector<16xf32>
      %parallel_loop3A_278 = arith.constant 512 : i32
      %parallel_loop3A_279 = arith.muli %parallel_loop3A_226, %parallel_loop3A_278 : i32
      %parallel_loop3A_280 = arith.constant 112 : i32
      %parallel_loop3A_281 = arith.addi %parallel_loop3A_279, %parallel_loop3A_280 : i32
      %parallel_loop3A_282 = arith.index_cast %parallel_loop3A_281 : i32 to index
      %parallel_loop3A_283 = tpu.vector_load %arg5[%parallel_loop3A_282] {strides = array<i32>} : memref<32768xf32, #tpu.memory_space<vmem>>, vector<16xf32>,
      %parallel_loop3A_284 = arith.maximumf %parallel_loop3A_256, %parallel_loop3A_283 : vector<16xf32>
      %parallel_loop3A_285 = arith.constant 512 : i32
      %parallel_loop3A_286 = arith.muli %parallel_loop3A_226, %parallel_loop3A_285 : i32
      %parallel_loop3A_287 = arith.constant 128 : i32
      %parallel_loop3A_288 = arith.addi %parallel_loop3A_286, %parallel_loop3A_287 : i32
      %parallel_loop3A_289 = arith.index_cast %parallel_loop3A_288 : i32 to index
      %parallel_loop3A_290 = tpu.vector_load %arg5[%parallel_loop3A_289] {strides = array<i32>} : memref<32768xf32, #tpu.memory_space<vmem>>, vector<16xf32>,
      %parallel_loop3A_291 = arith.maximumf %parallel_loop3A_263, %parallel_loop3A_290 : vector<16xf32>
      %parallel_loop3A_292 = arith.constant 512 : i32
      %parallel_loop3A_293 = arith.muli %parallel_loop3A_226, %parallel_loop3A_292 : i32
      %parallel_loop3A_294 = arith.constant 144 : i32
      %parallel_loop3A_295 = arith.addi %parallel_loop3A_293, %parallel_loop3A_294 : i32
      %parallel_loop3A_296 = arith.index_cast %parallel_loop3A_295 : i32 to index
      %parallel_loop3A_297 = tpu.vector_load %arg5[%parallel_loop3A_296] {strides = array<i32>} : memref<32768xf32, #tpu.memory_space<vmem>>, vector<16xf32>,
      %parallel_loop3A_298 = arith.maximumf %parallel_loop3A_270, %parallel_loop3A_297 : vector<16xf32>
      %parallel_loop3A_299 = arith.constant 512 : i32
      %parallel_loop3A_300 = arith.muli %parallel_loop3A_226, %parallel_loop3A_299 : i32
      %parallel_loop3A_301 = arith.constant 160 : i32
      %parallel_loop3A_302 = arith.addi %parallel_loop3A_300, %parallel_loop3A_301 : i32
      %parallel_loop3A_303 = arith.index_cast %parallel_loop3A_302 : i32 to index
      %parallel_loop3A_304 = tpu.vector_load %arg5[%parallel_loop3A_303] {strides = array<i32>} : memref<32768xf32, #tpu.memory_space<vmem>>, vector<16xf32>,
      %parallel_loop3A_305 = arith.maximumf %parallel_loop3A_277, %parallel_loop3A_304 : vector<16xf32>
      %parallel_loop3A_306 = arith.constant 512 : i32
      %parallel_loop3A_307 = arith.muli %parallel_loop3A_226, %parallel_loop3A_306 : i32
      %parallel_loop3A_308 = arith.constant 176 : i32
      %parallel_loop3A_309 = arith.addi %parallel_loop3A_307, %parallel_loop3A_308 : i32
      %parallel_loop3A_310 = arith.index_cast %parallel_loop3A_309 : i32 to index
      %parallel_loop3A_311 = tpu.vector_load %arg5[%parallel_loop3A_310] {strides = array<i32>} : memref<32768xf32, #tpu.memory_space<vmem>>, vector<16xf32>,
      %parallel_loop3A_312 = arith.maximumf %parallel_loop3A_284, %parallel_loop3A_311 : vector<16xf32>
      %parallel_loop3A_313 = arith.constant 512 : i32
      %parallel_loop3A_314 = arith.muli %parallel_loop3A_226, %parallel_loop3A_313 : i32
      %parallel_loop3A_315 = arith.constant 192 : i32
      %parallel_loop3A_316 = arith.addi %parallel_loop3A_314, %parallel_loop3A_315 : i32
      %parallel_loop3A_317 = arith.index_cast %parallel_loop3A_316 : i32 to index
      %parallel_loop3A_318 = tpu.vector_load %arg5[%parallel_loop3A_317] {strides = array<i32>} : memref<32768xf32, #tpu.memory_space<vmem>>, vector<16xf32>,
      %parallel_loop3A_319 = arith.maximumf %parallel_loop3A_291, %parallel_loop3A_318 : vector<16xf32>
      %parallel_loop3A_320 = arith.constant 512 : i32
      %parallel_loop3A_321 = arith.muli %parallel_loop3A_226, %parallel_loop3A_320 : i32
      %parallel_loop3A_322 = arith.constant 208 : i32
      %parallel_loop3A_323 = arith.addi %parallel_loop3A_321, %parallel_loop3A_322 : i32
      %parallel_loop3A_324 = arith.index_cast %parallel_loop3A_323 : i32 to index
      %parallel_loop3A_325 = tpu.vector_load %arg5[%parallel_loop3A_324] {strides = array<i32>} : memref<32768xf32, #tpu.memory_space<vmem>>, vector<16xf32>,
      %parallel_loop3A_326 = arith.maximumf %parallel_loop3A_298, %parallel_loop3A_325 : vector<16xf32>
      %parallel_loop3A_327 = arith.constant 512 : i32
      %parallel_loop3A_328 = arith.muli %parallel_loop3A_226, %parallel_loop3A_327 : i32
      %parallel_loop3A_329 = arith.constant 224 : i32
      %parallel_loop3A_330 = arith.addi %parallel_loop3A_328, %parallel_loop3A_329 : i32
      %parallel_loop3A_331 = arith.index_cast %parallel_loop3A_330 : i32 to index
      %parallel_loop3A_332 = tpu.vector_load %arg5[%parallel_loop3A_331] {strides = array<i32>} : memref<32768xf32, #tpu.memory_space<vmem>>, vector<16xf32>,
      %parallel_loop3A_333 = arith.maximumf %parallel_loop3A_305, %parallel_loop3A_332 : vector<16xf32>
      %parallel_loop3A_334 = arith.constant 512 : i32
      %parallel_loop3A_335 = arith.muli %parallel_loop3A_226, %parallel_loop3A_334 : i32
      %parallel_loop3A_336 = arith.constant 240 : i32
      %parallel_loop3A_337 = arith.addi %parallel_loop3A_335, %parallel_loop3A_336 : i32
      %parallel_loop3A_338 = arith.index_cast %parallel_loop3A_337 : i32 to index
      %parallel_loop3A_339 = tpu.vector_load %arg5[%parallel_loop3A_338] {strides = array<i32>} : memref<32768xf32, #tpu.memory_space<vmem>>, vector<16xf32>,
      %parallel_loop3A_340 = arith.maximumf %parallel_loop3A_312, %parallel_loop3A_339 : vector<16xf32>
      %parallel_loop3A_341 = arith.constant 512 : i32
      %parallel_loop3A_342 = arith.muli %parallel_loop3A_226, %parallel_loop3A_341 : i32
      %parallel_loop3A_343 = arith.constant 256 : i32
      %parallel_loop3A_344 = arith.addi %parallel_loop3A_342, %parallel_loop3A_343 : i32
      %parallel_loop3A_345 = arith.index_cast %parallel_loop3A_344 : i32 to index
      %parallel_loop3A_346 = tpu.vector_load %arg5[%parallel_loop3A_345] {strides = array<i32>} : memref<32768xf32, #tpu.memory_space<vmem>>, vector<16xf32>,
      %parallel_loop3A_347 = arith.maximumf %parallel_loop3A_319, %parallel_loop3A_346 : vector<16xf32>
      %parallel_loop3A_348 = arith.constant 512 : i32
      %parallel_loop3A_349 = arith.muli %parallel_loop3A_226, %parallel_loop3A_348 : i32
      %parallel_loop3A_350 = arith.constant 272 : i32
      %parallel_loop3A_351 = arith.addi %parallel_loop3A_349, %parallel_loop3A_350 : i32
      %parallel_loop3A_352 = arith.index_cast %parallel_loop3A_351 : i32 to index
      %parallel_loop3A_353 = tpu.vector_load %arg5[%parallel_loop3A_352] {strides = array<i32>} : memref<32768xf32, #tpu.memory_space<vmem>>, vector<16xf32>,
      %parallel_loop3A_354 = arith.maximumf %parallel_loop3A_326, %parallel_loop3A_353 : vector<16xf32>
      %parallel_loop3A_355 = arith.constant 512 : i32
      %parallel_loop3A_356 = arith.muli %parallel_loop3A_226, %parallel_loop3A_355 : i32
      %parallel_loop3A_357 = arith.constant 288 : i32
      %parallel_loop3A_358 = arith.addi %parallel_loop3A_356, %parallel_loop3A_357 : i32
      %parallel_loop3A_359 = arith.index_cast %parallel_loop3A_358 : i32 to index
      %parallel_loop3A_360 = tpu.vector_load %arg5[%parallel_loop3A_359] {strides = array<i32>} : memref<32768xf32, #tpu.memory_space<vmem>>, vector<16xf32>,
      %parallel_loop3A_361 = arith.maximumf %parallel_loop3A_333, %parallel_loop3A_360 : vector<16xf32>
      %parallel_loop3A_362 = arith.constant 512 : i32
      %parallel_loop3A_363 = arith.muli %parallel_loop3A_226, %parallel_loop3A_362 : i32
      %parallel_loop3A_364 = arith.constant 304 : i32
      %parallel_loop3A_365 = arith.addi %parallel_loop3A_363, %parallel_loop3A_364 : i32
      %parallel_loop3A_366 = arith.index_cast %parallel_loop3A_365 : i32 to index
      %parallel_loop3A_367 = tpu.vector_load %arg5[%parallel_loop3A_366] {strides = array<i32>} : memref<32768xf32, #tpu.memory_space<vmem>>, vector<16xf32>,
      %parallel_loop3A_368 = arith.maximumf %parallel_loop3A_340, %parallel_loop3A_367 : vector<16xf32>
      %parallel_loop3A_369 = arith.constant 512 : i32
      %parallel_loop3A_370 = arith.muli %parallel_loop3A_226, %parallel_loop3A_369 : i32
      %parallel_loop3A_371 = arith.constant 320 : i32
      %parallel_loop3A_372 = arith.addi %parallel_loop3A_370, %parallel_loop3A_371 : i32
      %parallel_loop3A_373 = arith.index_cast %parallel_loop3A_372 : i32 to index
      %parallel_loop3A_374 = tpu.vector_load %arg5[%parallel_loop3A_373] {strides = array<i32>} : memref<32768xf32, #tpu.memory_space<vmem>>, vector<16xf32>,
      %parallel_loop3A_375 = arith.maximumf %parallel_loop3A_347, %parallel_loop3A_374 : vector<16xf32>
      %parallel_loop3A_376 = arith.constant 512 : i32
      %parallel_loop3A_377 = arith.muli %parallel_loop3A_226, %parallel_loop3A_376 : i32
      %parallel_loop3A_378 = arith.constant 336 : i32
      %parallel_loop3A_379 = arith.addi %parallel_loop3A_377, %parallel_loop3A_378 : i32
      %parallel_loop3A_380 = arith.index_cast %parallel_loop3A_379 : i32 to index
      %parallel_loop3A_381 = tpu.vector_load %arg5[%parallel_loop3A_380] {strides = array<i32>} : memref<32768xf32, #tpu.memory_space<vmem>>, vector<16xf32>,
      %parallel_loop3A_382 = arith.maximumf %parallel_loop3A_354, %parallel_loop3A_381 : vector<16xf32>
      %parallel_loop3A_383 = arith.constant 512 : i32
      %parallel_loop3A_384 = arith.muli %parallel_loop3A_226, %parallel_loop3A_383 : i32
      %parallel_loop3A_385 = arith.constant 352 : i32
      %parallel_loop3A_386 = arith.addi %parallel_loop3A_384, %parallel_loop3A_385 : i32
      %parallel_loop3A_387 = arith.index_cast %parallel_loop3A_386 : i32 to index
      %parallel_loop3A_388 = tpu.vector_load %arg5[%parallel_loop3A_387] {strides = array<i32>} : memref<32768xf32, #tpu.memory_space<vmem>>, vector<16xf32>,
      %parallel_loop3A_389 = arith.maximumf %parallel_loop3A_361, %parallel_loop3A_388 : vector<16xf32>
      %parallel_loop3A_390 = arith.constant 512 : i32
      %parallel_loop3A_391 = arith.muli %parallel_loop3A_226, %parallel_loop3A_390 : i32
      %parallel_loop3A_392 = arith.constant 368 : i32
      %parallel_loop3A_393 = arith.addi %parallel_loop3A_391, %parallel_loop3A_392 : i32
      %parallel_loop3A_394 = arith.index_cast %parallel_loop3A_393 : i32 to index
      %parallel_loop3A_395 = tpu.vector_load %arg5[%parallel_loop3A_394] {strides = array<i32>} : memref<32768xf32, #tpu.memory_space<vmem>>, vector<16xf32>,
      %parallel_loop3A_396 = arith.maximumf %parallel_loop3A_368, %parallel_loop3A_395 : vector<16xf32>
      %parallel_loop3A_397 = arith.constant 512 : i32
      %parallel_loop3A_398 = arith.muli %parallel_loop3A_226, %parallel_loop3A_397 : i32
      %parallel_loop3A_399 = arith.constant 384 : i32
      %parallel_loop3A_400 = arith.addi %parallel_loop3A_398, %parallel_loop3A_399 : i32
      %parallel_loop3A_401 = arith.index_cast %parallel_loop3A_400 : i32 to index
      %parallel_loop3A_402 = tpu.vector_load %arg5[%parallel_loop3A_401] {strides = array<i32>} : memref<32768xf32, #tpu.memory_space<vmem>>, vector<16xf32>,
      %parallel_loop3A_403 = arith.maximumf %parallel_loop3A_375, %parallel_loop3A_402 : vector<16xf32>
      %parallel_loop3A_404 = arith.constant 512 : i32
      %parallel_loop3A_405 = arith.muli %parallel_loop3A_226, %parallel_loop3A_404 : i32
      %parallel_loop3A_406 = arith.constant 400 : i32
      %parallel_loop3A_407 = arith.addi %parallel_loop3A_405, %parallel_loop3A_406 : i32
      %parallel_loop3A_408 = arith.index_cast %parallel_loop3A_407 : i32 to index
      %parallel_loop3A_409 = tpu.vector_load %arg5[%parallel_loop3A_408] {strides = array<i32>} : memref<32768xf32, #tpu.memory_space<vmem>>, vector<16xf32>,
      %parallel_loop3A_410 = arith.maximumf %parallel_loop3A_382, %parallel_loop3A_409 : vector<16xf32>
      %parallel_loop3A_411 = arith.constant 512 : i32
      %parallel_loop3A_412 = arith.muli %parallel_loop3A_226, %parallel_loop3A_411 : i32
      %parallel_loop3A_413 = arith.constant 416 : i32
      %parallel_loop3A_414 = arith.addi %parallel_loop3A_412, %parallel_loop3A_413 : i32
      %parallel_loop3A_415 = arith.index_cast %parallel_loop3A_414 : i32 to index
      %parallel_loop3A_416 = tpu.vector_load %arg5[%parallel_loop3A_415] {strides = array<i32>} : memref<32768xf32, #tpu.memory_space<vmem>>, vector<16xf32>,
      %parallel_loop3A_417 = arith.maximumf %parallel_loop3A_389, %parallel_loop3A_416 : vector<16xf32>
      %parallel_loop3A_418 = arith.constant 512 : i32
      %parallel_loop3A_419 = arith.muli %parallel_loop3A_226, %parallel_loop3A_418 : i32
      %parallel_loop3A_420 = arith.constant 432 : i32
      %parallel_loop3A_421 = arith.addi %parallel_loop3A_419, %parallel_loop3A_420 : i32
      %parallel_loop3A_422 = arith.index_cast %parallel_loop3A_421 : i32 to index
      %parallel_loop3A_423 = tpu.vector_load %arg5[%parallel_loop3A_422] {strides = array<i32>} : memref<32768xf32, #tpu.memory_space<vmem>>, vector<16xf32>,
      %parallel_loop3A_424 = arith.maximumf %parallel_loop3A_396, %parallel_loop3A_423 : vector<16xf32>
      %parallel_loop3A_425 = arith.constant 512 : i32
      %parallel_loop3A_426 = arith.muli %parallel_loop3A_226, %parallel_loop3A_425 : i32
      %parallel_loop3A_427 = arith.constant 448 : i32
      %parallel_loop3A_428 = arith.addi %parallel_loop3A_426, %parallel_loop3A_427 : i32
      %parallel_loop3A_429 = arith.index_cast %parallel_loop3A_428 : i32 to index
      %parallel_loop3A_430 = tpu.vector_load %arg5[%parallel_loop3A_429] {strides = array<i32>} : memref<32768xf32, #tpu.memory_space<vmem>>, vector<16xf32>,
      %parallel_loop3A_431 = arith.maximumf %parallel_loop3A_403, %parallel_loop3A_430 : vector<16xf32>
      %parallel_loop3A_432 = arith.constant 512 : i32
      %parallel_loop3A_433 = arith.muli %parallel_loop3A_226, %parallel_loop3A_432 : i32
      %parallel_loop3A_434 = arith.constant 464 : i32
      %parallel_loop3A_435 = arith.addi %parallel_loop3A_433, %parallel_loop3A_434 : i32
      %parallel_loop3A_436 = arith.index_cast %parallel_loop3A_435 : i32 to index
      %parallel_loop3A_437 = tpu.vector_load %arg5[%parallel_loop3A_436] {strides = array<i32>} : memref<32768xf32, #tpu.memory_space<vmem>>, vector<16xf32>,
      %parallel_loop3A_438 = arith.maximumf %parallel_loop3A_410, %parallel_loop3A_437 : vector<16xf32>
      %parallel_loop3A_439 = arith.constant 512 : i32
      %parallel_loop3A_440 = arith.muli %parallel_loop3A_226, %parallel_loop3A_439 : i32
      %parallel_loop3A_441 = arith.constant 480 : i32
      %parallel_loop3A_442 = arith.addi %parallel_loop3A_440, %parallel_loop3A_441 : i32
      %parallel_loop3A_443 = arith.index_cast %parallel_loop3A_442 : i32 to index
      %parallel_loop3A_444 = tpu.vector_load %arg5[%parallel_loop3A_443] {strides = array<i32>} : memref<32768xf32, #tpu.memory_space<vmem>>, vector<16xf32>,
      %parallel_loop3A_445 = arith.maximumf %parallel_loop3A_417, %parallel_loop3A_444 : vector<16xf32>
      %parallel_loop3A_446 = arith.constant 512 : i32
      %parallel_loop3A_447 = arith.muli %parallel_loop3A_226, %parallel_loop3A_446 : i32
      %parallel_loop3A_448 = arith.constant 496 : i32
      %parallel_loop3A_449 = arith.addi %parallel_loop3A_447, %parallel_loop3A_448 : i32
      %parallel_loop3A_450 = arith.index_cast %parallel_loop3A_449 : i32 to index
      %parallel_loop3A_451 = tpu.vector_load %arg5[%parallel_loop3A_450] {strides = array<i32>} : memref<32768xf32, #tpu.memory_space<vmem>>, vector<16xf32>,
      %parallel_loop3A_452 = arith.maximumf %parallel_loop3A_424, %parallel_loop3A_451 : vector<16xf32>
      %parallel_loop3A_453 = arith.maximumf %parallel_loop3A_431, %parallel_loop3A_438 : vector<16xf32>
      %parallel_loop3A_454 = arith.maximumf %parallel_loop3A_445, %parallel_loop3A_452 : vector<16xf32>
      %parallel_loop3A_455 = arith.maximumf %parallel_loop3A_453, %parallel_loop3A_454 : vector<16xf32>
      %parallel_loop3A_456 = arith.constant 16 : i32
      %parallel_loop3A_457 = arith.muli %parallel_loop3A_226, %parallel_loop3A_456 : i32
      %parallel_loop3A_458 = arith.index_cast %parallel_loop3A_457 : i32 to index
      %parallel_loop3A_459 = tpu.vector_load %arg13[%parallel_loop3A_458] {strides = array<i32>} : memref<1024xf32, #tpu.memory_space<vmem>>, vector<16xf32>,
      tpu.vector_store %arg13[%parallel_loop3A_458], %parallel_loop3A_455 {strides = array<i32>} : memref<1024xf32, #tpu.memory_space<vmem>>, vector<16xf32>,
      %parallel_loop3A_460 = arith.constant 8 : i32
      %parallel_loop3A_461 = vector.broadcast %parallel_loop3A_460 : i32 to vector<16xi32>
      %parallel_loop3A_462 = arith.xori %iota3A, %parallel_loop3A_461 : vector<16xi32>
      %parallel_loop3A_463 = vector.shape_cast %parallel_loop3A_462 : vector<16xi32> to vector<16x1xi32>
      %parallel_loop3A_464 = vector.shape_cast %parallel_loop3A_463 : vector<16x1xi32> to vector<16xi32>
      %parallel_loop3A_465 = tpu.dynamic_gather %parallel_loop3A_455[%parallel_loop3A_464] in [0] : vector<16xf32>, vector<16xi32> -> vector<16xf32>
      %parallel_loop3A_466 = arith.maximumf %parallel_loop3A_455, %parallel_loop3A_465 : vector<16xf32>
      %parallel_loop3A_467 = arith.constant 4 : i32
      %parallel_loop3A_468 = vector.broadcast %parallel_loop3A_467 : i32 to vector<16xi32>
      %parallel_loop3A_469 = arith.xori %iota3A, %parallel_loop3A_468 : vector<16xi32>
      %parallel_loop3A_470 = vector.shape_cast %parallel_loop3A_469 : vector<16xi32> to vector<16x1xi32>
      %parallel_loop3A_471 = vector.shape_cast %parallel_loop3A_470 : vector<16x1xi32> to vector<16xi32>
      %parallel_loop3A_472 = tpu.dynamic_gather %parallel_loop3A_466[%parallel_loop3A_471] in [0] : vector<16xf32>, vector<16xi32> -> vector<16xf32>
      %parallel_loop3A_473 = arith.maximumf %parallel_loop3A_466, %parallel_loop3A_472 : vector<16xf32>
      %parallel_loop3A_474 = arith.constant 2 : i32
      %parallel_loop3A_475 = vector.broadcast %parallel_loop3A_474 : i32 to vector<16xi32>
      %parallel_loop3A_476 = arith.xori %iota3A, %parallel_loop3A_475 : vector<16xi32>
      %parallel_loop3A_477 = vector.shape_cast %parallel_loop3A_476 : vector<16xi32> to vector<16x1xi32>
      %parallel_loop3A_478 = vector.shape_cast %parallel_loop3A_477 : vector<16x1xi32> to vector<16xi32>
      %parallel_loop3A_479 = tpu.dynamic_gather %parallel_loop3A_473[%parallel_loop3A_478] in [0] : vector<16xf32>, vector<16xi32> -> vector<16xf32>
      %parallel_loop3A_480 = arith.maximumf %parallel_loop3A_473, %parallel_loop3A_479 : vector<16xf32>
      %parallel_loop3A_481 = arith.constant 1 : i32
      %parallel_loop3A_482 = vector.broadcast %parallel_loop3A_481 : i32 to vector<16xi32>
      %parallel_loop3A_483 = arith.xori %iota3A, %parallel_loop3A_482 : vector<16xi32>
      %parallel_loop3A_484 = vector.shape_cast %parallel_loop3A_483 : vector<16xi32> to vector<16x1xi32>
      %parallel_loop3A_485 = vector.shape_cast %parallel_loop3A_484 : vector<16x1xi32> to vector<16xi32>
      %parallel_loop3A_486 = tpu.dynamic_gather %parallel_loop3A_480[%parallel_loop3A_485] in [0] : vector<16xf32>, vector<16xi32> -> vector<16xf32>
      %parallel_loop3A_487 = arith.maximumf %parallel_loop3A_480, %parallel_loop3A_486 : vector<16xf32>
      %parallel_loop3A_488 = arith.minimumf %parallel_loop3A_227, %parallel_loop3A_487 : vector<16xf32>
      %parallel_loop3A_489 = arith.maximumf %parallel_loop3A_228, %parallel_loop3A_487 : vector<16xf32>
      scf.yield %parallel_loop3A_488, %parallel_loop3A_489 : vector<16xf32>, vector<16xf32>
    } {sc.loop_unroll_factor = 1 : i64, sc.parallel_access}
    %scan3A = arith.constant 0 : i32
    %scan3A_38 = arith.constant 4 : i32
    %scan3A_39 = arith.addi %scan3A, %scan3A_38 : i32
    %scan3A_40 = arith.constant 1 : i32
    %scan3A_41:2 = scf.for %scan3A_226 = %scan3A to %scan3A_39 step %scan3A_40 iter_args(%scan3A_227 = %parallel_loop3A_37#0, %scan3A_228 = %parallel_loop3A_37#1) -> (vector<16xf32>, vector<16xf32>)  : i32 {
      %add3A_229 = arith.addf %scan3A_227, %scan3A_228 : vector<16xf32>
      %mul3A_230 = arith.constant 5.000000e-01 : f32
      %mul3A_231 = vector.broadcast %mul3A_230 : f32 to vector<16xf32>
      %mul3A_232 = arith.mulf %add3A_229, %mul3A_231 : vector<16xf32>
      %parallel_loop3A_233 = arith.constant 0 : i32
      %parallel_loop3A_234 = arith.constant 64 : i32
      %parallel_loop3A_235 = arith.constant 1 : i32
      %parallel_loop3A_236 = scf.for %parallel_loop3A_268 = %parallel_loop3A_233 to %parallel_loop3A_234 step %parallel_loop3A_235 iter_args(%parallel_loop3A_269 = %broadcast_in_dim3A_10) -> (vector<16xi32>)  : i32 {
        %parallel_loop3A_270 = arith.constant 16 : i32
        %parallel_loop3A_271 = arith.muli %parallel_loop3A_268, %parallel_loop3A_270 : i32
        %parallel_loop3A_272 = arith.index_cast %parallel_loop3A_271 : i32 to index
        %parallel_loop3A_273 = tpu.vector_load %arg13[%parallel_loop3A_272] {strides = array<i32>} : memref<1024xf32, #tpu.memory_space<vmem>>, vector<16xf32>,
        %parallel_loop3A_274 = arith.cmpf oge, %parallel_loop3A_273, %mul3A_232 : vector<16xf32>
        %parallel_loop3A_275 = arith.constant 1 : i32
        %parallel_loop3A_276 = vector.broadcast %parallel_loop3A_275 : i32 to vector<16xi32>
        %parallel_loop3A_277 = arith.select %parallel_loop3A_274, %parallel_loop3A_276, %broadcast_in_dim3A_10 : vector<16xi1>, vector<16xi32>
        %parallel_loop3A_278 = arith.addi %parallel_loop3A_269, %parallel_loop3A_277 : vector<16xi32>
        scf.yield %parallel_loop3A_278 : vector<16xi32>
      } {sc.loop_unroll_factor = 4 : i64, sc.parallel_access}
      %xor3A_237 = arith.constant 8 : i32
      %xor3A_238 = vector.broadcast %xor3A_237 : i32 to vector<16xi32>
      %xor3A_239 = arith.xori %iota3A, %xor3A_238 : vector<16xi32>
      %broadcast_in_dim3A_240 = vector.shape_cast %xor3A_239 : vector<16xi32> to vector<16x1xi32>
      %gather3A_241 = vector.shape_cast %broadcast_in_dim3A_240 : vector<16x1xi32> to vector<16xi32>
      %gather3A_242 = tpu.dynamic_gather %parallel_loop3A_236[%gather3A_241] in [0] : vector<16xi32>, vector<16xi32> -> vector<16xi32>
      %add3A_243 = arith.addi %parallel_loop3A_236, %gather3A_242 : vector<16xi32>
      %xor3A_244 = arith.constant 4 : i32
      %xor3A_245 = vector.broadcast %xor3A_244 : i32 to vector<16xi32>
      %xor3A_246 = arith.xori %iota3A, %xor3A_245 : vector<16xi32>
      %broadcast_in_dim3A_247 = vector.shape_cast %xor3A_246 : vector<16xi32> to vector<16x1xi32>
      %gather3A_248 = vector.shape_cast %broadcast_in_dim3A_247 : vector<16x1xi32> to vector<16xi32>
      %gather3A_249 = tpu.dynamic_gather %add3A_243[%gather3A_248] in [0] : vector<16xi32>, vector<16xi32> -> vector<16xi32>
      %add3A_250 = arith.addi %add3A_243, %gather3A_249 : vector<16xi32>
      %xor3A_251 = arith.constant 2 : i32
      %xor3A_252 = vector.broadcast %xor3A_251 : i32 to vector<16xi32>
      %xor3A_253 = arith.xori %iota3A, %xor3A_252 : vector<16xi32>
      %broadcast_in_dim3A_254 = vector.shape_cast %xor3A_253 : vector<16xi32> to vector<16x1xi32>
      %gather3A_255 = vector.shape_cast %broadcast_in_dim3A_254 : vector<16x1xi32> to vector<16xi32>
      %gather3A_256 = tpu.dynamic_gather %add3A_250[%gather3A_255] in [0] : vector<16xi32>, vector<16xi32> -> vector<16xi32>
      %add3A_257 = arith.addi %add3A_250, %gather3A_256 : vector<16xi32>
      %xor3A_258 = arith.constant 1 : i32
      %xor3A_259 = vector.broadcast %xor3A_258 : i32 to vector<16xi32>
      %xor3A_260 = arith.xori %iota3A, %xor3A_259 : vector<16xi32>
      %broadcast_in_dim3A_261 = vector.shape_cast %xor3A_260 : vector<16xi32> to vector<16x1xi32>
      %gather3A_262 = vector.shape_cast %broadcast_in_dim3A_261 : vector<16x1xi32> to vector<16xi32>
      %gather3A_263 = tpu.dynamic_gather %add3A_257[%gather3A_262] in [0] : vector<16xi32>, vector<16xi32> -> vector<16xi32>
      %add3A_264 = arith.addi %add3A_257, %gather3A_263 : vector<16xi32>
      %broadcast_in_dim3A_265 = arith.constant 64 : i32
      %broadcast_in_dim3A_266 = vector.broadcast %broadcast_in_dim3A_265 : i32 to vector<16xi32>
      %ge3A = arith.cmpi sge, %add3A_264, %broadcast_in_dim3A_266 : vector<16xi32>
      %select_n3A = arith.select %ge3A, %mul3A_232, %scan3A_227 : vector<16xi1>, vector<16xf32>
      %select_n3A_267 = arith.select %ge3A, %scan3A_228, %mul3A_232 : vector<16xi1>, vector<16xf32>
      scf.yield %select_n3A, %select_n3A_267 : vector<16xf32>, vector<16xf32>
    }
    %scan3A_42 = arith.constant 4 : i32
    %parallel_loop3A_43 = arith.constant 0 : i32
    %parallel_loop3A_44 = arith.constant 2048 : i32
    %parallel_loop3A_45 = arith.constant 1 : i32
    %parallel_loop3A_46:2 = scf.for %parallel_loop3A_226 = %parallel_loop3A_43 to %parallel_loop3A_44 step %parallel_loop3A_45 iter_args(%parallel_loop3A_227 = %iota3A, %parallel_loop3A_228 = %iota3A) -> (vector<16xi32>, vector<16xi32>)  : i32 {
      %parallel_loop3A_229 = arith.constant 16 : i32
      %parallel_loop3A_230 = arith.muli %parallel_loop3A_226, %parallel_loop3A_229 : i32
      %parallel_loop3A_231 = arith.index_cast %parallel_loop3A_230 : i32 to index
      %parallel_loop3A_232 = tpu.vector_load %arg5[%parallel_loop3A_231] {strides = array<i32>} : memref<32768xf32, #tpu.memory_space<vmem>>, vector<16xf32>,
      %parallel_loop3A_233 = arith.cmpf oge, %parallel_loop3A_232, %scan3A_41#0 : vector<16xf32>
      %parallel_loop3A_234 = arith.minsi %parallel_loop3A_227, %add3A_6 : vector<16xi32>
      tpu.vector_store_idx %arg8[%parallel_loop3A_234], %parallel_loop3A_228 masked %parallel_loop3A_233 : memref<3072xi32, #tpu.memory_space<vmem>>[vector<16xi32>], vector<16xi32>, vector<16xi1>
      %parallel_loop3A_235 = arith.select %parallel_loop3A_233, %broadcast_in_dim3A_8, %broadcast_in_dim3A_10 : vector<16xi1>, vector<16xi32>
      %parallel_loop3A_236 = arith.addi %parallel_loop3A_227, %parallel_loop3A_235 : vector<16xi32>
      %parallel_loop3A_237 = arith.addi %parallel_loop3A_228, %broadcast_in_dim3A_8 : vector<16xi32>
      scf.yield %parallel_loop3A_236, %parallel_loop3A_237 : vector<16xi32>, vector<16xi32>
    } {sc.loop_unroll_factor = 8 : i64, sc.parallel_access}
    %xor3A = arith.constant 8 : i32
    %xor3A_47 = vector.broadcast %xor3A : i32 to vector<16xi32>
    %xor3A_48 = arith.xori %iota3A, %xor3A_47 : vector<16xi32>
    %broadcast_in_dim3A_49 = vector.shape_cast %xor3A_48 : vector<16xi32> to vector<16x1xi32>
    %gather3A = vector.shape_cast %broadcast_in_dim3A_49 : vector<16x1xi32> to vector<16xi32>
    %gather3A_50 = tpu.dynamic_gather %parallel_loop3A_46#0[%gather3A] in [0] : vector<16xi32>, vector<16xi32> -> vector<16xi32>
    %max3A = arith.maxsi %parallel_loop3A_46#0, %gather3A_50 : vector<16xi32>
    %xor3A_51 = arith.constant 4 : i32
    %xor3A_52 = vector.broadcast %xor3A_51 : i32 to vector<16xi32>
    %xor3A_53 = arith.xori %iota3A, %xor3A_52 : vector<16xi32>
    %broadcast_in_dim3A_54 = vector.shape_cast %xor3A_53 : vector<16xi32> to vector<16x1xi32>
    %gather3A_55 = vector.shape_cast %broadcast_in_dim3A_54 : vector<16x1xi32> to vector<16xi32>
    %gather3A_56 = tpu.dynamic_gather %max3A[%gather3A_55] in [0] : vector<16xi32>, vector<16xi32> -> vector<16xi32>
    %max3A_57 = arith.maxsi %max3A, %gather3A_56 : vector<16xi32>
    %xor3A_58 = arith.constant 2 : i32
    %xor3A_59 = vector.broadcast %xor3A_58 : i32 to vector<16xi32>
    %xor3A_60 = arith.xori %iota3A, %xor3A_59 : vector<16xi32>
    %broadcast_in_dim3A_61 = vector.shape_cast %xor3A_60 : vector<16xi32> to vector<16x1xi32>
    %gather3A_62 = vector.shape_cast %broadcast_in_dim3A_61 : vector<16x1xi32> to vector<16xi32>
    %gather3A_63 = tpu.dynamic_gather %max3A_57[%gather3A_62] in [0] : vector<16xi32>, vector<16xi32> -> vector<16xi32>
    %max3A_64 = arith.maxsi %max3A_57, %gather3A_63 : vector<16xi32>
    %xor3A_65 = arith.constant 1 : i32
    %xor3A_66 = vector.broadcast %xor3A_65 : i32 to vector<16xi32>
    %xor3A_67 = arith.xori %iota3A, %xor3A_66 : vector<16xi32>
    %broadcast_in_dim3A_68 = vector.shape_cast %xor3A_67 : vector<16xi32> to vector<16x1xi32>
    %gather3A_69 = vector.shape_cast %broadcast_in_dim3A_68 : vector<16x1xi32> to vector<16xi32>
    %gather3A_70 = tpu.dynamic_gather %max3A_64[%gather3A_69] in [0] : vector<16xi32>, vector<16xi32> -> vector<16xi32>
    %max3A_71 = arith.maxsi %max3A_64, %gather3A_70 : vector<16xi32>
    %slice3A = vector.extract_strided_slice %max3A_71 {offsets = [0], sizes = [1], strides = [1]} : vector<16xi32> to vector<1xi32>
    %squeeze3A = vector.extract %slice3A[0] : i32 from vector<1xi32>
    %shift_right_logical3A = arith.constant 4 : i32
    %shift_right_logical3A_72 = arith.shrui %squeeze3A, %shift_right_logical3A : i32
    %min3A = arith.constant 191 : i32
    %min3A_73 = arith.minsi %shift_right_logical3A_72, %min3A : i32
    %sub3A = arith.subi %parallel_loop3A_46#0, %iota3A : vector<16xi32>
    %shift_right_logical3A_74 = arith.constant 4 : i32
    %shift_right_logical3A_75 = vector.broadcast %shift_right_logical3A_74 : i32 to vector<16xi32>
    %shift_right_logical3A_76 = arith.shrui %sub3A, %shift_right_logical3A_75 : vector<16xi32>
    %add3A_77 = arith.constant 1 : i32
    %add3A_78 = arith.addi %min3A_73, %add3A_77 : i32
    %parallel_loop3A_79 = arith.constant 0 : i32
    %parallel_loop3A_80 = arith.constant 1 : i32
    %parallel_loop3A_81 = arith.constant 0 : i32
    %parallel_loop3A_82 = scf.for %parallel_loop3A_226 = %parallel_loop3A_79 to %add3A_78 step %parallel_loop3A_80 iter_args(%parallel_loop3A_227 = %parallel_loop3A_81) -> (i32)  : i32 {
      %parallel_loop3A_228 = vector.broadcast %parallel_loop3A_226 : i32 to vector<16xi32>
      %parallel_loop3A_229 = arith.cmpi slt, %parallel_loop3A_228, %shift_right_logical3A_76 : vector<16xi32>
      %parallel_loop3A_230 = arith.constant 16 : i32
      %parallel_loop3A_231 = arith.muli %parallel_loop3A_226, %parallel_loop3A_230 : i32
      %parallel_loop3A_232 = arith.index_cast %parallel_loop3A_231 : i32 to index
      %parallel_loop3A_233 = tpu.vector_load %arg8[%parallel_loop3A_232] {strides = array<i32>} : memref<3072xi32, #tpu.memory_space<vmem>>, vector<16xi32>,
      %parallel_loop3A_234 = arith.select %parallel_loop3A_229, %parallel_loop3A_233, %broadcast_in_dim3A_10 : vector<16xi1>, vector<16xi32>
      %parallel_loop3A_235 = tpu.vector_load_idx %arg5[%parallel_loop3A_234] : memref<32768xf32, #tpu.memory_space<vmem>>[vector<16xi32>], vector<16xf32>,
      %parallel_loop3A_236 = arith.select %parallel_loop3A_229, %parallel_loop3A_235, %broadcast_in_dim3A_1 : vector<16xi1>, vector<16xf32>
      %parallel_loop3A_237 = arith.constant 16 : i32
      %parallel_loop3A_238 = arith.muli %parallel_loop3A_226, %parallel_loop3A_237 : i32
      %parallel_loop3A_239 = arith.index_cast %parallel_loop3A_238 : i32 to index
      %parallel_loop3A_240 = tpu.vector_load %arg7[%parallel_loop3A_239] {strides = array<i32>} : memref<3072xf32, #tpu.memory_space<vmem>>, vector<16xf32>,
      tpu.vector_store %arg7[%parallel_loop3A_239], %parallel_loop3A_236 {strides = array<i32>} : memref<3072xf32, #tpu.memory_space<vmem>>, vector<16xf32>,
      scf.yield %parallel_loop3A_227 : i32
    } {sc.loop_unroll_factor = 1 : i64, sc.parallel_access}
    %while3A = arith.constant 0 : i32
    %while3A_83 = arith.constant 1 : i32
    %while3A_84 = arith.subi %min3A_73, %while3A_83 : i32
    %while3A_85 = arith.addi %while3A_83, %while3A_84 : i32
    %while3A_86 = arith.constant 1 : i32
    %while3A_87 = arith.divsi %while3A_84, %while3A_86 : i32
    %while3A_88 = arith.muli %while3A_87, %while3A_86 : i32
    %while3A_89 = arith.addi %while3A_83, %while3A_88 : i32
    %while3A_90 = arith.constant 1 : i32
    scf.for %while3A_226 = %while3A_83 to %while3A_89 step %while3A_90  : i32 {
      %mul3A_227 = arith.constant 16 : i32
      %mul3A_228 = arith.muli %while3A_226, %mul3A_227 : i32
      %get3A = arith.index_cast %mul3A_228 : i32 to index
      %get3A_229 = tpu.vector_load %arg7[%get3A] {strides = array<i32>} : memref<3072xf32, #tpu.memory_space<vmem>>, vector<16xf32>,
      %mul3A_230 = arith.constant 16 : i32
      %mul3A_231 = arith.muli %while3A_226, %mul3A_230 : i32
      %get3A_232 = arith.index_cast %mul3A_231 : i32 to index
      %get3A_233 = tpu.vector_load %arg8[%get3A_232] {strides = array<i32>} : memref<3072xi32, #tpu.memory_space<vmem>>, vector<16xi32>,
      %broadcast_in_dim3A_234 = arith.constant true
      %broadcast_in_dim3A_235 = vector.broadcast %broadcast_in_dim3A_234 : i1 to vector<16xi1>
      %while3A_236 = arith.constant 0 : i32
      %while3A_237 = arith.subi %while3A_226, %while3A_236 : i32
      %while3A_238 = arith.addi %while3A_236, %while3A_237 : i32
      %while3A_239 = arith.constant 1 : i32
      %while3A_240 = arith.divsi %while3A_237, %while3A_239 : i32
      %while3A_241 = arith.muli %while3A_240, %while3A_239 : i32
      %while3A_242 = arith.addi %while3A_236, %while3A_241 : i32
      %while3A_243 = arith.constant 1 : i32
      %while3A_244 = scf.for %while3A_247 = %while3A_236 to %while3A_242 step %while3A_243 iter_args(%while3A_248 = %broadcast_in_dim3A_235) -> (vector<16xi1>)  : i32 {
        %sub3A_249 = arith.constant 1 : i32
        %sub3A_250 = arith.subi %while3A_226, %sub3A_249 : i32
        %sub3A_251 = arith.subi %sub3A_250, %while3A_247 : i32
        %mul3A_252 = arith.constant 16 : i32
        %mul3A_253 = arith.muli %sub3A_251, %mul3A_252 : i32
        %get3A_254 = arith.index_cast %mul3A_253 : i32 to index
        %get3A_255 = tpu.vector_load %arg7[%get3A_254] {strides = array<i32>} : memref<3072xf32, #tpu.memory_space<vmem>>, vector<16xf32>,
        %mul3A_256 = arith.constant 16 : i32
        %mul3A_257 = arith.muli %sub3A_251, %mul3A_256 : i32
        %get3A_258 = arith.index_cast %mul3A_257 : i32 to index
        %get3A_259 = tpu.vector_load %arg8[%get3A_258] {strides = array<i32>} : memref<3072xi32, #tpu.memory_space<vmem>>, vector<16xi32>,
        %gt3A = arith.cmpf ogt, %get3A_229, %get3A_255 : vector<16xf32>
        %eq3A = arith.cmpf oeq, %get3A_229, %get3A_255 : vector<16xf32>
        %lt3A = arith.cmpi slt, %get3A_233, %get3A_259 : vector<16xi32>
        %and3A = arith.andi %eq3A, %lt3A : vector<16xi1>
        %or3A = arith.ori %gt3A, %and3A : vector<16xi1>
        %add3A_260 = arith.constant 1 : i32
        %add3A_261 = arith.addi %sub3A_251, %add3A_260 : i32
        %mul3A_262 = arith.constant 16 : i32
        %mul3A_263 = arith.muli %add3A_261, %mul3A_262 : i32
        %add3A_264 = vector.broadcast %mul3A_263 : i32 to vector<16xi32>
        %add3A_265 = arith.addi %add3A_264, %iota3A : vector<16xi32>
        %select_n3A = arith.select %or3A, %get3A_255, %get3A_229 : vector<16xi1>, vector<16xf32>
        %select_n3A_266 = arith.select %or3A, %get3A_259, %get3A_233 : vector<16xi1>, vector<16xi32>
        tpu.vector_store_idx %arg7[%add3A_265], %select_n3A masked %while3A_248 : memref<3072xf32, #tpu.memory_space<vmem>>[vector<16xi32>], vector<16xf32>, vector<16xi1>
        tpu.vector_store_idx %arg8[%add3A_265], %select_n3A_266 masked %while3A_248 : memref<3072xi32, #tpu.memory_space<vmem>>[vector<16xi32>], vector<16xi32>, vector<16xi1>
        %and3A_267 = arith.andi %while3A_248, %or3A : vector<16xi1>
        scf.yield %and3A_267 : vector<16xi1>
      }
      %while3A_245 = arith.constant 1 : i32
      %while3A_246 = scf.for %while3A_247 = %while3A_242 to %while3A_238 step %while3A_245 iter_args(%while3A_248 = %while3A_244) -> (vector<16xi1>)  : i32 {
        %sub3A_249 = arith.constant 1 : i32
        %sub3A_250 = arith.subi %while3A_226, %sub3A_249 : i32
        %sub3A_251 = arith.subi %sub3A_250, %while3A_247 : i32
        %mul3A_252 = arith.constant 16 : i32
        %mul3A_253 = arith.muli %sub3A_251, %mul3A_252 : i32
        %get3A_254 = arith.index_cast %mul3A_253 : i32 to index
        %get3A_255 = tpu.vector_load %arg7[%get3A_254] {strides = array<i32>} : memref<3072xf32, #tpu.memory_space<vmem>>, vector<16xf32>,
        %mul3A_256 = arith.constant 16 : i32
        %mul3A_257 = arith.muli %sub3A_251, %mul3A_256 : i32
        %get3A_258 = arith.index_cast %mul3A_257 : i32 to index
        %get3A_259 = tpu.vector_load %arg8[%get3A_258] {strides = array<i32>} : memref<3072xi32, #tpu.memory_space<vmem>>, vector<16xi32>,
        %gt3A = arith.cmpf ogt, %get3A_229, %get3A_255 : vector<16xf32>
        %eq3A = arith.cmpf oeq, %get3A_229, %get3A_255 : vector<16xf32>
        %lt3A = arith.cmpi slt, %get3A_233, %get3A_259 : vector<16xi32>
        %and3A = arith.andi %eq3A, %lt3A : vector<16xi1>
        %or3A = arith.ori %gt3A, %and3A : vector<16xi1>
        %add3A_260 = arith.constant 1 : i32
        %add3A_261 = arith.addi %sub3A_251, %add3A_260 : i32
        %mul3A_262 = arith.constant 16 : i32
        %mul3A_263 = arith.muli %add3A_261, %mul3A_262 : i32
        %add3A_264 = vector.broadcast %mul3A_263 : i32 to vector<16xi32>
        %add3A_265 = arith.addi %add3A_264, %iota3A : vector<16xi32>
        %select_n3A = arith.select %or3A, %get3A_255, %get3A_229 : vector<16xi1>, vector<16xf32>
        %select_n3A_266 = arith.select %or3A, %get3A_259, %get3A_233 : vector<16xi1>, vector<16xi32>
        tpu.vector_store_idx %arg7[%add3A_265], %select_n3A masked %while3A_248 : memref<3072xf32, #tpu.memory_space<vmem>>[vector<16xi32>], vector<16xf32>, vector<16xi1>
        tpu.vector_store_idx %arg8[%add3A_265], %select_n3A_266 masked %while3A_248 : memref<3072xi32, #tpu.memory_space<vmem>>[vector<16xi32>], vector<16xi32>, vector<16xi1>
        %and3A_267 = arith.andi %while3A_248, %or3A : vector<16xi1>
        scf.yield %and3A_267 : vector<16xi1>
      }
      tpu.vector_store_idx %arg7[%iota3A], %get3A_229 masked %while3A_246 : memref<3072xf32, #tpu.memory_space<vmem>>[vector<16xi32>], vector<16xf32>, vector<16xi1>
      tpu.vector_store_idx %arg8[%iota3A], %get3A_233 masked %while3A_246 : memref<3072xi32, #tpu.memory_space<vmem>>[vector<16xi32>], vector<16xi32>, vector<16xi1>
    }
    %while3A_91 = arith.constant 1 : i32
    scf.for %while3A_226 = %while3A_89 to %while3A_85 step %while3A_91  : i32 {
      %mul3A_227 = arith.constant 16 : i32
      %mul3A_228 = arith.muli %while3A_226, %mul3A_227 : i32
      %get3A = arith.index_cast %mul3A_228 : i32 to index
      %get3A_229 = tpu.vector_load %arg7[%get3A] {strides = array<i32>} : memref<3072xf32, #tpu.memory_space<vmem>>, vector<16xf32>,
      %mul3A_230 = arith.constant 16 : i32
      %mul3A_231 = arith.muli %while3A_226, %mul3A_230 : i32
      %get3A_232 = arith.index_cast %mul3A_231 : i32 to index
      %get3A_233 = tpu.vector_load %arg8[%get3A_232] {strides = array<i32>} : memref<3072xi32, #tpu.memory_space<vmem>>, vector<16xi32>,
      %broadcast_in_dim3A_234 = arith.constant true
      %broadcast_in_dim3A_235 = vector.broadcast %broadcast_in_dim3A_234 : i1 to vector<16xi1>
      %while3A_236 = arith.constant 0 : i32
      %while3A_237 = arith.subi %while3A_226, %while3A_236 : i32
      %while3A_238 = arith.addi %while3A_236, %while3A_237 : i32
      %while3A_239 = arith.constant 1 : i32
      %while3A_240 = arith.divsi %while3A_237, %while3A_239 : i32
      %while3A_241 = arith.muli %while3A_240, %while3A_239 : i32
      %while3A_242 = arith.addi %while3A_236, %while3A_241 : i32
      %while3A_243 = arith.constant 1 : i32
      %while3A_244 = scf.for %while3A_247 = %while3A_236 to %while3A_242 step %while3A_243 iter_args(%while3A_248 = %broadcast_in_dim3A_235) -> (vector<16xi1>)  : i32 {
        %sub3A_249 = arith.constant 1 : i32
        %sub3A_250 = arith.subi %while3A_226, %sub3A_249 : i32
        %sub3A_251 = arith.subi %sub3A_250, %while3A_247 : i32
        %mul3A_252 = arith.constant 16 : i32
        %mul3A_253 = arith.muli %sub3A_251, %mul3A_252 : i32
        %get3A_254 = arith.index_cast %mul3A_253 : i32 to index
        %get3A_255 = tpu.vector_load %arg7[%get3A_254] {strides = array<i32>} : memref<3072xf32, #tpu.memory_space<vmem>>, vector<16xf32>,
        %mul3A_256 = arith.constant 16 : i32
        %mul3A_257 = arith.muli %sub3A_251, %mul3A_256 : i32
        %get3A_258 = arith.index_cast %mul3A_257 : i32 to index
        %get3A_259 = tpu.vector_load %arg8[%get3A_258] {strides = array<i32>} : memref<3072xi32, #tpu.memory_space<vmem>>, vector<16xi32>,
        %gt3A = arith.cmpf ogt, %get3A_229, %get3A_255 : vector<16xf32>
        %eq3A = arith.cmpf oeq, %get3A_229, %get3A_255 : vector<16xf32>
        %lt3A = arith.cmpi slt, %get3A_233, %get3A_259 : vector<16xi32>
        %and3A = arith.andi %eq3A, %lt3A : vector<16xi1>
        %or3A = arith.ori %gt3A, %and3A : vector<16xi1>
        %add3A_260 = arith.constant 1 : i32
        %add3A_261 = arith.addi %sub3A_251, %add3A_260 : i32
        %mul3A_262 = arith.constant 16 : i32
        %mul3A_263 = arith.muli %add3A_261, %mul3A_262 : i32
        %add3A_264 = vector.broadcast %mul3A_263 : i32 to vector<16xi32>
        %add3A_265 = arith.addi %add3A_264, %iota3A : vector<16xi32>
        %select_n3A = arith.select %or3A, %get3A_255, %get3A_229 : vector<16xi1>, vector<16xf32>
        %select_n3A_266 = arith.select %or3A, %get3A_259, %get3A_233 : vector<16xi1>, vector<16xi32>
        tpu.vector_store_idx %arg7[%add3A_265], %select_n3A masked %while3A_248 : memref<3072xf32, #tpu.memory_space<vmem>>[vector<16xi32>], vector<16xf32>, vector<16xi1>
        tpu.vector_store_idx %arg8[%add3A_265], %select_n3A_266 masked %while3A_248 : memref<3072xi32, #tpu.memory_space<vmem>>[vector<16xi32>], vector<16xi32>, vector<16xi1>
        %and3A_267 = arith.andi %while3A_248, %or3A : vector<16xi1>
        scf.yield %and3A_267 : vector<16xi1>
      }
      %while3A_245 = arith.constant 1 : i32
      %while3A_246 = scf.for %while3A_247 = %while3A_242 to %while3A_238 step %while3A_245 iter_args(%while3A_248 = %while3A_244) -> (vector<16xi1>)  : i32 {
        %sub3A_249 = arith.constant 1 : i32
        %sub3A_250 = arith.subi %while3A_226, %sub3A_249 : i32
        %sub3A_251 = arith.subi %sub3A_250, %while3A_247 : i32
        %mul3A_252 = arith.constant 16 : i32
        %mul3A_253 = arith.muli %sub3A_251, %mul3A_252 : i32
        %get3A_254 = arith.index_cast %mul3A_253 : i32 to index
        %get3A_255 = tpu.vector_load %arg7[%get3A_254] {strides = array<i32>} : memref<3072xf32, #tpu.memory_space<vmem>>, vector<16xf32>,
        %mul3A_256 = arith.constant 16 : i32
        %mul3A_257 = arith.muli %sub3A_251, %mul3A_256 : i32
        %get3A_258 = arith.index_cast %mul3A_257 : i32 to index
        %get3A_259 = tpu.vector_load %arg8[%get3A_258] {strides = array<i32>} : memref<3072xi32, #tpu.memory_space<vmem>>, vector<16xi32>,
        %gt3A = arith.cmpf ogt, %get3A_229, %get3A_255 : vector<16xf32>
        %eq3A = arith.cmpf oeq, %get3A_229, %get3A_255 : vector<16xf32>
        %lt3A = arith.cmpi slt, %get3A_233, %get3A_259 : vector<16xi32>
        %and3A = arith.andi %eq3A, %lt3A : vector<16xi1>
        %or3A = arith.ori %gt3A, %and3A : vector<16xi1>
        %add3A_260 = arith.constant 1 : i32
        %add3A_261 = arith.addi %sub3A_251, %add3A_260 : i32
        %mul3A_262 = arith.constant 16 : i32
        %mul3A_263 = arith.muli %add3A_261, %mul3A_262 : i32
        %add3A_264 = vector.broadcast %mul3A_263 : i32 to vector<16xi32>
        %add3A_265 = arith.addi %add3A_264, %iota3A : vector<16xi32>
        %select_n3A = arith.select %or3A, %get3A_255, %get3A_229 : vector<16xi1>, vector<16xf32>
        %select_n3A_266 = arith.select %or3A, %get3A_259, %get3A_233 : vector<16xi1>, vector<16xi32>
        tpu.vector_store_idx %arg7[%add3A_265], %select_n3A masked %while3A_248 : memref<3072xf32, #tpu.memory_space<vmem>>[vector<16xi32>], vector<16xf32>, vector<16xi1>
        tpu.vector_store_idx %arg8[%add3A_265], %select_n3A_266 masked %while3A_248 : memref<3072xi32, #tpu.memory_space<vmem>>[vector<16xi32>], vector<16xi32>, vector<16xi1>
        %and3A_267 = arith.andi %while3A_248, %or3A : vector<16xi1>
        scf.yield %and3A_267 : vector<16xi1>
      }
      tpu.vector_store_idx %arg7[%iota3A], %get3A_229 masked %while3A_246 : memref<3072xf32, #tpu.memory_space<vmem>>[vector<16xi32>], vector<16xf32>, vector<16xi1>
      tpu.vector_store_idx %arg8[%iota3A], %get3A_233 masked %while3A_246 : memref<3072xi32, #tpu.memory_space<vmem>>[vector<16xi32>], vector<16xi32>, vector<16xi1>
    }
    %parallel_loop3A_92 = arith.constant 0 : i32
    %parallel_loop3A_93 = arith.constant 64 : i32
    %parallel_loop3A_94 = arith.constant 1 : i32
    %parallel_loop3A_95 = scf.for %parallel_loop3A_226 = %parallel_loop3A_92 to %parallel_loop3A_93 step %parallel_loop3A_94 iter_args(%parallel_loop3A_227 = %broadcast_in_dim3A_10) -> (vector<16xi32>)  : i32 {
      %parallel_loop3A_228 = arith.constant 16 : i32
      %parallel_loop3A_229 = vector.broadcast %parallel_loop3A_228 : i32 to vector<16xi32>
      %parallel_loop3A_230 = arith.muli %parallel_loop3A_227, %parallel_loop3A_229 : vector<16xi32>
      %parallel_loop3A_231 = arith.addi %parallel_loop3A_230, %iota3A : vector<16xi32>
      %parallel_loop3A_232 = tpu.vector_load_idx %arg7[%parallel_loop3A_231] : memref<3072xf32, #tpu.memory_space<vmem>>[vector<16xi32>], vector<16xf32>,
      %parallel_loop3A_233 = tpu.vector_load_idx %arg8[%parallel_loop3A_231] : memref<3072xi32, #tpu.memory_space<vmem>>[vector<16xi32>], vector<16xi32>,
      %parallel_loop3A_234 = arith.constant 8 : i32
      %parallel_loop3A_235 = vector.broadcast %parallel_loop3A_234 : i32 to vector<16xi32>
      %parallel_loop3A_236 = arith.xori %iota3A, %parallel_loop3A_235 : vector<16xi32>
      %parallel_loop3A_237 = vector.shape_cast %parallel_loop3A_236 : vector<16xi32> to vector<16x1xi32>
      %parallel_loop3A_238 = vector.shape_cast %parallel_loop3A_237 : vector<16x1xi32> to vector<16xi32>
      %parallel_loop3A_239 = tpu.dynamic_gather %parallel_loop3A_232[%parallel_loop3A_238] in [0] : vector<16xf32>, vector<16xi32> -> vector<16xf32>
      %parallel_loop3A_240 = arith.constant 8 : i32
      %parallel_loop3A_241 = vector.broadcast %parallel_loop3A_240 : i32 to vector<16xi32>
      %parallel_loop3A_242 = arith.xori %iota3A, %parallel_loop3A_241 : vector<16xi32>
      %parallel_loop3A_243 = vector.shape_cast %parallel_loop3A_242 : vector<16xi32> to vector<16x1xi32>
      %parallel_loop3A_244 = vector.shape_cast %parallel_loop3A_243 : vector<16x1xi32> to vector<16xi32>
      %parallel_loop3A_245 = tpu.dynamic_gather %parallel_loop3A_233[%parallel_loop3A_244] in [0] : vector<16xi32>, vector<16xi32> -> vector<16xi32>
      %parallel_loop3A_246 = arith.cmpf ogt, %parallel_loop3A_239, %parallel_loop3A_232 : vector<16xf32>
      %parallel_loop3A_247 = arith.cmpf oeq, %parallel_loop3A_239, %parallel_loop3A_232 : vector<16xf32>
      %parallel_loop3A_248 = arith.cmpi slt, %parallel_loop3A_245, %parallel_loop3A_233 : vector<16xi32>
      %parallel_loop3A_249 = arith.andi %parallel_loop3A_247, %parallel_loop3A_248 : vector<16xi1>
      %parallel_loop3A_250 = arith.ori %parallel_loop3A_246, %parallel_loop3A_249 : vector<16xi1>
      %parallel_loop3A_251 = arith.select %parallel_loop3A_250, %parallel_loop3A_239, %parallel_loop3A_232 : vector<16xi1>, vector<16xf32>
      %parallel_loop3A_252 = arith.select %parallel_loop3A_250, %parallel_loop3A_245, %parallel_loop3A_233 : vector<16xi1>, vector<16xi32>
      %parallel_loop3A_253 = arith.constant 4 : i32
      %parallel_loop3A_254 = vector.broadcast %parallel_loop3A_253 : i32 to vector<16xi32>
      %parallel_loop3A_255 = arith.xori %iota3A, %parallel_loop3A_254 : vector<16xi32>
      %parallel_loop3A_256 = vector.shape_cast %parallel_loop3A_255 : vector<16xi32> to vector<16x1xi32>
      %parallel_loop3A_257 = vector.shape_cast %parallel_loop3A_256 : vector<16x1xi32> to vector<16xi32>
      %parallel_loop3A_258 = tpu.dynamic_gather %parallel_loop3A_251[%parallel_loop3A_257] in [0] : vector<16xf32>, vector<16xi32> -> vector<16xf32>
      %parallel_loop3A_259 = arith.constant 4 : i32
      %parallel_loop3A_260 = vector.broadcast %parallel_loop3A_259 : i32 to vector<16xi32>
      %parallel_loop3A_261 = arith.xori %iota3A, %parallel_loop3A_260 : vector<16xi32>
      %parallel_loop3A_262 = vector.shape_cast %parallel_loop3A_261 : vector<16xi32> to vector<16x1xi32>
      %parallel_loop3A_263 = vector.shape_cast %parallel_loop3A_262 : vector<16x1xi32> to vector<16xi32>
      %parallel_loop3A_264 = tpu.dynamic_gather %parallel_loop3A_252[%parallel_loop3A_263] in [0] : vector<16xi32>, vector<16xi32> -> vector<16xi32>
      %parallel_loop3A_265 = arith.cmpf ogt, %parallel_loop3A_258, %parallel_loop3A_251 : vector<16xf32>
      %parallel_loop3A_266 = arith.cmpf oeq, %parallel_loop3A_258, %parallel_loop3A_251 : vector<16xf32>
      %parallel_loop3A_267 = arith.cmpi slt, %parallel_loop3A_264, %parallel_loop3A_252 : vector<16xi32>
      %parallel_loop3A_268 = arith.andi %parallel_loop3A_266, %parallel_loop3A_267 : vector<16xi1>
      %parallel_loop3A_269 = arith.ori %parallel_loop3A_265, %parallel_loop3A_268 : vector<16xi1>
      %parallel_loop3A_270 = arith.select %parallel_loop3A_269, %parallel_loop3A_258, %parallel_loop3A_251 : vector<16xi1>, vector<16xf32>
      %parallel_loop3A_271 = arith.select %parallel_loop3A_269, %parallel_loop3A_264, %parallel_loop3A_252 : vector<16xi1>, vector<16xi32>
      %parallel_loop3A_272 = arith.constant 2 : i32
      %parallel_loop3A_273 = vector.broadcast %parallel_loop3A_272 : i32 to vector<16xi32>
      %parallel_loop3A_274 = arith.xori %iota3A, %parallel_loop3A_273 : vector<16xi32>
      %parallel_loop3A_275 = vector.shape_cast %parallel_loop3A_274 : vector<16xi32> to vector<16x1xi32>
      %parallel_loop3A_276 = vector.shape_cast %parallel_loop3A_275 : vector<16x1xi32> to vector<16xi32>
      %parallel_loop3A_277 = tpu.dynamic_gather %parallel_loop3A_270[%parallel_loop3A_276] in [0] : vector<16xf32>, vector<16xi32> -> vector<16xf32>
      %parallel_loop3A_278 = arith.constant 2 : i32
      %parallel_loop3A_279 = vector.broadcast %parallel_loop3A_278 : i32 to vector<16xi32>
      %parallel_loop3A_280 = arith.xori %iota3A, %parallel_loop3A_279 : vector<16xi32>
      %parallel_loop3A_281 = vector.shape_cast %parallel_loop3A_280 : vector<16xi32> to vector<16x1xi32>
      %parallel_loop3A_282 = vector.shape_cast %parallel_loop3A_281 : vector<16x1xi32> to vector<16xi32>
      %parallel_loop3A_283 = tpu.dynamic_gather %parallel_loop3A_271[%parallel_loop3A_282] in [0] : vector<16xi32>, vector<16xi32> -> vector<16xi32>
      %parallel_loop3A_284 = arith.cmpf ogt, %parallel_loop3A_277, %parallel_loop3A_270 : vector<16xf32>
      %parallel_loop3A_285 = arith.cmpf oeq, %parallel_loop3A_277, %parallel_loop3A_270 : vector<16xf32>
      %parallel_loop3A_286 = arith.cmpi slt, %parallel_loop3A_283, %parallel_loop3A_271 : vector<16xi32>
      %parallel_loop3A_287 = arith.andi %parallel_loop3A_285, %parallel_loop3A_286 : vector<16xi1>
      %parallel_loop3A_288 = arith.ori %parallel_loop3A_284, %parallel_loop3A_287 : vector<16xi1>
      %parallel_loop3A_289 = arith.select %parallel_loop3A_288, %parallel_loop3A_277, %parallel_loop3A_270 : vector<16xi1>, vector<16xf32>
      %parallel_loop3A_290 = arith.select %parallel_loop3A_288, %parallel_loop3A_283, %parallel_loop3A_271 : vector<16xi1>, vector<16xi32>
      %parallel_loop3A_291 = arith.constant 1 : i32
      %parallel_loop3A_292 = vector.broadcast %parallel_loop3A_291 : i32 to vector<16xi32>
      %parallel_loop3A_293 = arith.xori %iota3A, %parallel_loop3A_292 : vector<16xi32>
      %parallel_loop3A_294 = vector.shape_cast %parallel_loop3A_293 : vector<16xi32> to vector<16x1xi32>
      %parallel_loop3A_295 = vector.shape_cast %parallel_loop3A_294 : vector<16x1xi32> to vector<16xi32>
      %parallel_loop3A_296 = tpu.dynamic_gather %parallel_loop3A_289[%parallel_loop3A_295] in [0] : vector<16xf32>, vector<16xi32> -> vector<16xf32>
      %parallel_loop3A_297 = arith.constant 1 : i32
      %parallel_loop3A_298 = vector.broadcast %parallel_loop3A_297 : i32 to vector<16xi32>
      %parallel_loop3A_299 = arith.xori %iota3A, %parallel_loop3A_298 : vector<16xi32>
      %parallel_loop3A_300 = vector.shape_cast %parallel_loop3A_299 : vector<16xi32> to vector<16x1xi32>
      %parallel_loop3A_301 = vector.shape_cast %parallel_loop3A_300 : vector<16x1xi32> to vector<16xi32>
      %parallel_loop3A_302 = tpu.dynamic_gather %parallel_loop3A_290[%parallel_loop3A_301] in [0] : vector<16xi32>, vector<16xi32> -> vector<16xi32>
      %parallel_loop3A_303 = arith.cmpf ogt, %parallel_loop3A_296, %parallel_loop3A_289 : vector<16xf32>
      %parallel_loop3A_304 = arith.cmpf oeq, %parallel_loop3A_296, %parallel_loop3A_289 : vector<16xf32>
      %parallel_loop3A_305 = arith.cmpi slt, %parallel_loop3A_302, %parallel_loop3A_290 : vector<16xi32>
      %parallel_loop3A_306 = arith.andi %parallel_loop3A_304, %parallel_loop3A_305 : vector<16xi1>
      %parallel_loop3A_307 = arith.ori %parallel_loop3A_303, %parallel_loop3A_306 : vector<16xi1>
      %parallel_loop3A_308 = arith.select %parallel_loop3A_307, %parallel_loop3A_296, %parallel_loop3A_289 : vector<16xi1>, vector<16xf32>
      %parallel_loop3A_309 = arith.select %parallel_loop3A_307, %parallel_loop3A_302, %parallel_loop3A_290 : vector<16xi1>, vector<16xi32>
      %parallel_loop3A_310 = arith.cmpf oeq, %parallel_loop3A_232, %parallel_loop3A_308 : vector<16xf32>
      %parallel_loop3A_311 = arith.cmpi eq, %parallel_loop3A_233, %parallel_loop3A_309 : vector<16xi32>
      %parallel_loop3A_312 = arith.andi %parallel_loop3A_310, %parallel_loop3A_311 : vector<16xi1>
      %parallel_loop3A_313 = arith.constant 0 : i32
      %parallel_loop3A_314 = vector.broadcast %parallel_loop3A_313 : i32 to vector<16xi32>
      %parallel_loop3A_315 = arith.cmpi eq, %iota3A, %parallel_loop3A_314 : vector<16xi32>
      %parallel_loop3A_316 = vector.broadcast %parallel_loop3A_226 : i32 to vector<16xi32>
      tpu.vector_store_idx %arg9[%parallel_loop3A_316], %parallel_loop3A_308 masked %parallel_loop3A_315 : memref<64xf32, #tpu.memory_space<vmem>>[vector<16xi32>], vector<16xf32>, vector<16xi1>
      tpu.vector_store_idx %arg11[%parallel_loop3A_316], %parallel_loop3A_309 masked %parallel_loop3A_315 : memref<64xi32, #tpu.memory_space<vmem>>[vector<16xi32>], vector<16xi32>, vector<16xi1>
      %parallel_loop3A_317 = arith.extui %parallel_loop3A_312 : vector<16xi1> to vector<16xi32>
      %parallel_loop3A_318 = arith.addi %parallel_loop3A_227, %parallel_loop3A_317 : vector<16xi32>
      scf.yield %parallel_loop3A_318 : vector<16xi32>
    } {sc.loop_unroll_factor = 1 : i64, sc.parallel_access}
    %dma_start3A_96 = arith.constant 0 : i32
    %dma_start3A_97 = tpu.memref_slice %arg3[%add3A_27, %dma_start3A_96] : memref<64x64xf32, #tpu.memory_space<hbm>> -> memref<1x64xf32, #tpu.memory_space<hbm>>
    %dma_start3A_98 = tpu.memref_squeeze %dma_start3A_97 : memref<1x64xf32, #tpu.memory_space<hbm>> -> memref<64xf32, #tpu.memory_space<hbm>>
    %dma_start3A_99 = arith.constant 0 : i32
    %dma_start3A_100 = tpu.memref_slice %arg3[%add3A_27, %dma_start3A_99] : memref<64x64xf32, #tpu.memory_space<hbm>> -> memref<1x64xf32, #tpu.memory_space<hbm>>
    %dma_start3A_101 = tpu.memref_squeeze %dma_start3A_100 : memref<1x64xf32, #tpu.memory_space<hbm>> -> memref<64xf32, #tpu.memory_space<hbm>>
    tpu.enqueue_dma source(%arg9 : memref<64xf32, #tpu.memory_space<vmem>>) target(%dma_start3A_101 : memref<64xf32, #tpu.memory_space<hbm>>) target_semaphore(%arg14 : memref<!tpu.dma_semaphore, #tpu.memory_space<semaphore_mem>>)
    %dma_start3A_102 = arith.constant 0 : i32
    %dma_start3A_103 = tpu.memref_slice %arg4[%add3A_27, %dma_start3A_102] : memref<64x64xi32, #tpu.memory_space<hbm>> -> memref<1x64xi32, #tpu.memory_space<hbm>>
    %dma_start3A_104 = tpu.memref_squeeze %dma_start3A_103 : memref<1x64xi32, #tpu.memory_space<hbm>> -> memref<64xi32, #tpu.memory_space<hbm>>
    %dma_start3A_105 = arith.constant 0 : i32
    %dma_start3A_106 = tpu.memref_slice %arg4[%add3A_27, %dma_start3A_105] : memref<64x64xi32, #tpu.memory_space<hbm>> -> memref<1x64xi32, #tpu.memory_space<hbm>>
    %dma_start3A_107 = tpu.memref_squeeze %dma_start3A_106 : memref<1x64xi32, #tpu.memory_space<hbm>> -> memref<64xi32, #tpu.memory_space<hbm>>
    tpu.enqueue_dma source(%arg11 : memref<64xi32, #tpu.memory_space<vmem>>) target(%dma_start3A_107 : memref<64xi32, #tpu.memory_space<hbm>>) target_semaphore(%arg14 : memref<!tpu.dma_semaphore, #tpu.memory_space<semaphore_mem>>)
    %add3A_108 = arith.constant 32 : i32
    %add3A_109 = arith.addi %add3A_108, %add3A : i32
    %dma_wait3A_110 = arith.constant 0 : i32
    %dma_wait3A_111 = tpu.memref_slice %arg2[%add3A_19, %dma_wait3A_110] : memref<64x32768xf32, #tpu.memory_space<hbm>> -> memref<1x32768xf32, #tpu.memory_space<hbm>>
    %dma_wait3A_112 = tpu.memref_squeeze %dma_wait3A_111 : memref<1x32768xf32, #tpu.memory_space<hbm>> -> memref<32768xf32, #tpu.memory_space<hbm>>
    %dma_wait3A_113 = arith.constant 0 : i32
    %dma_wait3A_114 = tpu.memref_slice %arg2[%add3A_19, %dma_wait3A_113] : memref<64x32768xf32, #tpu.memory_space<hbm>> -> memref<1x32768xf32, #tpu.memory_space<hbm>>
    %dma_wait3A_115 = tpu.memref_squeeze %dma_wait3A_114 : memref<1x32768xf32, #tpu.memory_space<hbm>> -> memref<32768xf32, #tpu.memory_space<hbm>>
    tpu.wait_dma2 semaphore(%arg15 : memref<!tpu.dma_semaphore, #tpu.memory_space<semaphore_mem>>) src(%dma_wait3A_115 : memref<32768xf32, #tpu.memory_space<hbm>>) dst(%arg6 : memref<32768xf32, #tpu.memory_space<vmem>>)
    %broadcast_in_dim3A_116 = arith.constant 0x7F800000 : f32
    %broadcast_in_dim3A_117 = vector.broadcast %broadcast_in_dim3A_116 : f32 to vector<16xf32>
    %parallel_loop3A_118 = arith.constant 0 : i32
    %parallel_loop3A_119 = arith.constant 64 : i32
    %parallel_loop3A_120 = arith.constant 1 : i32
    %parallel_loop3A_121:2 = scf.for %parallel_loop3A_226 = %parallel_loop3A_118 to %parallel_loop3A_119 step %parallel_loop3A_120 iter_args(%parallel_loop3A_227 = %broadcast_in_dim3A_117, %parallel_loop3A_228 = %broadcast_in_dim3A_1) -> (vector<16xf32>, vector<16xf32>)  : i32 {
      %parallel_loop3A_229 = arith.constant 512 : i32
      %parallel_loop3A_230 = arith.muli %parallel_loop3A_226, %parallel_loop3A_229 : i32
      %parallel_loop3A_231 = arith.constant 0 : i32
      %parallel_loop3A_232 = arith.addi %parallel_loop3A_230, %parallel_loop3A_231 : i32
      %parallel_loop3A_233 = arith.index_cast %parallel_loop3A_232 : i32 to index
      %parallel_loop3A_234 = tpu.vector_load %arg6[%parallel_loop3A_233] {strides = array<i32>} : memref<32768xf32, #tpu.memory_space<vmem>>, vector<16xf32>,
      %parallel_loop3A_235 = arith.maximumf %broadcast_in_dim3A_1, %parallel_loop3A_234 : vector<16xf32>
      %parallel_loop3A_236 = arith.constant 512 : i32
      %parallel_loop3A_237 = arith.muli %parallel_loop3A_226, %parallel_loop3A_236 : i32
      %parallel_loop3A_238 = arith.constant 16 : i32
      %parallel_loop3A_239 = arith.addi %parallel_loop3A_237, %parallel_loop3A_238 : i32
      %parallel_loop3A_240 = arith.index_cast %parallel_loop3A_239 : i32 to index
      %parallel_loop3A_241 = tpu.vector_load %arg6[%parallel_loop3A_240] {strides = array<i32>} : memref<32768xf32, #tpu.memory_space<vmem>>, vector<16xf32>,
      %parallel_loop3A_242 = arith.maximumf %broadcast_in_dim3A_1, %parallel_loop3A_241 : vector<16xf32>
      %parallel_loop3A_243 = arith.constant 512 : i32
      %parallel_loop3A_244 = arith.muli %parallel_loop3A_226, %parallel_loop3A_243 : i32
      %parallel_loop3A_245 = arith.constant 32 : i32
      %parallel_loop3A_246 = arith.addi %parallel_loop3A_244, %parallel_loop3A_245 : i32
      %parallel_loop3A_247 = arith.index_cast %parallel_loop3A_246 : i32 to index
      %parallel_loop3A_248 = tpu.vector_load %arg6[%parallel_loop3A_247] {strides = array<i32>} : memref<32768xf32, #tpu.memory_space<vmem>>, vector<16xf32>,
      %parallel_loop3A_249 = arith.maximumf %broadcast_in_dim3A_1, %parallel_loop3A_248 : vector<16xf32>
      %parallel_loop3A_250 = arith.constant 512 : i32
      %parallel_loop3A_251 = arith.muli %parallel_loop3A_226, %parallel_loop3A_250 : i32
      %parallel_loop3A_252 = arith.constant 48 : i32
      %parallel_loop3A_253 = arith.addi %parallel_loop3A_251, %parallel_loop3A_252 : i32
      %parallel_loop3A_254 = arith.index_cast %parallel_loop3A_253 : i32 to index
      %parallel_loop3A_255 = tpu.vector_load %arg6[%parallel_loop3A_254] {strides = array<i32>} : memref<32768xf32, #tpu.memory_space<vmem>>, vector<16xf32>,
      %parallel_loop3A_256 = arith.maximumf %broadcast_in_dim3A_1, %parallel_loop3A_255 : vector<16xf32>
      %parallel_loop3A_257 = arith.constant 512 : i32
      %parallel_loop3A_258 = arith.muli %parallel_loop3A_226, %parallel_loop3A_257 : i32
      %parallel_loop3A_259 = arith.constant 64 : i32
      %parallel_loop3A_260 = arith.addi %parallel_loop3A_258, %parallel_loop3A_259 : i32
      %parallel_loop3A_261 = arith.index_cast %parallel_loop3A_260 : i32 to index
      %parallel_loop3A_262 = tpu.vector_load %arg6[%parallel_loop3A_261] {strides = array<i32>} : memref<32768xf32, #tpu.memory_space<vmem>>, vector<16xf32>,
      %parallel_loop3A_263 = arith.maximumf %parallel_loop3A_235, %parallel_loop3A_262 : vector<16xf32>
      %parallel_loop3A_264 = arith.constant 512 : i32
      %parallel_loop3A_265 = arith.muli %parallel_loop3A_226, %parallel_loop3A_264 : i32
      %parallel_loop3A_266 = arith.constant 80 : i32
      %parallel_loop3A_267 = arith.addi %parallel_loop3A_265, %parallel_loop3A_266 : i32
      %parallel_loop3A_268 = arith.index_cast %parallel_loop3A_267 : i32 to index
      %parallel_loop3A_269 = tpu.vector_load %arg6[%parallel_loop3A_268] {strides = array<i32>} : memref<32768xf32, #tpu.memory_space<vmem>>, vector<16xf32>,
      %parallel_loop3A_270 = arith.maximumf %parallel_loop3A_242, %parallel_loop3A_269 : vector<16xf32>
      %parallel_loop3A_271 = arith.constant 512 : i32
      %parallel_loop3A_272 = arith.muli %parallel_loop3A_226, %parallel_loop3A_271 : i32
      %parallel_loop3A_273 = arith.constant 96 : i32
      %parallel_loop3A_274 = arith.addi %parallel_loop3A_272, %parallel_loop3A_273 : i32
      %parallel_loop3A_275 = arith.index_cast %parallel_loop3A_274 : i32 to index
      %parallel_loop3A_276 = tpu.vector_load %arg6[%parallel_loop3A_275] {strides = array<i32>} : memref<32768xf32, #tpu.memory_space<vmem>>, vector<16xf32>,
      %parallel_loop3A_277 = arith.maximumf %parallel_loop3A_249, %parallel_loop3A_276 : vector<16xf32>
      %parallel_loop3A_278 = arith.constant 512 : i32
      %parallel_loop3A_279 = arith.muli %parallel_loop3A_226, %parallel_loop3A_278 : i32
      %parallel_loop3A_280 = arith.constant 112 : i32
      %parallel_loop3A_281 = arith.addi %parallel_loop3A_279, %parallel_loop3A_280 : i32
      %parallel_loop3A_282 = arith.index_cast %parallel_loop3A_281 : i32 to index
      %parallel_loop3A_283 = tpu.vector_load %arg6[%parallel_loop3A_282] {strides = array<i32>} : memref<32768xf32, #tpu.memory_space<vmem>>, vector<16xf32>,
      %parallel_loop3A_284 = arith.maximumf %parallel_loop3A_256, %parallel_loop3A_283 : vector<16xf32>
      %parallel_loop3A_285 = arith.constant 512 : i32
      %parallel_loop3A_286 = arith.muli %parallel_loop3A_226, %parallel_loop3A_285 : i32
      %parallel_loop3A_287 = arith.constant 128 : i32
      %parallel_loop3A_288 = arith.addi %parallel_loop3A_286, %parallel_loop3A_287 : i32
      %parallel_loop3A_289 = arith.index_cast %parallel_loop3A_288 : i32 to index
      %parallel_loop3A_290 = tpu.vector_load %arg6[%parallel_loop3A_289] {strides = array<i32>} : memref<32768xf32, #tpu.memory_space<vmem>>, vector<16xf32>,
      %parallel_loop3A_291 = arith.maximumf %parallel_loop3A_263, %parallel_loop3A_290 : vector<16xf32>
      %parallel_loop3A_292 = arith.constant 512 : i32
      %parallel_loop3A_293 = arith.muli %parallel_loop3A_226, %parallel_loop3A_292 : i32
      %parallel_loop3A_294 = arith.constant 144 : i32
      %parallel_loop3A_295 = arith.addi %parallel_loop3A_293, %parallel_loop3A_294 : i32
      %parallel_loop3A_296 = arith.index_cast %parallel_loop3A_295 : i32 to index
      %parallel_loop3A_297 = tpu.vector_load %arg6[%parallel_loop3A_296] {strides = array<i32>} : memref<32768xf32, #tpu.memory_space<vmem>>, vector<16xf32>,
      %parallel_loop3A_298 = arith.maximumf %parallel_loop3A_270, %parallel_loop3A_297 : vector<16xf32>
      %parallel_loop3A_299 = arith.constant 512 : i32
      %parallel_loop3A_300 = arith.muli %parallel_loop3A_226, %parallel_loop3A_299 : i32
      %parallel_loop3A_301 = arith.constant 160 : i32
      %parallel_loop3A_302 = arith.addi %parallel_loop3A_300, %parallel_loop3A_301 : i32
      %parallel_loop3A_303 = arith.index_cast %parallel_loop3A_302 : i32 to index
      %parallel_loop3A_304 = tpu.vector_load %arg6[%parallel_loop3A_303] {strides = array<i32>} : memref<32768xf32, #tpu.memory_space<vmem>>, vector<16xf32>,
      %parallel_loop3A_305 = arith.maximumf %parallel_loop3A_277, %parallel_loop3A_304 : vector<16xf32>
      %parallel_loop3A_306 = arith.constant 512 : i32
      %parallel_loop3A_307 = arith.muli %parallel_loop3A_226, %parallel_loop3A_306 : i32
      %parallel_loop3A_308 = arith.constant 176 : i32
      %parallel_loop3A_309 = arith.addi %parallel_loop3A_307, %parallel_loop3A_308 : i32
      %parallel_loop3A_310 = arith.index_cast %parallel_loop3A_309 : i32 to index
      %parallel_loop3A_311 = tpu.vector_load %arg6[%parallel_loop3A_310] {strides = array<i32>} : memref<32768xf32, #tpu.memory_space<vmem>>, vector<16xf32>,
      %parallel_loop3A_312 = arith.maximumf %parallel_loop3A_284, %parallel_loop3A_311 : vector<16xf32>
      %parallel_loop3A_313 = arith.constant 512 : i32
      %parallel_loop3A_314 = arith.muli %parallel_loop3A_226, %parallel_loop3A_313 : i32
      %parallel_loop3A_315 = arith.constant 192 : i32
      %parallel_loop3A_316 = arith.addi %parallel_loop3A_314, %parallel_loop3A_315 : i32
      %parallel_loop3A_317 = arith.index_cast %parallel_loop3A_316 : i32 to index
      %parallel_loop3A_318 = tpu.vector_load %arg6[%parallel_loop3A_317] {strides = array<i32>} : memref<32768xf32, #tpu.memory_space<vmem>>, vector<16xf32>,
      %parallel_loop3A_319 = arith.maximumf %parallel_loop3A_291, %parallel_loop3A_318 : vector<16xf32>
      %parallel_loop3A_320 = arith.constant 512 : i32
      %parallel_loop3A_321 = arith.muli %parallel_loop3A_226, %parallel_loop3A_320 : i32
      %parallel_loop3A_322 = arith.constant 208 : i32
      %parallel_loop3A_323 = arith.addi %parallel_loop3A_321, %parallel_loop3A_322 : i32
      %parallel_loop3A_324 = arith.index_cast %parallel_loop3A_323 : i32 to index
      %parallel_loop3A_325 = tpu.vector_load %arg6[%parallel_loop3A_324] {strides = array<i32>} : memref<32768xf32, #tpu.memory_space<vmem>>, vector<16xf32>,
      %parallel_loop3A_326 = arith.maximumf %parallel_loop3A_298, %parallel_loop3A_325 : vector<16xf32>
      %parallel_loop3A_327 = arith.constant 512 : i32
      %parallel_loop3A_328 = arith.muli %parallel_loop3A_226, %parallel_loop3A_327 : i32
      %parallel_loop3A_329 = arith.constant 224 : i32
      %parallel_loop3A_330 = arith.addi %parallel_loop3A_328, %parallel_loop3A_329 : i32
      %parallel_loop3A_331 = arith.index_cast %parallel_loop3A_330 : i32 to index
      %parallel_loop3A_332 = tpu.vector_load %arg6[%parallel_loop3A_331] {strides = array<i32>} : memref<32768xf32, #tpu.memory_space<vmem>>, vector<16xf32>,
      %parallel_loop3A_333 = arith.maximumf %parallel_loop3A_305, %parallel_loop3A_332 : vector<16xf32>
      %parallel_loop3A_334 = arith.constant 512 : i32
      %parallel_loop3A_335 = arith.muli %parallel_loop3A_226, %parallel_loop3A_334 : i32
      %parallel_loop3A_336 = arith.constant 240 : i32
      %parallel_loop3A_337 = arith.addi %parallel_loop3A_335, %parallel_loop3A_336 : i32
      %parallel_loop3A_338 = arith.index_cast %parallel_loop3A_337 : i32 to index
      %parallel_loop3A_339 = tpu.vector_load %arg6[%parallel_loop3A_338] {strides = array<i32>} : memref<32768xf32, #tpu.memory_space<vmem>>, vector<16xf32>,
      %parallel_loop3A_340 = arith.maximumf %parallel_loop3A_312, %parallel_loop3A_339 : vector<16xf32>
      %parallel_loop3A_341 = arith.constant 512 : i32
      %parallel_loop3A_342 = arith.muli %parallel_loop3A_226, %parallel_loop3A_341 : i32
      %parallel_loop3A_343 = arith.constant 256 : i32
      %parallel_loop3A_344 = arith.addi %parallel_loop3A_342, %parallel_loop3A_343 : i32
      %parallel_loop3A_345 = arith.index_cast %parallel_loop3A_344 : i32 to index
      %parallel_loop3A_346 = tpu.vector_load %arg6[%parallel_loop3A_345] {strides = array<i32>} : memref<32768xf32, #tpu.memory_space<vmem>>, vector<16xf32>,
      %parallel_loop3A_347 = arith.maximumf %parallel_loop3A_319, %parallel_loop3A_346 : vector<16xf32>
      %parallel_loop3A_348 = arith.constant 512 : i32
      %parallel_loop3A_349 = arith.muli %parallel_loop3A_226, %parallel_loop3A_348 : i32
      %parallel_loop3A_350 = arith.constant 272 : i32
      %parallel_loop3A_351 = arith.addi %parallel_loop3A_349, %parallel_loop3A_350 : i32
      %parallel_loop3A_352 = arith.index_cast %parallel_loop3A_351 : i32 to index
      %parallel_loop3A_353 = tpu.vector_load %arg6[%parallel_loop3A_352] {strides = array<i32>} : memref<32768xf32, #tpu.memory_space<vmem>>, vector<16xf32>,
      %parallel_loop3A_354 = arith.maximumf %parallel_loop3A_326, %parallel_loop3A_353 : vector<16xf32>
      %parallel_loop3A_355 = arith.constant 512 : i32
      %parallel_loop3A_356 = arith.muli %parallel_loop3A_226, %parallel_loop3A_355 : i32
      %parallel_loop3A_357 = arith.constant 288 : i32
      %parallel_loop3A_358 = arith.addi %parallel_loop3A_356, %parallel_loop3A_357 : i32
      %parallel_loop3A_359 = arith.index_cast %parallel_loop3A_358 : i32 to index
      %parallel_loop3A_360 = tpu.vector_load %arg6[%parallel_loop3A_359] {strides = array<i32>} : memref<32768xf32, #tpu.memory_space<vmem>>, vector<16xf32>,
      %parallel_loop3A_361 = arith.maximumf %parallel_loop3A_333, %parallel_loop3A_360 : vector<16xf32>
      %parallel_loop3A_362 = arith.constant 512 : i32
      %parallel_loop3A_363 = arith.muli %parallel_loop3A_226, %parallel_loop3A_362 : i32
      %parallel_loop3A_364 = arith.constant 304 : i32
      %parallel_loop3A_365 = arith.addi %parallel_loop3A_363, %parallel_loop3A_364 : i32
      %parallel_loop3A_366 = arith.index_cast %parallel_loop3A_365 : i32 to index
      %parallel_loop3A_367 = tpu.vector_load %arg6[%parallel_loop3A_366] {strides = array<i32>} : memref<32768xf32, #tpu.memory_space<vmem>>, vector<16xf32>,
      %parallel_loop3A_368 = arith.maximumf %parallel_loop3A_340, %parallel_loop3A_367 : vector<16xf32>
      %parallel_loop3A_369 = arith.constant 512 : i32
      %parallel_loop3A_370 = arith.muli %parallel_loop3A_226, %parallel_loop3A_369 : i32
      %parallel_loop3A_371 = arith.constant 320 : i32
      %parallel_loop3A_372 = arith.addi %parallel_loop3A_370, %parallel_loop3A_371 : i32
      %parallel_loop3A_373 = arith.index_cast %parallel_loop3A_372 : i32 to index
      %parallel_loop3A_374 = tpu.vector_load %arg6[%parallel_loop3A_373] {strides = array<i32>} : memref<32768xf32, #tpu.memory_space<vmem>>, vector<16xf32>,
      %parallel_loop3A_375 = arith.maximumf %parallel_loop3A_347, %parallel_loop3A_374 : vector<16xf32>
      %parallel_loop3A_376 = arith.constant 512 : i32
      %parallel_loop3A_377 = arith.muli %parallel_loop3A_226, %parallel_loop3A_376 : i32
      %parallel_loop3A_378 = arith.constant 336 : i32
      %parallel_loop3A_379 = arith.addi %parallel_loop3A_377, %parallel_loop3A_378 : i32
      %parallel_loop3A_380 = arith.index_cast %parallel_loop3A_379 : i32 to index
      %parallel_loop3A_381 = tpu.vector_load %arg6[%parallel_loop3A_380] {strides = array<i32>} : memref<32768xf32, #tpu.memory_space<vmem>>, vector<16xf32>,
      %parallel_loop3A_382 = arith.maximumf %parallel_loop3A_354, %parallel_loop3A_381 : vector<16xf32>
      %parallel_loop3A_383 = arith.constant 512 : i32
      %parallel_loop3A_384 = arith.muli %parallel_loop3A_226, %parallel_loop3A_383 : i32
      %parallel_loop3A_385 = arith.constant 352 : i32
      %parallel_loop3A_386 = arith.addi %parallel_loop3A_384, %parallel_loop3A_385 : i32
      %parallel_loop3A_387 = arith.index_cast %parallel_loop3A_386 : i32 to index
      %parallel_loop3A_388 = tpu.vector_load %arg6[%parallel_loop3A_387] {strides = array<i32>} : memref<32768xf32, #tpu.memory_space<vmem>>, vector<16xf32>,
      %parallel_loop3A_389 = arith.maximumf %parallel_loop3A_361, %parallel_loop3A_388 : vector<16xf32>
      %parallel_loop3A_390 = arith.constant 512 : i32
      %parallel_loop3A_391 = arith.muli %parallel_loop3A_226, %parallel_loop3A_390 : i32
      %parallel_loop3A_392 = arith.constant 368 : i32
      %parallel_loop3A_393 = arith.addi %parallel_loop3A_391, %parallel_loop3A_392 : i32
      %parallel_loop3A_394 = arith.index_cast %parallel_loop3A_393 : i32 to index
      %parallel_loop3A_395 = tpu.vector_load %arg6[%parallel_loop3A_394] {strides = array<i32>} : memref<32768xf32, #tpu.memory_space<vmem>>, vector<16xf32>,
      %parallel_loop3A_396 = arith.maximumf %parallel_loop3A_368, %parallel_loop3A_395 : vector<16xf32>
      %parallel_loop3A_397 = arith.constant 512 : i32
      %parallel_loop3A_398 = arith.muli %parallel_loop3A_226, %parallel_loop3A_397 : i32
      %parallel_loop3A_399 = arith.constant 384 : i32
      %parallel_loop3A_400 = arith.addi %parallel_loop3A_398, %parallel_loop3A_399 : i32
      %parallel_loop3A_401 = arith.index_cast %parallel_loop3A_400 : i32 to index
      %parallel_loop3A_402 = tpu.vector_load %arg6[%parallel_loop3A_401] {strides = array<i32>} : memref<32768xf32, #tpu.memory_space<vmem>>, vector<16xf32>,
      %parallel_loop3A_403 = arith.maximumf %parallel_loop3A_375, %parallel_loop3A_402 : vector<16xf32>
      %parallel_loop3A_404 = arith.constant 512 : i32
      %parallel_loop3A_405 = arith.muli %parallel_loop3A_226, %parallel_loop3A_404 : i32
      %parallel_loop3A_406 = arith.constant 400 : i32
      %parallel_loop3A_407 = arith.addi %parallel_loop3A_405, %parallel_loop3A_406 : i32
      %parallel_loop3A_408 = arith.index_cast %parallel_loop3A_407 : i32 to index
      %parallel_loop3A_409 = tpu.vector_load %arg6[%parallel_loop3A_408] {strides = array<i32>} : memref<32768xf32, #tpu.memory_space<vmem>>, vector<16xf32>,
      %parallel_loop3A_410 = arith.maximumf %parallel_loop3A_382, %parallel_loop3A_409 : vector<16xf32>
      %parallel_loop3A_411 = arith.constant 512 : i32
      %parallel_loop3A_412 = arith.muli %parallel_loop3A_226, %parallel_loop3A_411 : i32
      %parallel_loop3A_413 = arith.constant 416 : i32
      %parallel_loop3A_414 = arith.addi %parallel_loop3A_412, %parallel_loop3A_413 : i32
      %parallel_loop3A_415 = arith.index_cast %parallel_loop3A_414 : i32 to index
      %parallel_loop3A_416 = tpu.vector_load %arg6[%parallel_loop3A_415] {strides = array<i32>} : memref<32768xf32, #tpu.memory_space<vmem>>, vector<16xf32>,
      %parallel_loop3A_417 = arith.maximumf %parallel_loop3A_389, %parallel_loop3A_416 : vector<16xf32>
      %parallel_loop3A_418 = arith.constant 512 : i32
      %parallel_loop3A_419 = arith.muli %parallel_loop3A_226, %parallel_loop3A_418 : i32
      %parallel_loop3A_420 = arith.constant 432 : i32
      %parallel_loop3A_421 = arith.addi %parallel_loop3A_419, %parallel_loop3A_420 : i32
      %parallel_loop3A_422 = arith.index_cast %parallel_loop3A_421 : i32 to index
      %parallel_loop3A_423 = tpu.vector_load %arg6[%parallel_loop3A_422] {strides = array<i32>} : memref<32768xf32, #tpu.memory_space<vmem>>, vector<16xf32>,
      %parallel_loop3A_424 = arith.maximumf %parallel_loop3A_396, %parallel_loop3A_423 : vector<16xf32>
      %parallel_loop3A_425 = arith.constant 512 : i32
      %parallel_loop3A_426 = arith.muli %parallel_loop3A_226, %parallel_loop3A_425 : i32
      %parallel_loop3A_427 = arith.constant 448 : i32
      %parallel_loop3A_428 = arith.addi %parallel_loop3A_426, %parallel_loop3A_427 : i32
      %parallel_loop3A_429 = arith.index_cast %parallel_loop3A_428 : i32 to index
      %parallel_loop3A_430 = tpu.vector_load %arg6[%parallel_loop3A_429] {strides = array<i32>} : memref<32768xf32, #tpu.memory_space<vmem>>, vector<16xf32>,
      %parallel_loop3A_431 = arith.maximumf %parallel_loop3A_403, %parallel_loop3A_430 : vector<16xf32>
      %parallel_loop3A_432 = arith.constant 512 : i32
      %parallel_loop3A_433 = arith.muli %parallel_loop3A_226, %parallel_loop3A_432 : i32
      %parallel_loop3A_434 = arith.constant 464 : i32
      %parallel_loop3A_435 = arith.addi %parallel_loop3A_433, %parallel_loop3A_434 : i32
      %parallel_loop3A_436 = arith.index_cast %parallel_loop3A_435 : i32 to index
      %parallel_loop3A_437 = tpu.vector_load %arg6[%parallel_loop3A_436] {strides = array<i32>} : memref<32768xf32, #tpu.memory_space<vmem>>, vector<16xf32>,
      %parallel_loop3A_438 = arith.maximumf %parallel_loop3A_410, %parallel_loop3A_437 : vector<16xf32>
      %parallel_loop3A_439 = arith.constant 512 : i32
      %parallel_loop3A_440 = arith.muli %parallel_loop3A_226, %parallel_loop3A_439 : i32
      %parallel_loop3A_441 = arith.constant 480 : i32
      %parallel_loop3A_442 = arith.addi %parallel_loop3A_440, %parallel_loop3A_441 : i32
      %parallel_loop3A_443 = arith.index_cast %parallel_loop3A_442 : i32 to index
      %parallel_loop3A_444 = tpu.vector_load %arg6[%parallel_loop3A_443] {strides = array<i32>} : memref<32768xf32, #tpu.memory_space<vmem>>, vector<16xf32>,
      %parallel_loop3A_445 = arith.maximumf %parallel_loop3A_417, %parallel_loop3A_444 : vector<16xf32>
      %parallel_loop3A_446 = arith.constant 512 : i32
      %parallel_loop3A_447 = arith.muli %parallel_loop3A_226, %parallel_loop3A_446 : i32
      %parallel_loop3A_448 = arith.constant 496 : i32
      %parallel_loop3A_449 = arith.addi %parallel_loop3A_447, %parallel_loop3A_448 : i32
      %parallel_loop3A_450 = arith.index_cast %parallel_loop3A_449 : i32 to index
      %parallel_loop3A_451 = tpu.vector_load %arg6[%parallel_loop3A_450] {strides = array<i32>} : memref<32768xf32, #tpu.memory_space<vmem>>, vector<16xf32>,
      %parallel_loop3A_452 = arith.maximumf %parallel_loop3A_424, %parallel_loop3A_451 : vector<16xf32>
      %parallel_loop3A_453 = arith.maximumf %parallel_loop3A_431, %parallel_loop3A_438 : vector<16xf32>
      %parallel_loop3A_454 = arith.maximumf %parallel_loop3A_445, %parallel_loop3A_452 : vector<16xf32>
      %parallel_loop3A_455 = arith.maximumf %parallel_loop3A_453, %parallel_loop3A_454 : vector<16xf32>
      %parallel_loop3A_456 = arith.constant 16 : i32
      %parallel_loop3A_457 = arith.muli %parallel_loop3A_226, %parallel_loop3A_456 : i32
      %parallel_loop3A_458 = arith.index_cast %parallel_loop3A_457 : i32 to index
      %parallel_loop3A_459 = tpu.vector_load %arg13[%parallel_loop3A_458] {strides = array<i32>} : memref<1024xf32, #tpu.memory_space<vmem>>, vector<16xf32>,
      tpu.vector_store %arg13[%parallel_loop3A_458], %parallel_loop3A_455 {strides = array<i32>} : memref<1024xf32, #tpu.memory_space<vmem>>, vector<16xf32>,
      %parallel_loop3A_460 = arith.constant 8 : i32
      %parallel_loop3A_461 = vector.broadcast %parallel_loop3A_460 : i32 to vector<16xi32>
      %parallel_loop3A_462 = arith.xori %iota3A, %parallel_loop3A_461 : vector<16xi32>
      %parallel_loop3A_463 = vector.shape_cast %parallel_loop3A_462 : vector<16xi32> to vector<16x1xi32>
      %parallel_loop3A_464 = vector.shape_cast %parallel_loop3A_463 : vector<16x1xi32> to vector<16xi32>
      %parallel_loop3A_465 = tpu.dynamic_gather %parallel_loop3A_455[%parallel_loop3A_464] in [0] : vector<16xf32>, vector<16xi32> -> vector<16xf32>
      %parallel_loop3A_466 = arith.maximumf %parallel_loop3A_455, %parallel_loop3A_465 : vector<16xf32>
      %parallel_loop3A_467 = arith.constant 4 : i32
      %parallel_loop3A_468 = vector.broadcast %parallel_loop3A_467 : i32 to vector<16xi32>
      %parallel_loop3A_469 = arith.xori %iota3A, %parallel_loop3A_468 : vector<16xi32>
      %parallel_loop3A_470 = vector.shape_cast %parallel_loop3A_469 : vector<16xi32> to vector<16x1xi32>
      %parallel_loop3A_471 = vector.shape_cast %parallel_loop3A_470 : vector<16x1xi32> to vector<16xi32>
      %parallel_loop3A_472 = tpu.dynamic_gather %parallel_loop3A_466[%parallel_loop3A_471] in [0] : vector<16xf32>, vector<16xi32> -> vector<16xf32>
      %parallel_loop3A_473 = arith.maximumf %parallel_loop3A_466, %parallel_loop3A_472 : vector<16xf32>
      %parallel_loop3A_474 = arith.constant 2 : i32
      %parallel_loop3A_475 = vector.broadcast %parallel_loop3A_474 : i32 to vector<16xi32>
      %parallel_loop3A_476 = arith.xori %iota3A, %parallel_loop3A_475 : vector<16xi32>
      %parallel_loop3A_477 = vector.shape_cast %parallel_loop3A_476 : vector<16xi32> to vector<16x1xi32>
      %parallel_loop3A_478 = vector.shape_cast %parallel_loop3A_477 : vector<16x1xi32> to vector<16xi32>
      %parallel_loop3A_479 = tpu.dynamic_gather %parallel_loop3A_473[%parallel_loop3A_478] in [0] : vector<16xf32>, vector<16xi32> -> vector<16xf32>
      %parallel_loop3A_480 = arith.maximumf %parallel_loop3A_473, %parallel_loop3A_479 : vector<16xf32>
      %parallel_loop3A_481 = arith.constant 1 : i32
      %parallel_loop3A_482 = vector.broadcast %parallel_loop3A_481 : i32 to vector<16xi32>
      %parallel_loop3A_483 = arith.xori %iota3A, %parallel_loop3A_482 : vector<16xi32>
      %parallel_loop3A_484 = vector.shape_cast %parallel_loop3A_483 : vector<16xi32> to vector<16x1xi32>
      %parallel_loop3A_485 = vector.shape_cast %parallel_loop3A_484 : vector<16x1xi32> to vector<16xi32>
      %parallel_loop3A_486 = tpu.dynamic_gather %parallel_loop3A_480[%parallel_loop3A_485] in [0] : vector<16xf32>, vector<16xi32> -> vector<16xf32>
      %parallel_loop3A_487 = arith.maximumf %parallel_loop3A_480, %parallel_loop3A_486 : vector<16xf32>
      %parallel_loop3A_488 = arith.minimumf %parallel_loop3A_227, %parallel_loop3A_487 : vector<16xf32>
      %parallel_loop3A_489 = arith.maximumf %parallel_loop3A_228, %parallel_loop3A_487 : vector<16xf32>
      scf.yield %parallel_loop3A_488, %parallel_loop3A_489 : vector<16xf32>, vector<16xf32>
    } {sc.loop_unroll_factor = 1 : i64, sc.parallel_access}
    %scan3A_122 = arith.constant 0 : i32
    %scan3A_123 = arith.constant 4 : i32
    %scan3A_124 = arith.addi %scan3A_122, %scan3A_123 : i32
    %scan3A_125 = arith.constant 1 : i32
    %scan3A_126:2 = scf.for %scan3A_226 = %scan3A_122 to %scan3A_124 step %scan3A_125 iter_args(%scan3A_227 = %parallel_loop3A_121#0, %scan3A_228 = %parallel_loop3A_121#1) -> (vector<16xf32>, vector<16xf32>)  : i32 {
      %add3A_229 = arith.addf %scan3A_227, %scan3A_228 : vector<16xf32>
      %mul3A_230 = arith.constant 5.000000e-01 : f32
      %mul3A_231 = vector.broadcast %mul3A_230 : f32 to vector<16xf32>
      %mul3A_232 = arith.mulf %add3A_229, %mul3A_231 : vector<16xf32>
      %parallel_loop3A_233 = arith.constant 0 : i32
      %parallel_loop3A_234 = arith.constant 64 : i32
      %parallel_loop3A_235 = arith.constant 1 : i32
      %parallel_loop3A_236 = scf.for %parallel_loop3A_268 = %parallel_loop3A_233 to %parallel_loop3A_234 step %parallel_loop3A_235 iter_args(%parallel_loop3A_269 = %broadcast_in_dim3A_10) -> (vector<16xi32>)  : i32 {
        %parallel_loop3A_270 = arith.constant 16 : i32
        %parallel_loop3A_271 = arith.muli %parallel_loop3A_268, %parallel_loop3A_270 : i32
        %parallel_loop3A_272 = arith.index_cast %parallel_loop3A_271 : i32 to index
        %parallel_loop3A_273 = tpu.vector_load %arg13[%parallel_loop3A_272] {strides = array<i32>} : memref<1024xf32, #tpu.memory_space<vmem>>, vector<16xf32>,
        %parallel_loop3A_274 = arith.cmpf oge, %parallel_loop3A_273, %mul3A_232 : vector<16xf32>
        %parallel_loop3A_275 = arith.constant 1 : i32
        %parallel_loop3A_276 = vector.broadcast %parallel_loop3A_275 : i32 to vector<16xi32>
        %parallel_loop3A_277 = arith.select %parallel_loop3A_274, %parallel_loop3A_276, %broadcast_in_dim3A_10 : vector<16xi1>, vector<16xi32>
        %parallel_loop3A_278 = arith.addi %parallel_loop3A_269, %parallel_loop3A_277 : vector<16xi32>
        scf.yield %parallel_loop3A_278 : vector<16xi32>
      } {sc.loop_unroll_factor = 4 : i64, sc.parallel_access}
      %xor3A_237 = arith.constant 8 : i32
      %xor3A_238 = vector.broadcast %xor3A_237 : i32 to vector<16xi32>
      %xor3A_239 = arith.xori %iota3A, %xor3A_238 : vector<16xi32>
      %broadcast_in_dim3A_240 = vector.shape_cast %xor3A_239 : vector<16xi32> to vector<16x1xi32>
      %gather3A_241 = vector.shape_cast %broadcast_in_dim3A_240 : vector<16x1xi32> to vector<16xi32>
      %gather3A_242 = tpu.dynamic_gather %parallel_loop3A_236[%gather3A_241] in [0] : vector<16xi32>, vector<16xi32> -> vector<16xi32>
      %add3A_243 = arith.addi %parallel_loop3A_236, %gather3A_242 : vector<16xi32>
      %xor3A_244 = arith.constant 4 : i32
      %xor3A_245 = vector.broadcast %xor3A_244 : i32 to vector<16xi32>
      %xor3A_246 = arith.xori %iota3A, %xor3A_245 : vector<16xi32>
      %broadcast_in_dim3A_247 = vector.shape_cast %xor3A_246 : vector<16xi32> to vector<16x1xi32>
      %gather3A_248 = vector.shape_cast %broadcast_in_dim3A_247 : vector<16x1xi32> to vector<16xi32>
      %gather3A_249 = tpu.dynamic_gather %add3A_243[%gather3A_248] in [0] : vector<16xi32>, vector<16xi32> -> vector<16xi32>
      %add3A_250 = arith.addi %add3A_243, %gather3A_249 : vector<16xi32>
      %xor3A_251 = arith.constant 2 : i32
      %xor3A_252 = vector.broadcast %xor3A_251 : i32 to vector<16xi32>
      %xor3A_253 = arith.xori %iota3A, %xor3A_252 : vector<16xi32>
      %broadcast_in_dim3A_254 = vector.shape_cast %xor3A_253 : vector<16xi32> to vector<16x1xi32>
      %gather3A_255 = vector.shape_cast %broadcast_in_dim3A_254 : vector<16x1xi32> to vector<16xi32>
      %gather3A_256 = tpu.dynamic_gather %add3A_250[%gather3A_255] in [0] : vector<16xi32>, vector<16xi32> -> vector<16xi32>
      %add3A_257 = arith.addi %add3A_250, %gather3A_256 : vector<16xi32>
      %xor3A_258 = arith.constant 1 : i32
      %xor3A_259 = vector.broadcast %xor3A_258 : i32 to vector<16xi32>
      %xor3A_260 = arith.xori %iota3A, %xor3A_259 : vector<16xi32>
      %broadcast_in_dim3A_261 = vector.shape_cast %xor3A_260 : vector<16xi32> to vector<16x1xi32>
      %gather3A_262 = vector.shape_cast %broadcast_in_dim3A_261 : vector<16x1xi32> to vector<16xi32>
      %gather3A_263 = tpu.dynamic_gather %add3A_257[%gather3A_262] in [0] : vector<16xi32>, vector<16xi32> -> vector<16xi32>
      %add3A_264 = arith.addi %add3A_257, %gather3A_263 : vector<16xi32>
      %broadcast_in_dim3A_265 = arith.constant 64 : i32
      %broadcast_in_dim3A_266 = vector.broadcast %broadcast_in_dim3A_265 : i32 to vector<16xi32>
      %ge3A = arith.cmpi sge, %add3A_264, %broadcast_in_dim3A_266 : vector<16xi32>
      %select_n3A = arith.select %ge3A, %mul3A_232, %scan3A_227 : vector<16xi1>, vector<16xf32>
      %select_n3A_267 = arith.select %ge3A, %scan3A_228, %mul3A_232 : vector<16xi1>, vector<16xf32>
      scf.yield %select_n3A, %select_n3A_267 : vector<16xf32>, vector<16xf32>
    }
    %scan3A_127 = arith.constant 4 : i32
    %parallel_loop3A_128 = arith.constant 0 : i32
    %parallel_loop3A_129 = arith.constant 2048 : i32
    %parallel_loop3A_130 = arith.constant 1 : i32
    %parallel_loop3A_131:2 = scf.for %parallel_loop3A_226 = %parallel_loop3A_128 to %parallel_loop3A_129 step %parallel_loop3A_130 iter_args(%parallel_loop3A_227 = %iota3A, %parallel_loop3A_228 = %iota3A) -> (vector<16xi32>, vector<16xi32>)  : i32 {
      %parallel_loop3A_229 = arith.constant 16 : i32
      %parallel_loop3A_230 = arith.muli %parallel_loop3A_226, %parallel_loop3A_229 : i32
      %parallel_loop3A_231 = arith.index_cast %parallel_loop3A_230 : i32 to index
      %parallel_loop3A_232 = tpu.vector_load %arg6[%parallel_loop3A_231] {strides = array<i32>} : memref<32768xf32, #tpu.memory_space<vmem>>, vector<16xf32>,
      %parallel_loop3A_233 = arith.cmpf oge, %parallel_loop3A_232, %scan3A_126#0 : vector<16xf32>
      %parallel_loop3A_234 = arith.minsi %parallel_loop3A_227, %add3A_6 : vector<16xi32>
      tpu.vector_store_idx %arg8[%parallel_loop3A_234], %parallel_loop3A_228 masked %parallel_loop3A_233 : memref<3072xi32, #tpu.memory_space<vmem>>[vector<16xi32>], vector<16xi32>, vector<16xi1>
      %parallel_loop3A_235 = arith.select %parallel_loop3A_233, %broadcast_in_dim3A_8, %broadcast_in_dim3A_10 : vector<16xi1>, vector<16xi32>
      %parallel_loop3A_236 = arith.addi %parallel_loop3A_227, %parallel_loop3A_235 : vector<16xi32>
      %parallel_loop3A_237 = arith.addi %parallel_loop3A_228, %broadcast_in_dim3A_8 : vector<16xi32>
      scf.yield %parallel_loop3A_236, %parallel_loop3A_237 : vector<16xi32>, vector<16xi32>
    } {sc.loop_unroll_factor = 8 : i64, sc.parallel_access}
    %xor3A_132 = arith.constant 8 : i32
    %xor3A_133 = vector.broadcast %xor3A_132 : i32 to vector<16xi32>
    %xor3A_134 = arith.xori %iota3A, %xor3A_133 : vector<16xi32>
    %broadcast_in_dim3A_135 = vector.shape_cast %xor3A_134 : vector<16xi32> to vector<16x1xi32>
    %gather3A_136 = vector.shape_cast %broadcast_in_dim3A_135 : vector<16x1xi32> to vector<16xi32>
    %gather3A_137 = tpu.dynamic_gather %parallel_loop3A_131#0[%gather3A_136] in [0] : vector<16xi32>, vector<16xi32> -> vector<16xi32>
    %max3A_138 = arith.maxsi %parallel_loop3A_131#0, %gather3A_137 : vector<16xi32>
    %xor3A_139 = arith.constant 4 : i32
    %xor3A_140 = vector.broadcast %xor3A_139 : i32 to vector<16xi32>
    %xor3A_141 = arith.xori %iota3A, %xor3A_140 : vector<16xi32>
    %broadcast_in_dim3A_142 = vector.shape_cast %xor3A_141 : vector<16xi32> to vector<16x1xi32>
    %gather3A_143 = vector.shape_cast %broadcast_in_dim3A_142 : vector<16x1xi32> to vector<16xi32>
    %gather3A_144 = tpu.dynamic_gather %max3A_138[%gather3A_143] in [0] : vector<16xi32>, vector<16xi32> -> vector<16xi32>
    %max3A_145 = arith.maxsi %max3A_138, %gather3A_144 : vector<16xi32>
    %xor3A_146 = arith.constant 2 : i32
    %xor3A_147 = vector.broadcast %xor3A_146 : i32 to vector<16xi32>
    %xor3A_148 = arith.xori %iota3A, %xor3A_147 : vector<16xi32>
    %broadcast_in_dim3A_149 = vector.shape_cast %xor3A_148 : vector<16xi32> to vector<16x1xi32>
    %gather3A_150 = vector.shape_cast %broadcast_in_dim3A_149 : vector<16x1xi32> to vector<16xi32>
    %gather3A_151 = tpu.dynamic_gather %max3A_145[%gather3A_150] in [0] : vector<16xi32>, vector<16xi32> -> vector<16xi32>
    %max3A_152 = arith.maxsi %max3A_145, %gather3A_151 : vector<16xi32>
    %xor3A_153 = arith.constant 1 : i32
    %xor3A_154 = vector.broadcast %xor3A_153 : i32 to vector<16xi32>
    %xor3A_155 = arith.xori %iota3A, %xor3A_154 : vector<16xi32>
    %broadcast_in_dim3A_156 = vector.shape_cast %xor3A_155 : vector<16xi32> to vector<16x1xi32>
    %gather3A_157 = vector.shape_cast %broadcast_in_dim3A_156 : vector<16x1xi32> to vector<16xi32>
    %gather3A_158 = tpu.dynamic_gather %max3A_152[%gather3A_157] in [0] : vector<16xi32>, vector<16xi32> -> vector<16xi32>
    %max3A_159 = arith.maxsi %max3A_152, %gather3A_158 : vector<16xi32>
    %slice3A_160 = vector.extract_strided_slice %max3A_159 {offsets = [0], sizes = [1], strides = [1]} : vector<16xi32> to vector<1xi32>
    %squeeze3A_161 = vector.extract %slice3A_160[0] : i32 from vector<1xi32>
    %shift_right_logical3A_162 = arith.constant 4 : i32
    %shift_right_logical3A_163 = arith.shrui %squeeze3A_161, %shift_right_logical3A_162 : i32
    %min3A_164 = arith.constant 191 : i32
    %min3A_165 = arith.minsi %shift_right_logical3A_163, %min3A_164 : i32
    %sub3A_166 = arith.subi %parallel_loop3A_131#0, %iota3A : vector<16xi32>
    %shift_right_logical3A_167 = arith.constant 4 : i32
    %shift_right_logical3A_168 = vector.broadcast %shift_right_logical3A_167 : i32 to vector<16xi32>
    %shift_right_logical3A_169 = arith.shrui %sub3A_166, %shift_right_logical3A_168 : vector<16xi32>
    %add3A_170 = arith.constant 1 : i32
    %add3A_171 = arith.addi %min3A_165, %add3A_170 : i32
    %parallel_loop3A_172 = arith.constant 0 : i32
    %parallel_loop3A_173 = arith.constant 1 : i32
    %parallel_loop3A_174 = arith.constant 0 : i32
    %parallel_loop3A_175 = scf.for %parallel_loop3A_226 = %parallel_loop3A_172 to %add3A_171 step %parallel_loop3A_173 iter_args(%parallel_loop3A_227 = %parallel_loop3A_174) -> (i32)  : i32 {
      %parallel_loop3A_228 = vector.broadcast %parallel_loop3A_226 : i32 to vector<16xi32>
      %parallel_loop3A_229 = arith.cmpi slt, %parallel_loop3A_228, %shift_right_logical3A_169 : vector<16xi32>
      %parallel_loop3A_230 = arith.constant 16 : i32
      %parallel_loop3A_231 = arith.muli %parallel_loop3A_226, %parallel_loop3A_230 : i32
      %parallel_loop3A_232 = arith.index_cast %parallel_loop3A_231 : i32 to index
      %parallel_loop3A_233 = tpu.vector_load %arg8[%parallel_loop3A_232] {strides = array<i32>} : memref<3072xi32, #tpu.memory_space<vmem>>, vector<16xi32>,
      %parallel_loop3A_234 = arith.select %parallel_loop3A_229, %parallel_loop3A_233, %broadcast_in_dim3A_10 : vector<16xi1>, vector<16xi32>
      %parallel_loop3A_235 = tpu.vector_load_idx %arg6[%parallel_loop3A_234] : memref<32768xf32, #tpu.memory_space<vmem>>[vector<16xi32>], vector<16xf32>,
      %parallel_loop3A_236 = arith.select %parallel_loop3A_229, %parallel_loop3A_235, %broadcast_in_dim3A_1 : vector<16xi1>, vector<16xf32>
      %parallel_loop3A_237 = arith.constant 16 : i32
      %parallel_loop3A_238 = arith.muli %parallel_loop3A_226, %parallel_loop3A_237 : i32
      %parallel_loop3A_239 = arith.index_cast %parallel_loop3A_238 : i32 to index
      %parallel_loop3A_240 = tpu.vector_load %arg7[%parallel_loop3A_239] {strides = array<i32>} : memref<3072xf32, #tpu.memory_space<vmem>>, vector<16xf32>,
      tpu.vector_store %arg7[%parallel_loop3A_239], %parallel_loop3A_236 {strides = array<i32>} : memref<3072xf32, #tpu.memory_space<vmem>>, vector<16xf32>,
      scf.yield %parallel_loop3A_227 : i32
    } {sc.loop_unroll_factor = 1 : i64, sc.parallel_access}
    %while3A_176 = arith.constant 0 : i32
    %while3A_177 = arith.constant 1 : i32
    %while3A_178 = arith.subi %min3A_165, %while3A_177 : i32
    %while3A_179 = arith.addi %while3A_177, %while3A_178 : i32
    %while3A_180 = arith.constant 1 : i32
    %while3A_181 = arith.divsi %while3A_178, %while3A_180 : i32
    %while3A_182 = arith.muli %while3A_181, %while3A_180 : i32
    %while3A_183 = arith.addi %while3A_177, %while3A_182 : i32
    %while3A_184 = arith.constant 1 : i32
    scf.for %while3A_226 = %while3A_177 to %while3A_183 step %while3A_184  : i32 {
      %mul3A_227 = arith.constant 16 : i32
      %mul3A_228 = arith.muli %while3A_226, %mul3A_227 : i32
      %get3A = arith.index_cast %mul3A_228 : i32 to index
      %get3A_229 = tpu.vector_load %arg7[%get3A] {strides = array<i32>} : memref<3072xf32, #tpu.memory_space<vmem>>, vector<16xf32>,
      %mul3A_230 = arith.constant 16 : i32
      %mul3A_231 = arith.muli %while3A_226, %mul3A_230 : i32
      %get3A_232 = arith.index_cast %mul3A_231 : i32 to index
      %get3A_233 = tpu.vector_load %arg8[%get3A_232] {strides = array<i32>} : memref<3072xi32, #tpu.memory_space<vmem>>, vector<16xi32>,
      %broadcast_in_dim3A_234 = arith.constant true
      %broadcast_in_dim3A_235 = vector.broadcast %broadcast_in_dim3A_234 : i1 to vector<16xi1>
      %while3A_236 = arith.constant 0 : i32
      %while3A_237 = arith.subi %while3A_226, %while3A_236 : i32
      %while3A_238 = arith.addi %while3A_236, %while3A_237 : i32
      %while3A_239 = arith.constant 1 : i32
      %while3A_240 = arith.divsi %while3A_237, %while3A_239 : i32
      %while3A_241 = arith.muli %while3A_240, %while3A_239 : i32
      %while3A_242 = arith.addi %while3A_236, %while3A_241 : i32
      %while3A_243 = arith.constant 1 : i32
      %while3A_244 = scf.for %while3A_247 = %while3A_236 to %while3A_242 step %while3A_243 iter_args(%while3A_248 = %broadcast_in_dim3A_235) -> (vector<16xi1>)  : i32 {
        %sub3A_249 = arith.constant 1 : i32
        %sub3A_250 = arith.subi %while3A_226, %sub3A_249 : i32
        %sub3A_251 = arith.subi %sub3A_250, %while3A_247 : i32
        %mul3A_252 = arith.constant 16 : i32
        %mul3A_253 = arith.muli %sub3A_251, %mul3A_252 : i32
        %get3A_254 = arith.index_cast %mul3A_253 : i32 to index
        %get3A_255 = tpu.vector_load %arg7[%get3A_254] {strides = array<i32>} : memref<3072xf32, #tpu.memory_space<vmem>>, vector<16xf32>,
        %mul3A_256 = arith.constant 16 : i32
        %mul3A_257 = arith.muli %sub3A_251, %mul3A_256 : i32
        %get3A_258 = arith.index_cast %mul3A_257 : i32 to index
        %get3A_259 = tpu.vector_load %arg8[%get3A_258] {strides = array<i32>} : memref<3072xi32, #tpu.memory_space<vmem>>, vector<16xi32>,
        %gt3A = arith.cmpf ogt, %get3A_229, %get3A_255 : vector<16xf32>
        %eq3A = arith.cmpf oeq, %get3A_229, %get3A_255 : vector<16xf32>
        %lt3A = arith.cmpi slt, %get3A_233, %get3A_259 : vector<16xi32>
        %and3A = arith.andi %eq3A, %lt3A : vector<16xi1>
        %or3A = arith.ori %gt3A, %and3A : vector<16xi1>
        %add3A_260 = arith.constant 1 : i32
        %add3A_261 = arith.addi %sub3A_251, %add3A_260 : i32
        %mul3A_262 = arith.constant 16 : i32
        %mul3A_263 = arith.muli %add3A_261, %mul3A_262 : i32
        %add3A_264 = vector.broadcast %mul3A_263 : i32 to vector<16xi32>
        %add3A_265 = arith.addi %add3A_264, %iota3A : vector<16xi32>
        %select_n3A = arith.select %or3A, %get3A_255, %get3A_229 : vector<16xi1>, vector<16xf32>
        %select_n3A_266 = arith.select %or3A, %get3A_259, %get3A_233 : vector<16xi1>, vector<16xi32>
        tpu.vector_store_idx %arg7[%add3A_265], %select_n3A masked %while3A_248 : memref<3072xf32, #tpu.memory_space<vmem>>[vector<16xi32>], vector<16xf32>, vector<16xi1>
        tpu.vector_store_idx %arg8[%add3A_265], %select_n3A_266 masked %while3A_248 : memref<3072xi32, #tpu.memory_space<vmem>>[vector<16xi32>], vector<16xi32>, vector<16xi1>
        %and3A_267 = arith.andi %while3A_248, %or3A : vector<16xi1>
        scf.yield %and3A_267 : vector<16xi1>
      }
      %while3A_245 = arith.constant 1 : i32
      %while3A_246 = scf.for %while3A_247 = %while3A_242 to %while3A_238 step %while3A_245 iter_args(%while3A_248 = %while3A_244) -> (vector<16xi1>)  : i32 {
        %sub3A_249 = arith.constant 1 : i32
        %sub3A_250 = arith.subi %while3A_226, %sub3A_249 : i32
        %sub3A_251 = arith.subi %sub3A_250, %while3A_247 : i32
        %mul3A_252 = arith.constant 16 : i32
        %mul3A_253 = arith.muli %sub3A_251, %mul3A_252 : i32
        %get3A_254 = arith.index_cast %mul3A_253 : i32 to index
        %get3A_255 = tpu.vector_load %arg7[%get3A_254] {strides = array<i32>} : memref<3072xf32, #tpu.memory_space<vmem>>, vector<16xf32>,
        %mul3A_256 = arith.constant 16 : i32
        %mul3A_257 = arith.muli %sub3A_251, %mul3A_256 : i32
        %get3A_258 = arith.index_cast %mul3A_257 : i32 to index
        %get3A_259 = tpu.vector_load %arg8[%get3A_258] {strides = array<i32>} : memref<3072xi32, #tpu.memory_space<vmem>>, vector<16xi32>,
        %gt3A = arith.cmpf ogt, %get3A_229, %get3A_255 : vector<16xf32>
        %eq3A = arith.cmpf oeq, %get3A_229, %get3A_255 : vector<16xf32>
        %lt3A = arith.cmpi slt, %get3A_233, %get3A_259 : vector<16xi32>
        %and3A = arith.andi %eq3A, %lt3A : vector<16xi1>
        %or3A = arith.ori %gt3A, %and3A : vector<16xi1>
        %add3A_260 = arith.constant 1 : i32
        %add3A_261 = arith.addi %sub3A_251, %add3A_260 : i32
        %mul3A_262 = arith.constant 16 : i32
        %mul3A_263 = arith.muli %add3A_261, %mul3A_262 : i32
        %add3A_264 = vector.broadcast %mul3A_263 : i32 to vector<16xi32>
        %add3A_265 = arith.addi %add3A_264, %iota3A : vector<16xi32>
        %select_n3A = arith.select %or3A, %get3A_255, %get3A_229 : vector<16xi1>, vector<16xf32>
        %select_n3A_266 = arith.select %or3A, %get3A_259, %get3A_233 : vector<16xi1>, vector<16xi32>
        tpu.vector_store_idx %arg7[%add3A_265], %select_n3A masked %while3A_248 : memref<3072xf32, #tpu.memory_space<vmem>>[vector<16xi32>], vector<16xf32>, vector<16xi1>
        tpu.vector_store_idx %arg8[%add3A_265], %select_n3A_266 masked %while3A_248 : memref<3072xi32, #tpu.memory_space<vmem>>[vector<16xi32>], vector<16xi32>, vector<16xi1>
        %and3A_267 = arith.andi %while3A_248, %or3A : vector<16xi1>
        scf.yield %and3A_267 : vector<16xi1>
      }
      tpu.vector_store_idx %arg7[%iota3A], %get3A_229 masked %while3A_246 : memref<3072xf32, #tpu.memory_space<vmem>>[vector<16xi32>], vector<16xf32>, vector<16xi1>
      tpu.vector_store_idx %arg8[%iota3A], %get3A_233 masked %while3A_246 : memref<3072xi32, #tpu.memory_space<vmem>>[vector<16xi32>], vector<16xi32>, vector<16xi1>
    }
    %while3A_185 = arith.constant 1 : i32
    scf.for %while3A_226 = %while3A_183 to %while3A_179 step %while3A_185  : i32 {
      %mul3A_227 = arith.constant 16 : i32
      %mul3A_228 = arith.muli %while3A_226, %mul3A_227 : i32
      %get3A = arith.index_cast %mul3A_228 : i32 to index
      %get3A_229 = tpu.vector_load %arg7[%get3A] {strides = array<i32>} : memref<3072xf32, #tpu.memory_space<vmem>>, vector<16xf32>,
      %mul3A_230 = arith.constant 16 : i32
      %mul3A_231 = arith.muli %while3A_226, %mul3A_230 : i32
      %get3A_232 = arith.index_cast %mul3A_231 : i32 to index
      %get3A_233 = tpu.vector_load %arg8[%get3A_232] {strides = array<i32>} : memref<3072xi32, #tpu.memory_space<vmem>>, vector<16xi32>,
      %broadcast_in_dim3A_234 = arith.constant true
      %broadcast_in_dim3A_235 = vector.broadcast %broadcast_in_dim3A_234 : i1 to vector<16xi1>
      %while3A_236 = arith.constant 0 : i32
      %while3A_237 = arith.subi %while3A_226, %while3A_236 : i32
      %while3A_238 = arith.addi %while3A_236, %while3A_237 : i32
      %while3A_239 = arith.constant 1 : i32
      %while3A_240 = arith.divsi %while3A_237, %while3A_239 : i32
      %while3A_241 = arith.muli %while3A_240, %while3A_239 : i32
      %while3A_242 = arith.addi %while3A_236, %while3A_241 : i32
      %while3A_243 = arith.constant 1 : i32
      %while3A_244 = scf.for %while3A_247 = %while3A_236 to %while3A_242 step %while3A_243 iter_args(%while3A_248 = %broadcast_in_dim3A_235) -> (vector<16xi1>)  : i32 {
        %sub3A_249 = arith.constant 1 : i32
        %sub3A_250 = arith.subi %while3A_226, %sub3A_249 : i32
        %sub3A_251 = arith.subi %sub3A_250, %while3A_247 : i32
        %mul3A_252 = arith.constant 16 : i32
        %mul3A_253 = arith.muli %sub3A_251, %mul3A_252 : i32
        %get3A_254 = arith.index_cast %mul3A_253 : i32 to index
        %get3A_255 = tpu.vector_load %arg7[%get3A_254] {strides = array<i32>} : memref<3072xf32, #tpu.memory_space<vmem>>, vector<16xf32>,
        %mul3A_256 = arith.constant 16 : i32
        %mul3A_257 = arith.muli %sub3A_251, %mul3A_256 : i32
        %get3A_258 = arith.index_cast %mul3A_257 : i32 to index
        %get3A_259 = tpu.vector_load %arg8[%get3A_258] {strides = array<i32>} : memref<3072xi32, #tpu.memory_space<vmem>>, vector<16xi32>,
        %gt3A = arith.cmpf ogt, %get3A_229, %get3A_255 : vector<16xf32>
        %eq3A = arith.cmpf oeq, %get3A_229, %get3A_255 : vector<16xf32>
        %lt3A = arith.cmpi slt, %get3A_233, %get3A_259 : vector<16xi32>
        %and3A = arith.andi %eq3A, %lt3A : vector<16xi1>
        %or3A = arith.ori %gt3A, %and3A : vector<16xi1>
        %add3A_260 = arith.constant 1 : i32
        %add3A_261 = arith.addi %sub3A_251, %add3A_260 : i32
        %mul3A_262 = arith.constant 16 : i32
        %mul3A_263 = arith.muli %add3A_261, %mul3A_262 : i32
        %add3A_264 = vector.broadcast %mul3A_263 : i32 to vector<16xi32>
        %add3A_265 = arith.addi %add3A_264, %iota3A : vector<16xi32>
        %select_n3A = arith.select %or3A, %get3A_255, %get3A_229 : vector<16xi1>, vector<16xf32>
        %select_n3A_266 = arith.select %or3A, %get3A_259, %get3A_233 : vector<16xi1>, vector<16xi32>
        tpu.vector_store_idx %arg7[%add3A_265], %select_n3A masked %while3A_248 : memref<3072xf32, #tpu.memory_space<vmem>>[vector<16xi32>], vector<16xf32>, vector<16xi1>
        tpu.vector_store_idx %arg8[%add3A_265], %select_n3A_266 masked %while3A_248 : memref<3072xi32, #tpu.memory_space<vmem>>[vector<16xi32>], vector<16xi32>, vector<16xi1>
        %and3A_267 = arith.andi %while3A_248, %or3A : vector<16xi1>
        scf.yield %and3A_267 : vector<16xi1>
      }
      %while3A_245 = arith.constant 1 : i32
      %while3A_246 = scf.for %while3A_247 = %while3A_242 to %while3A_238 step %while3A_245 iter_args(%while3A_248 = %while3A_244) -> (vector<16xi1>)  : i32 {
        %sub3A_249 = arith.constant 1 : i32
        %sub3A_250 = arith.subi %while3A_226, %sub3A_249 : i32
        %sub3A_251 = arith.subi %sub3A_250, %while3A_247 : i32
        %mul3A_252 = arith.constant 16 : i32
        %mul3A_253 = arith.muli %sub3A_251, %mul3A_252 : i32
        %get3A_254 = arith.index_cast %mul3A_253 : i32 to index
        %get3A_255 = tpu.vector_load %arg7[%get3A_254] {strides = array<i32>} : memref<3072xf32, #tpu.memory_space<vmem>>, vector<16xf32>,
        %mul3A_256 = arith.constant 16 : i32
        %mul3A_257 = arith.muli %sub3A_251, %mul3A_256 : i32
        %get3A_258 = arith.index_cast %mul3A_257 : i32 to index
        %get3A_259 = tpu.vector_load %arg8[%get3A_258] {strides = array<i32>} : memref<3072xi32, #tpu.memory_space<vmem>>, vector<16xi32>,
        %gt3A = arith.cmpf ogt, %get3A_229, %get3A_255 : vector<16xf32>
        %eq3A = arith.cmpf oeq, %get3A_229, %get3A_255 : vector<16xf32>
        %lt3A = arith.cmpi slt, %get3A_233, %get3A_259 : vector<16xi32>
        %and3A = arith.andi %eq3A, %lt3A : vector<16xi1>
        %or3A = arith.ori %gt3A, %and3A : vector<16xi1>
        %add3A_260 = arith.constant 1 : i32
        %add3A_261 = arith.addi %sub3A_251, %add3A_260 : i32
        %mul3A_262 = arith.constant 16 : i32
        %mul3A_263 = arith.muli %add3A_261, %mul3A_262 : i32
        %add3A_264 = vector.broadcast %mul3A_263 : i32 to vector<16xi32>
        %add3A_265 = arith.addi %add3A_264, %iota3A : vector<16xi32>
        %select_n3A = arith.select %or3A, %get3A_255, %get3A_229 : vector<16xi1>, vector<16xf32>
        %select_n3A_266 = arith.select %or3A, %get3A_259, %get3A_233 : vector<16xi1>, vector<16xi32>
        tpu.vector_store_idx %arg7[%add3A_265], %select_n3A masked %while3A_248 : memref<3072xf32, #tpu.memory_space<vmem>>[vector<16xi32>], vector<16xf32>, vector<16xi1>
        tpu.vector_store_idx %arg8[%add3A_265], %select_n3A_266 masked %while3A_248 : memref<3072xi32, #tpu.memory_space<vmem>>[vector<16xi32>], vector<16xi32>, vector<16xi1>
        %and3A_267 = arith.andi %while3A_248, %or3A : vector<16xi1>
        scf.yield %and3A_267 : vector<16xi1>
      }
      tpu.vector_store_idx %arg7[%iota3A], %get3A_229 masked %while3A_246 : memref<3072xf32, #tpu.memory_space<vmem>>[vector<16xi32>], vector<16xf32>, vector<16xi1>
      tpu.vector_store_idx %arg8[%iota3A], %get3A_233 masked %while3A_246 : memref<3072xi32, #tpu.memory_space<vmem>>[vector<16xi32>], vector<16xi32>, vector<16xi1>
    }
    %parallel_loop3A_186 = arith.constant 0 : i32
    %parallel_loop3A_187 = arith.constant 64 : i32
    %parallel_loop3A_188 = arith.constant 1 : i32
    %parallel_loop3A_189 = scf.for %parallel_loop3A_226 = %parallel_loop3A_186 to %parallel_loop3A_187 step %parallel_loop3A_188 iter_args(%parallel_loop3A_227 = %broadcast_in_dim3A_10) -> (vector<16xi32>)  : i32 {
      %parallel_loop3A_228 = arith.constant 16 : i32
      %parallel_loop3A_229 = vector.broadcast %parallel_loop3A_228 : i32 to vector<16xi32>
      %parallel_loop3A_230 = arith.muli %parallel_loop3A_227, %parallel_loop3A_229 : vector<16xi32>
      %parallel_loop3A_231 = arith.addi %parallel_loop3A_230, %iota3A : vector<16xi32>
      %parallel_loop3A_232 = tpu.vector_load_idx %arg7[%parallel_loop3A_231] : memref<3072xf32, #tpu.memory_space<vmem>>[vector<16xi32>], vector<16xf32>,
      %parallel_loop3A_233 = tpu.vector_load_idx %arg8[%parallel_loop3A_231] : memref<3072xi32, #tpu.memory_space<vmem>>[vector<16xi32>], vector<16xi32>,
      %parallel_loop3A_234 = arith.constant 8 : i32
      %parallel_loop3A_235 = vector.broadcast %parallel_loop3A_234 : i32 to vector<16xi32>
      %parallel_loop3A_236 = arith.xori %iota3A, %parallel_loop3A_235 : vector<16xi32>
      %parallel_loop3A_237 = vector.shape_cast %parallel_loop3A_236 : vector<16xi32> to vector<16x1xi32>
      %parallel_loop3A_238 = vector.shape_cast %parallel_loop3A_237 : vector<16x1xi32> to vector<16xi32>
      %parallel_loop3A_239 = tpu.dynamic_gather %parallel_loop3A_232[%parallel_loop3A_238] in [0] : vector<16xf32>, vector<16xi32> -> vector<16xf32>
      %parallel_loop3A_240 = arith.constant 8 : i32
      %parallel_loop3A_241 = vector.broadcast %parallel_loop3A_240 : i32 to vector<16xi32>
      %parallel_loop3A_242 = arith.xori %iota3A, %parallel_loop3A_241 : vector<16xi32>
      %parallel_loop3A_243 = vector.shape_cast %parallel_loop3A_242 : vector<16xi32> to vector<16x1xi32>
      %parallel_loop3A_244 = vector.shape_cast %parallel_loop3A_243 : vector<16x1xi32> to vector<16xi32>
      %parallel_loop3A_245 = tpu.dynamic_gather %parallel_loop3A_233[%parallel_loop3A_244] in [0] : vector<16xi32>, vector<16xi32> -> vector<16xi32>
      %parallel_loop3A_246 = arith.cmpf ogt, %parallel_loop3A_239, %parallel_loop3A_232 : vector<16xf32>
      %parallel_loop3A_247 = arith.cmpf oeq, %parallel_loop3A_239, %parallel_loop3A_232 : vector<16xf32>
      %parallel_loop3A_248 = arith.cmpi slt, %parallel_loop3A_245, %parallel_loop3A_233 : vector<16xi32>
      %parallel_loop3A_249 = arith.andi %parallel_loop3A_247, %parallel_loop3A_248 : vector<16xi1>
      %parallel_loop3A_250 = arith.ori %parallel_loop3A_246, %parallel_loop3A_249 : vector<16xi1>
      %parallel_loop3A_251 = arith.select %parallel_loop3A_250, %parallel_loop3A_239, %parallel_loop3A_232 : vector<16xi1>, vector<16xf32>
      %parallel_loop3A_252 = arith.select %parallel_loop3A_250, %parallel_loop3A_245, %parallel_loop3A_233 : vector<16xi1>, vector<16xi32>
      %parallel_loop3A_253 = arith.constant 4 : i32
      %parallel_loop3A_254 = vector.broadcast %parallel_loop3A_253 : i32 to vector<16xi32>
      %parallel_loop3A_255 = arith.xori %iota3A, %parallel_loop3A_254 : vector<16xi32>
      %parallel_loop3A_256 = vector.shape_cast %parallel_loop3A_255 : vector<16xi32> to vector<16x1xi32>
      %parallel_loop3A_257 = vector.shape_cast %parallel_loop3A_256 : vector<16x1xi32> to vector<16xi32>
      %parallel_loop3A_258 = tpu.dynamic_gather %parallel_loop3A_251[%parallel_loop3A_257] in [0] : vector<16xf32>, vector<16xi32> -> vector<16xf32>
      %parallel_loop3A_259 = arith.constant 4 : i32
      %parallel_loop3A_260 = vector.broadcast %parallel_loop3A_259 : i32 to vector<16xi32>
      %parallel_loop3A_261 = arith.xori %iota3A, %parallel_loop3A_260 : vector<16xi32>
      %parallel_loop3A_262 = vector.shape_cast %parallel_loop3A_261 : vector<16xi32> to vector<16x1xi32>
      %parallel_loop3A_263 = vector.shape_cast %parallel_loop3A_262 : vector<16x1xi32> to vector<16xi32>
      %parallel_loop3A_264 = tpu.dynamic_gather %parallel_loop3A_252[%parallel_loop3A_263] in [0] : vector<16xi32>, vector<16xi32> -> vector<16xi32>
      %parallel_loop3A_265 = arith.cmpf ogt, %parallel_loop3A_258, %parallel_loop3A_251 : vector<16xf32>
      %parallel_loop3A_266 = arith.cmpf oeq, %parallel_loop3A_258, %parallel_loop3A_251 : vector<16xf32>
      %parallel_loop3A_267 = arith.cmpi slt, %parallel_loop3A_264, %parallel_loop3A_252 : vector<16xi32>
      %parallel_loop3A_268 = arith.andi %parallel_loop3A_266, %parallel_loop3A_267 : vector<16xi1>
      %parallel_loop3A_269 = arith.ori %parallel_loop3A_265, %parallel_loop3A_268 : vector<16xi1>
      %parallel_loop3A_270 = arith.select %parallel_loop3A_269, %parallel_loop3A_258, %parallel_loop3A_251 : vector<16xi1>, vector<16xf32>
      %parallel_loop3A_271 = arith.select %parallel_loop3A_269, %parallel_loop3A_264, %parallel_loop3A_252 : vector<16xi1>, vector<16xi32>
      %parallel_loop3A_272 = arith.constant 2 : i32
      %parallel_loop3A_273 = vector.broadcast %parallel_loop3A_272 : i32 to vector<16xi32>
      %parallel_loop3A_274 = arith.xori %iota3A, %parallel_loop3A_273 : vector<16xi32>
      %parallel_loop3A_275 = vector.shape_cast %parallel_loop3A_274 : vector<16xi32> to vector<16x1xi32>
      %parallel_loop3A_276 = vector.shape_cast %parallel_loop3A_275 : vector<16x1xi32> to vector<16xi32>
      %parallel_loop3A_277 = tpu.dynamic_gather %parallel_loop3A_270[%parallel_loop3A_276] in [0] : vector<16xf32>, vector<16xi32> -> vector<16xf32>
      %parallel_loop3A_278 = arith.constant 2 : i32
      %parallel_loop3A_279 = vector.broadcast %parallel_loop3A_278 : i32 to vector<16xi32>
      %parallel_loop3A_280 = arith.xori %iota3A, %parallel_loop3A_279 : vector<16xi32>
      %parallel_loop3A_281 = vector.shape_cast %parallel_loop3A_280 : vector<16xi32> to vector<16x1xi32>
      %parallel_loop3A_282 = vector.shape_cast %parallel_loop3A_281 : vector<16x1xi32> to vector<16xi32>
      %parallel_loop3A_283 = tpu.dynamic_gather %parallel_loop3A_271[%parallel_loop3A_282] in [0] : vector<16xi32>, vector<16xi32> -> vector<16xi32>
      %parallel_loop3A_284 = arith.cmpf ogt, %parallel_loop3A_277, %parallel_loop3A_270 : vector<16xf32>
      %parallel_loop3A_285 = arith.cmpf oeq, %parallel_loop3A_277, %parallel_loop3A_270 : vector<16xf32>
      %parallel_loop3A_286 = arith.cmpi slt, %parallel_loop3A_283, %parallel_loop3A_271 : vector<16xi32>
      %parallel_loop3A_287 = arith.andi %parallel_loop3A_285, %parallel_loop3A_286 : vector<16xi1>
      %parallel_loop3A_288 = arith.ori %parallel_loop3A_284, %parallel_loop3A_287 : vector<16xi1>
      %parallel_loop3A_289 = arith.select %parallel_loop3A_288, %parallel_loop3A_277, %parallel_loop3A_270 : vector<16xi1>, vector<16xf32>
      %parallel_loop3A_290 = arith.select %parallel_loop3A_288, %parallel_loop3A_283, %parallel_loop3A_271 : vector<16xi1>, vector<16xi32>
      %parallel_loop3A_291 = arith.constant 1 : i32
      %parallel_loop3A_292 = vector.broadcast %parallel_loop3A_291 : i32 to vector<16xi32>
      %parallel_loop3A_293 = arith.xori %iota3A, %parallel_loop3A_292 : vector<16xi32>
      %parallel_loop3A_294 = vector.shape_cast %parallel_loop3A_293 : vector<16xi32> to vector<16x1xi32>
      %parallel_loop3A_295 = vector.shape_cast %parallel_loop3A_294 : vector<16x1xi32> to vector<16xi32>
      %parallel_loop3A_296 = tpu.dynamic_gather %parallel_loop3A_289[%parallel_loop3A_295] in [0] : vector<16xf32>, vector<16xi32> -> vector<16xf32>
      %parallel_loop3A_297 = arith.constant 1 : i32
      %parallel_loop3A_298 = vector.broadcast %parallel_loop3A_297 : i32 to vector<16xi32>
      %parallel_loop3A_299 = arith.xori %iota3A, %parallel_loop3A_298 : vector<16xi32>
      %parallel_loop3A_300 = vector.shape_cast %parallel_loop3A_299 : vector<16xi32> to vector<16x1xi32>
      %parallel_loop3A_301 = vector.shape_cast %parallel_loop3A_300 : vector<16x1xi32> to vector<16xi32>
      %parallel_loop3A_302 = tpu.dynamic_gather %parallel_loop3A_290[%parallel_loop3A_301] in [0] : vector<16xi32>, vector<16xi32> -> vector<16xi32>
      %parallel_loop3A_303 = arith.cmpf ogt, %parallel_loop3A_296, %parallel_loop3A_289 : vector<16xf32>
      %parallel_loop3A_304 = arith.cmpf oeq, %parallel_loop3A_296, %parallel_loop3A_289 : vector<16xf32>
      %parallel_loop3A_305 = arith.cmpi slt, %parallel_loop3A_302, %parallel_loop3A_290 : vector<16xi32>
      %parallel_loop3A_306 = arith.andi %parallel_loop3A_304, %parallel_loop3A_305 : vector<16xi1>
      %parallel_loop3A_307 = arith.ori %parallel_loop3A_303, %parallel_loop3A_306 : vector<16xi1>
      %parallel_loop3A_308 = arith.select %parallel_loop3A_307, %parallel_loop3A_296, %parallel_loop3A_289 : vector<16xi1>, vector<16xf32>
      %parallel_loop3A_309 = arith.select %parallel_loop3A_307, %parallel_loop3A_302, %parallel_loop3A_290 : vector<16xi1>, vector<16xi32>
      %parallel_loop3A_310 = arith.cmpf oeq, %parallel_loop3A_232, %parallel_loop3A_308 : vector<16xf32>
      %parallel_loop3A_311 = arith.cmpi eq, %parallel_loop3A_233, %parallel_loop3A_309 : vector<16xi32>
      %parallel_loop3A_312 = arith.andi %parallel_loop3A_310, %parallel_loop3A_311 : vector<16xi1>
      %parallel_loop3A_313 = arith.constant 0 : i32
      %parallel_loop3A_314 = vector.broadcast %parallel_loop3A_313 : i32 to vector<16xi32>
      %parallel_loop3A_315 = arith.cmpi eq, %iota3A, %parallel_loop3A_314 : vector<16xi32>
      %parallel_loop3A_316 = vector.broadcast %parallel_loop3A_226 : i32 to vector<16xi32>
      tpu.vector_store_idx %arg10[%parallel_loop3A_316], %parallel_loop3A_308 masked %parallel_loop3A_315 : memref<64xf32, #tpu.memory_space<vmem>>[vector<16xi32>], vector<16xf32>, vector<16xi1>
      tpu.vector_store_idx %arg12[%parallel_loop3A_316], %parallel_loop3A_309 masked %parallel_loop3A_315 : memref<64xi32, #tpu.memory_space<vmem>>[vector<16xi32>], vector<16xi32>, vector<16xi1>
      %parallel_loop3A_317 = arith.extui %parallel_loop3A_312 : vector<16xi1> to vector<16xi32>
      %parallel_loop3A_318 = arith.addi %parallel_loop3A_227, %parallel_loop3A_317 : vector<16xi32>
      scf.yield %parallel_loop3A_318 : vector<16xi32>
    } {sc.loop_unroll_factor = 1 : i64, sc.parallel_access}
    %dma_start3A_190 = arith.constant 0 : i32
    %dma_start3A_191 = tpu.memref_slice %arg3[%add3A_109, %dma_start3A_190] : memref<64x64xf32, #tpu.memory_space<hbm>> -> memref<1x64xf32, #tpu.memory_space<hbm>>
    %dma_start3A_192 = tpu.memref_squeeze %dma_start3A_191 : memref<1x64xf32, #tpu.memory_space<hbm>> -> memref<64xf32, #tpu.memory_space<hbm>>
    %dma_start3A_193 = arith.constant 0 : i32
    %dma_start3A_194 = tpu.memref_slice %arg3[%add3A_109, %dma_start3A_193] : memref<64x64xf32, #tpu.memory_space<hbm>> -> memref<1x64xf32, #tpu.memory_space<hbm>>
    %dma_start3A_195 = tpu.memref_squeeze %dma_start3A_194 : memref<1x64xf32, #tpu.memory_space<hbm>> -> memref<64xf32, #tpu.memory_space<hbm>>
    tpu.enqueue_dma source(%arg10 : memref<64xf32, #tpu.memory_space<vmem>>) target(%dma_start3A_195 : memref<64xf32, #tpu.memory_space<hbm>>) target_semaphore(%arg15 : memref<!tpu.dma_semaphore, #tpu.memory_space<semaphore_mem>>)
    %dma_start3A_196 = arith.constant 0 : i32
    %dma_start3A_197 = tpu.memref_slice %arg4[%add3A_109, %dma_start3A_196] : memref<64x64xi32, #tpu.memory_space<hbm>> -> memref<1x64xi32, #tpu.memory_space<hbm>>
    %dma_start3A_198 = tpu.memref_squeeze %dma_start3A_197 : memref<1x64xi32, #tpu.memory_space<hbm>> -> memref<64xi32, #tpu.memory_space<hbm>>
    %dma_start3A_199 = arith.constant 0 : i32
    %dma_start3A_200 = tpu.memref_slice %arg4[%add3A_109, %dma_start3A_199] : memref<64x64xi32, #tpu.memory_space<hbm>> -> memref<1x64xi32, #tpu.memory_space<hbm>>
    %dma_start3A_201 = tpu.memref_squeeze %dma_start3A_200 : memref<1x64xi32, #tpu.memory_space<hbm>> -> memref<64xi32, #tpu.memory_space<hbm>>
    tpu.enqueue_dma source(%arg12 : memref<64xi32, #tpu.memory_space<vmem>>) target(%dma_start3A_201 : memref<64xi32, #tpu.memory_space<hbm>>) target_semaphore(%arg15 : memref<!tpu.dma_semaphore, #tpu.memory_space<semaphore_mem>>)
    %dma_wait3A_202 = arith.constant 0 : i32
    %dma_wait3A_203 = tpu.memref_slice %arg3[%add3A_27, %dma_wait3A_202] : memref<64x64xf32, #tpu.memory_space<hbm>> -> memref<1x64xf32, #tpu.memory_space<hbm>>
    %dma_wait3A_204 = tpu.memref_squeeze %dma_wait3A_203 : memref<1x64xf32, #tpu.memory_space<hbm>> -> memref<64xf32, #tpu.memory_space<hbm>>
    %dma_wait3A_205 = arith.constant 0 : i32
    %dma_wait3A_206 = tpu.memref_slice %arg3[%add3A_27, %dma_wait3A_205] : memref<64x64xf32, #tpu.memory_space<hbm>> -> memref<1x64xf32, #tpu.memory_space<hbm>>
    %dma_wait3A_207 = tpu.memref_squeeze %dma_wait3A_206 : memref<1x64xf32, #tpu.memory_space<hbm>> -> memref<64xf32, #tpu.memory_space<hbm>>
    tpu.wait_dma2 semaphore(%arg14 : memref<!tpu.dma_semaphore, #tpu.memory_space<semaphore_mem>>) src(%arg9 : memref<64xf32, #tpu.memory_space<vmem>>) dst(%dma_wait3A_207 : memref<64xf32, #tpu.memory_space<hbm>>)
    %dma_wait3A_208 = arith.constant 0 : i32
    %dma_wait3A_209 = tpu.memref_slice %arg4[%add3A_27, %dma_wait3A_208] : memref<64x64xi32, #tpu.memory_space<hbm>> -> memref<1x64xi32, #tpu.memory_space<hbm>>
    %dma_wait3A_210 = tpu.memref_squeeze %dma_wait3A_209 : memref<1x64xi32, #tpu.memory_space<hbm>> -> memref<64xi32, #tpu.memory_space<hbm>>
    %dma_wait3A_211 = arith.constant 0 : i32
    %dma_wait3A_212 = tpu.memref_slice %arg4[%add3A_27, %dma_wait3A_211] : memref<64x64xi32, #tpu.memory_space<hbm>> -> memref<1x64xi32, #tpu.memory_space<hbm>>
    %dma_wait3A_213 = tpu.memref_squeeze %dma_wait3A_212 : memref<1x64xi32, #tpu.memory_space<hbm>> -> memref<64xi32, #tpu.memory_space<hbm>>
    tpu.wait_dma2 semaphore(%arg14 : memref<!tpu.dma_semaphore, #tpu.memory_space<semaphore_mem>>) src(%arg11 : memref<64xi32, #tpu.memory_space<vmem>>) dst(%dma_wait3A_213 : memref<64xi32, #tpu.memory_space<hbm>>)
    %dma_wait3A_214 = arith.constant 0 : i32
    %dma_wait3A_215 = tpu.memref_slice %arg3[%add3A_109, %dma_wait3A_214] : memref<64x64xf32, #tpu.memory_space<hbm>> -> memref<1x64xf32, #tpu.memory_space<hbm>>
    %dma_wait3A_216 = tpu.memref_squeeze %dma_wait3A_215 : memref<1x64xf32, #tpu.memory_space<hbm>> -> memref<64xf32, #tpu.memory_space<hbm>>
    %dma_wait3A_217 = arith.constant 0 : i32
    %dma_wait3A_218 = tpu.memref_slice %arg3[%add3A_109, %dma_wait3A_217] : memref<64x64xf32, #tpu.memory_space<hbm>> -> memref<1x64xf32, #tpu.memory_space<hbm>>
    %dma_wait3A_219 = tpu.memref_squeeze %dma_wait3A_218 : memref<1x64xf32, #tpu.memory_space<hbm>> -> memref<64xf32, #tpu.memory_space<hbm>>
    tpu.wait_dma2 semaphore(%arg15 : memref<!tpu.dma_semaphore, #tpu.memory_space<semaphore_mem>>) src(%arg10 : memref<64xf32, #tpu.memory_space<vmem>>) dst(%dma_wait3A_219 : memref<64xf32, #tpu.memory_space<hbm>>)
    %dma_wait3A_220 = arith.constant 0 : i32
    %dma_wait3A_221 = tpu.memref_slice %arg4[%add3A_109, %dma_wait3A_220] : memref<64x64xi32, #tpu.memory_space<hbm>> -> memref<1x64xi32, #tpu.memory_space<hbm>>
    %dma_wait3A_222 = tpu.memref_squeeze %dma_wait3A_221 : memref<1x64xi32, #tpu.memory_space<hbm>> -> memref<64xi32, #tpu.memory_space<hbm>>
    %dma_wait3A_223 = arith.constant 0 : i32
    %dma_wait3A_224 = tpu.memref_slice %arg4[%add3A_109, %dma_wait3A_223] : memref<64x64xi32, #tpu.memory_space<hbm>> -> memref<1x64xi32, #tpu.memory_space<hbm>>
    %dma_wait3A_225 = tpu.memref_squeeze %dma_wait3A_224 : memref<1x64xi32, #tpu.memory_space<hbm>> -> memref<64xi32, #tpu.memory_space<hbm>>
    tpu.wait_dma2 semaphore(%arg15 : memref<!tpu.dma_semaphore, #tpu.memory_space<semaphore_mem>>) src(%arg12 : memref<64xi32, #tpu.memory_space<vmem>>) dst(%dma_wait3A_225 : memref<64xi32, #tpu.memory_space<hbm>>)
    return
  }
}

</mosaic_0001>

<sc_bundles>
// kernel: kernel.3.cloned.1.call-start
scs
__scs_entry_jumppad:
0x0: {  	(pc) =	sbr.rel $0x88, $3  }
0x1: {  	(tag) =	ssettag $0x0;
	lr =	simm.s32 $0x1  }
0x2: {  	[smem:$0x3FA0] =	sst lr;
	_ =	strace $0xD0000000  }
0x3: {  	_ = 	snop  }
0x4: {  	_ = 	snop  }
0x5: {  	_ = 	snop  }
0x6: {  	_ = 	snop  }
0x7: {  	_ = 	snop  }
__scs_overlays_trampoline_lowered:
0x8: {  	[smem:$0x3FAF] =	sst s0  }
0x9: {  	[smem:$0x3FB0] =	sst s1  }
0xa: {  	[smem:$0x3FB1] =	sst s2  }
0xb: {  	[smem:$0x3FB2] =	sst s3  }
0xc: {  	[smem:$0x3FB3] =	sst s4  }
0xd: {  	[smem:$0x3FB4] =	sst s5  }
0xe: {  	[smem:$0x3FB5] =	sst s6  }
0xf: {  	[smem:$0x3FB6] =	sst s7  }
0x10: {  	[smem:$0x3FB7] =	sst s8  }
0x11: {  	[smem:$0x3FB8] =	sst s9;
	s0 =	simm.s32 @!p0 $0x0  }
0x12: {  	s1 =	sld [smem:$0x3F9E];
	s0 =	simm.s32 @p0 $0x1  }
0x13: {  	[smem:$0x3FB9] =	sst s0;
	s0 =	simm.s32 @!p1 $0x0  }
0x14: {  	s2 =	sld [smem:$0x3F9D];
	s0 =	simm.s32 @p1 $0x1  }
0x15: {  	[smem:$0x3FBA] =	sst s0;
	s0 =	simm.s32 @!p2 $0x0  }
0x16: {  	s3 =	sld [smem:$0x3FDB];
	s0 =	simm.s32 @p2 $0x1  }
0x17: {  	s4 =	simm.s32 $0x1BF5;
	[smem:$0x3FBC] =	sst s0  }
0x18: {  	s0 =	sld [smem:$0x3F9F];
	_ =	swait.ge [sflag:s4], $0x0  }
0x19: {  	s7 =	sld [smem:$0x3FA0]  }
0x1a: {  	s8 =	sadd.s32 $0xFFFFE003, lr  }
0x1b: {  	s9 =	sadd.s32 $0xFFFFFEF7, lr;
	s5 =	simm.s32 $0xFFFFFFFF;
	p2 =	slt.u32 s8, $0xFFFFF086  }
0x1c: {  	p1 =	slt.u32 s9, $0xF7A;
	s5 =	simm.s32 @!p2 $0x0  }
0x1d: {  	s5 =	simm.s32 @p1 $0x1;
	p0 =	seq.s32 s7, s2  }
0x1e: {  	s7 =	smul.u32 @!p0 $0xF7A, s2;
	p2 =	seq.s32 @!p0 s5, $0x0  }
0x1f: {  	s9 =	smul.u32 $0xF7A, s1;
	s8 =	simm.s32 @!p0 $0x1BF5;
	p2 =	por !p2, p0  }
0x20: {  	[sflag:s8] =	ssyncset.s32 @!p0 $0xFFFFF086;
	s6 =	sadd.s32 @!p0 s3, s7;
	s7 =	simm.s32 @!p0 $0x108  }
0x21: {  	s3 =	sadd.s32 s3, s9;
	s6 =	sadd.s32 @!p0 $0x88, s6;
	s7 =	simm.s32 @p2 $0x1082  }
0x22: {  	[simem:s7], [sflag:s8] =	dma.local @!p0 [hbm:s6], $0xF7A  }
0x23: {  	s9 =	sor.u32 $0xD0000000, s2;
	s6 =	simm.s32 $0x108;
	_ =	swait.ge @!p0 [sflag:s8], $0x0  }
0x24: {  	s3 =	sadd.s32 $0x88, s3;
	s6 =	simm.s32 @!p1 $0x1082;
	[sflag:s4] =	ssyncset.s32 $0xFFFFF086  }
0x25: {  	[simem:s6], [sflag:s4] =	dma.local [hbm:s3], $0xF7A  }
0x26: {  	[smem:$0x3FA0] =	sst s1;
	(tag) =	ssettag s2;
	_ =	strace s9  }
0x27: {  	s1 =	sld [smem:$0x3FB0]  }
0x28: {  	s2 =	sld [smem:$0x3FB1]  }
0x29: {  	s4 =	sld [smem:$0x3FB3]  }
0x2a: {  	p0 =	seq.s32 s5, $0x0;
	s5 =	sld [smem:$0x3FB4]  }
0x2b: {  	s6 =	sld [smem:$0x3FB5]  }
0x2c: {  	s7 =	sld [smem:$0x3FB6]  }
0x2d: {  	s3 =	simm.s32 $0x108;
	s8 =	sld [smem:$0x3FB7]  }
0x2e: {  	s3 =	simm.s32 @!p0 $0x1082;
	s9 =	sld [smem:$0x3FB8]  }
0x2f: {  	lr =	sadd.s32 s0, s3;
	s0 =	sld [smem:$0x3FAF]  }
0x30: {  	s3 =	sld [smem:$0x3FB2]  }
0x31: {  	[smem:$0x3FBB] =	sst s10  }
0x32: {  	s10 =	sld [smem:$0x3FB9];
	_ =	sdelay $0x3  }
0x33: {  	p0 =	seq.s32 s10, $0x1;
	s10 =	sld [smem:$0x3FBB];
	_ =	sdelay $0x3  }
0x34: {  	[smem:$0x3FBB] =	sst s10  }
0x35: {  	s10 =	sld [smem:$0x3FBA];
	_ =	sdelay $0x3  }
0x36: {  	p1 =	seq.s32 s10, $0x1;
	s10 =	sld [smem:$0x3FBB];
	_ =	sdelay $0x3  }
0x37: {  	[smem:$0x3FBB] =	sst s10  }
0x38: {  	s10 =	sld [smem:$0x3FBC]  }
0x39: {  	_ = 	snop;
	(pc) =	sbr.ind lr, $3  }
0x3a: {  	_ = 	snop  }
0x3b: {  	_ = 	snop  }
0x3c: {  	p2 =	seq.s32 s10, $0x1;
	s10 =	sld [smem:$0x3FBB]  }
0x3d: {  	_ =	shalt  }
0x3e: {  	_ =	shalt  }
0x3f: {  	_ =	shalt  }
0x40: {  	_ =	shalt  }
0x41: {  	_ =	shalt  }
0x42: {  	_ =	shalt  }
0x43: {  	_ =	shalt  }
0x44: {  	_ =	shalt  }
0x45: {  	_ =	shalt  }
0x46: {  	_ =	shalt  }
0x47: {  	_ =	shalt  }
0x48: {  	_ =	shalt  }
0x49: {  	_ =	shalt  }
0x4a: {  	_ =	shalt  }
0x4b: {  	_ =	shalt  }
0x4c: {  	_ =	shalt  }
0x4d: {  	_ =	shalt  }
0x4e: {  	_ =	shalt  }
0x4f: {  	_ =	shalt  }
0x50: {  	_ =	shalt  }
0x51: {  	_ =	shalt  }
0x52: {  	_ =	shalt  }
0x53: {  	_ =	shalt  }
0x54: {  	_ =	shalt  }
0x55: {  	_ =	shalt  }
0x56: {  	_ =	shalt  }
0x57: {  	_ =	shalt  }
0x58: {  	_ =	shalt  }
0x59: {  	_ =	shalt  }
0x5a: {  	_ =	shalt  }
0x5b: {  	_ =	shalt  }
0x5c: {  	_ =	shalt  }
0x5d: {  	_ =	shalt  }
0x5e: {  	_ =	shalt  }
0x5f: {  	_ =	shalt  }
0x60: {  	_ =	shalt  }
0x61: {  	_ =	shalt  }
0x62: {  	_ =	shalt  }
0x63: {  	_ =	shalt  }
0x64: {  	_ =	shalt  }
0x65: {  	_ =	shalt  }
0x66: {  	_ =	shalt  }
0x67: {  	_ =	shalt  }
0x68: {  	_ =	shalt  }
0x69: {  	_ =	shalt  }
0x6a: {  	_ =	shalt  }
0x6b: {  	_ =	shalt  }
0x6c: {  	_ =	shalt  }
0x6d: {  	_ =	shalt  }
0x6e: {  	_ =	shalt  }
0x6f: {  	_ =	shalt  }
0x70: {  	_ =	shalt  }
0x71: {  	_ =	shalt  }
0x72: {  	_ =	shalt  }
0x73: {  	_ =	shalt  }
0x74: {  	_ =	shalt  }
0x75: {  	_ =	shalt  }
0x76: {  	_ =	shalt  }
0x77: {  	_ =	shalt  }
0x78: {  	_ =	shalt  }
0x79: {  	_ =	shalt  }
0x7a: {  	_ =	shalt  }
0x7b: {  	_ =	shalt  }
0x7c: {  	_ =	shalt  }
0x7d: {  	_ =	shalt  }
0x7e: {  	_ =	shalt  }
0x7f: {  	_ =	shalt  }
0x80: {  	_ =	shalt  }
0x81: {  	_ =	shalt  }
0x82: {  	_ =	shalt  }
0x83: {  	_ =	shalt  }
0x84: {  	_ =	shalt  }
0x85: {  	_ =	shalt  }
0x86: {  	_ =	shalt  }
0x87: {  	_ =	shalt  }
.Lfunc_end0:
.L_simem_size_0:
called_computation_lowered:
.L_overlay_start_0:
0x88: {  	s2 =	sld [smem:$0x3FD9]  }
0x89: {  	s3 =	sld [smem:$0x3FFE];
	_ =	sdelay $0x1  }
0x8a: {  	s1 =	srdreg.scid  }
0x8b: {  	s0 =	sand.u32 $0x1, s1  }
0x8c: {  	s15 =	sshll.u32 s0, $0xA;
	s2 =	sadd.s32 s3, s2  }
0x8d: {  	s2 =	sadd.s32 s2, s15  }
0x8e: {  	[smem:$0x3FC7] =	sst s2  }
0x8f: {  	_ = 	snop  }
0x90: {  	s2 =	sld [smem:$0x3FD0];
	_ =	sdelay $0x2  }
0x91: {  	s4 =	simm.s32 $0xA;
	s5 =	simm.s32 $0x10;
	s16 =	sld [smem:$0x3FC9]  }
0x92: {  	[smem:s5], [sflag:s4] =	dma.local [hbm:s2], $0x1  }
0x93: {  	_ =	swait.eq [sflag:s4], $0x1  }
0x94: {  	[sflag:s4] =	ssyncset.done $0x0  }
0x95: {  	s17 =	sld [smem:$0x10];
	[sflag:s4] =	ssyncadd.s32 $0xFFFFFFFF  }
0x96: {  	s18 =	sld [smem:$0x11];
	(tm) =	ssettm $0x1  }
0x97: {  	s19 =	sld [smem:$0x3FFB];
	_ =	sdelay $0x3  }
0x98: {  	_ =	strace s19  }
0x99: {  	s5 =	sld [smem:$0x3FFC];
	_ =	sdelay $0x3  }
0x9a: {  	_ =	strace s5  }
0x9b: {  	s5 =	sld [smem:$0x3FFD];
	_ =	sdelay $0x3  }
0x9c: {  	_ =	strace s5  }
0x9d: {  	_ =	strace $0x8FFFFFFF  }
0x9e: {  	s20 =	sld [smem:$0x3FDB];
	_ =	sdelay $0x1  }
0x9f: {  	s6 =	simm.s32 $_scs_section_size  }
0xa0: {  	s7 =	simm.s32 $_size__tile_overlayer_lowered;
	s8 =	simm.s32 $_tile_overlayer_lowered  }
0xa1: {  	s23 =	simm.s32 $0x1BFF;
	s22 =	sshll.u32 s8, $0x1;
	s5 =	sadd.s32 s6, s20  }
0xa2: {  	s9 =	simm.s32 $0x0;
	s21 =	sshll.u32 s7, $0x1;
	s7 =	sadd.s32 s22, s5  }
0xa3: {  	[timem:s9], [sflag:s23] =	dma.local [hbm:s7], s21  }
0xa4: {  	_ =	swait.ge [sflag:s23], s21  }
0xa5: {  	s6 =	ssub.s32 $0x0, s21;
	[sflag:s23] =	ssyncset.done $0x0  }
0xa6: {  	[sflag:s23] =	ssyncadd.s32 s6;
	_ =	sdelay $0x1  }
0xa7: {  	s24 =	simm.s32 $0x1B8B  }
0xa8: {  	_ =	swait.ge [sflag:s24], $0x1  }
0xa9: {  	[sflag:s24] =	ssyncset.done $0x0  }
0xaa: {  	s25 =	simm.s32 $0x1B8E;
	[sflag:s24] =	ssyncadd.s32 $0xFFFFFFFF  }
0xab: {  	s26 =	simm.s32 $execute0_lowered;
	[smem:$0x3FD2] =	sst s25  }
0xac: {  	s6 =	sshll.u32 s26, $0x1;
	_ =	strace $0x80000046;
	[dreg:$0x1] =	wrdreg $0xFFFFFFFF  }
0xad: {  	s28 =	simm.s32 $_size_execute0_lowered;
	s5 =	sadd.s32 s5, s6;
	[dreg:$0x0] =	wrdreg $0x0  }
0xae: {  	s6 =	sshll.u32 s28, $0x1;
	[dreg:$0x2] =	wrdreg s5  }
0xaf: {  	[dreg:$0x3] =	wrdreg s6  }
0xb0: {  	[dreg:$0x4] =	wrdreg $0xC0  }
0xb1: {  	_ =	task [dreg:s9], $0x5FFFF  }
0xb2: {  	[dreg:$0x1] =	wrdreg $0xFFFFFFFF  }
0xb3: {  	[dreg:$0x0] =	wrdreg $0x60  }
0xb4: {  	[dreg:$0x2] =	wrdreg s16  }
0xb5: {  	[dreg:$0x3] =	wrdreg s17  }
0xb6: {  	[dreg:$0x4] =	wrdreg s18  }
0xb7: {  	[dreg:$0x5] =	wrdreg $0x9  }
0xb8: {  	_ =	task.clear_ibuf [dreg:s9], $0x6FFFF;
	_ =	strace $0x90000046  }
0xb9: {  	s29 =	simm.s32 $0x9;
	_ =	strace $0x80000048  }
0xba: {  	_ =	swait.ge [sflag:s29], $0x1  }
0xbb: {  	[sflag:s29] =	ssyncadd.s32 $0xFFFFFFFF  }
0xbc: {  	_ =	strace $0x90000048  }
0xbd: {  	_ =	sfence  }
0xbe: {  	s30 =	sld [smem:$0x0];
	_ =	sdelay $0x2  }
0xbf: {  	s31 =	sshll.u32 s1, $0xD;
	s1 =	sshrl.u32 s1, $0x2  }
0xc0: {  	s3 =	sand.u32 $0x4000, s31;
	s1 =	sadd.s32 s1, s30  }
0xc1: {  	s0 =	sor.u32 s3, s0;
	s1 =	sshll.u32 s1, $0x11  }
0xc2: {  	s0 =	sor.u32 s1, s0  }
0xc3: {  	s0 =	sadd.s32 $0x8F2B, s0  }
0xc4: {  	[sflag:s0] =	ssyncadd.remote.s32 $0x1  }
0xc5: {  	_ =	sfence.sel $0xFFFF  }
0xc6: {  	[dreg:$0x0] =	wrdreg $0xFFFFFFFF;
	(pc) =	sbr.abs _section_cstart, $3  }
0xc7: {  	[dreg:$0x1] =	wrdreg $0xFFFFFFFF  }
0xc8: {  	_ =	task.clear_ibuf [dreg:s9], $0x2FFFF;
	_ =	strace $0x9FFFFFFF  }
0xc9: {  	(tm) =	ssettm $0x7FFFFFFF  }
tec
execute0_lowered:
.L_overlay_start_1:
0x0: {  	(tag) =	ssettag $0x1  }
0x1: {  	s4 =	rddreg [dreg:$0x0]  }
0x2: {  	s7 =	rddreg [dreg:$0x1]  }
0x3: {  	s8 =	rddreg [dreg:$0x2]  }
0x4: {  	s1 =	srdreg.scid;
	s0 =	rddreg [dreg:$0x3]  }
0x5: {  	s2 =	simm.s32 $0x0;
	s12 =	simm.s32 $0x8000;
	s13 =	simm.s32 $0x1  }
0x6: {  	s14 =	simm.s32 $0x10C00;
	s15 =	simm.s32 $0x10000;
	s16 =	simm.s32 $0x11800  }
0x7: {  	v0 =	vimm.s32 $0xFEDCBA98;
	s17 =	simm.s32 $0x11900;
	s18 =	simm.s32 $0x2;
	s19 =	simm.s32 $0x11880  }
0x8: {  	v1 =	vimm.s32 $0x76543210;
	v2 =	vimm.s32 $0xBA98FEDC;
	s20 =	simm.s32 $0x11980;
	s21 =	simm.s32 $0x0;
	s3 =	sand.u32 $0x1, s1  }
0x9: {  	v3 =	vimm.s32 $0x32107654;
	v4 =	vimm.s32 $0xDCFE98BA;
	s1 =	stileid.u32;
	[smem:$0x7FF] =	sst s2;
	s5 =	sshll.u32 s3, $0x4  }
0xa: {  	v5 =	vimm.s32 $0x54761032;
	v6 =	vimm.s32 $0xEFCDAB89;
	_ =	strace $0x80000047;
	s3 =	ssub.s32 $0x2, s3;
	s5 =	sor.u32 s1, s5  }
0xb: {  	v7 =	vimm.s32 $0x67452301;
	v0 =	vunpack.c.l.s4.s8 v0;
	v1 =	vunpack.c.l.s4.s8 v1;
	s6 =	sshll.u32 s1, $0x7;
	s10 =	sshrl.u32 s3, $0x1;
	s5 =	sshrl.u32 s5, $0x3  }
0xc: {  	v2 =	vunpack.c.l.s4.s8 v2;
	v3 =	vunpack.c.l.s4.s8 v3;
	v4 =	vunpack.c.l.s4.s8 v4;
	s6 =	sand.u32 $0x380, s6;
	s10 =	ssub.s32 s3, s10;
	s9 =	sshll.u32 s5, $0x12  }
0xd: {  	v5 =	vunpack.c.l.s4.s8 v5;
	v6 =	vunpack.c.l.s4.s8 v6;
	v7 =	vunpack.c.l.s4.s8 v7;
	s11 =	sor.u32 $0x4, s5;
	s5 =	sshll.u32 s5, $0xA;
	s9 =	sor.u32 s6, s9  }
0xe: {  	v0 =	vunpack.c.0.s8.s32 v0;
	v1 =	vunpack.c.0.s8.s32 v1;
	v2 =	vunpack.c.0.s8.s32 v2;
	s29 =	sshll.u32 s11, $0x12;
	s5 =	sor.u32 s6, s5;
	s11 =	sshll.u32 s11, $0xA  }
0xf: {  	v3 =	vunpack.c.0.s8.s32 v3;
	v4 =	vunpack.c.0.s8.s32 v4;
	v5 =	vunpack.c.0.s8.s32 v5;
	s28 =	sshrl.u32 s9, $0x3;
	s9 =	sor.u32 s6, s29;
	s30 =	sshrl.u32 s5, $0x3  }
0x10: {  	v6 =	vunpack.c.0.s8.s32 v6;
	v7 =	vunpack.c.0.s8.s32 v7;
	v0 =	vand.u32 $0xF, v0;
	s11 =	sor.u32 s6, s11;
	s3 =	sadd.s32 s4, s28;
	s9 =	sshrl.u32 s9, $0x3  }
0x11: {  	vm0 =	vmmov $0xffff;
	v0 =	vcombine.low v0, v1;
	v1 =	vcombine.low v3, v2;
	s5 =	sadd.s32 s7, s30;
	s6 =	sadd.s32 s8, s30;
	s31 =	sshrl.u32 s11, $0x3  }
0x12: {  	v2 =	vcombine.low v5, v4;
	v3 =	vcombine.low v7, v6;
	v5 =	vlaneseq.u32;
	s11 =	simm.s32 $0x400;
	s4 =	sadd.s32 s4, s9;
	s7 =	sadd.s32 s7, s31  }
0x13: {  	v4 =	vimm.s32 $0x0;
	v6 =	vor.u32 $0xBF0, v5;
	v7 =	vmul.u32 $0xFFFFFFFF, v5;
	s8 =	sadd.s32 s8, s31;
	s9 =	smax.u32 s10, $0x1;
	s10 =	simm.s32 $0x80  }
.LBB2_1:
0x14: {  	[tilespmem:s2], [sflag:$0x1] =	stream.strided.gather [hbm4b:s3+s10], $0x8000, s11, s10, $0x38;
	[tilespmem:$0x11E00] =	vst v63  }
0x15: {  	_ = 	snop  }
0x16: {  	[tilespmem:s12], [sflag:$0x2] =	stream.strided.gather [hbm4b:s4+s10], $0x8000, s11, s10, $0x38;
	[tilespmem:$0x11E00] =	vst v63  }
0x17: {  	_ =	swait.ge [sflag:s13], $0x8000  }
0x18: {  	[sflag:s13] =	ssyncset.done $0x0  }
0x19: {  	s22 =	simm.s32 $0x100;
	[sflag:s13] =	ssyncadd.s32 $0xFFFF8000  }
0x1a: {  	v10 =	vld [tilespmem:s22+$0xC0]  }
0x1b: {  	v12 =	vld [tilespmem:s22+$0xD0]  }
0x1c: {  	v15 =	vld [tilespmem:s22+$0xE0]  }
0x1d: {  	v11 =	vld [tilespmem:s22+$0x80]  }
0x1e: {  	v13 =	vld [tilespmem:s22+$0x90]  }
0x1f: {  	v14 =	vld [tilespmem:s22+$0xA0]  }
0x20: {  	v16 =	vld [tilespmem:s22+$0x40]  }
0x21: {  	v17 =	vld [tilespmem:s22+$0x50]  }
0x22: {  	v20 =	vld [tilespmem:s22+$0x0]  }
0x23: {  	v18 =	vld [tilespmem:s22+$0x10]  }
0x24: {  	v19 =	vld [tilespmem:s22+$0x20]  }
0x25: {  	v21 =	vld [tilespmem:s22+$0xFFFFFFC0]  }
0x26: {  	v23 =	vld [tilespmem:s22+$0xFFFFFFD0]  }
0x27: {  	v22 =	vld [tilespmem:s22+$0xFFFFFFE0]  }
0x28: {  	v24 =	vld [tilespmem:s22+$0xFFFFFF80]  }
0x29: {  	v25 =	vld [tilespmem:s22+$0xFFFFFF90]  }
0x2a: {  	v27 =	vld [tilespmem:s22+$0xFFFFFF00]  }
0x2b: {  	v26 =	vld [tilespmem:s22+$0xFFFFFF10]  }
0x2c: {  	v28 =	vld [tilespmem:s22+$0xFFFFFF20]  }
0x2d: {  	v29 =	vld [tilespmem:s22+$0xFFFFFF30]  }
0x2e: {  	v34 =	vld [tilespmem:s22+$0xFFFFFF40]  }
0x2f: {  	v32 =	vld [tilespmem:s22+$0xFFFFFF50]  }
0x30: {  	v33 =	vld [tilespmem:s22+$0xFFFFFF60]  }
0x31: {  	v35 =	vld [tilespmem:s22+$0xFFFFFF70]  }
0x32: {  	v30 =	vld [tilespmem:s22+$0xFFFFFFA0]  }
0x33: {  	v8 =	vimm.f32 $+Inf;
	v9 =	vimm.f32 $-Inf;
	s24 =	simm.s32 $0x40;
	s23 =	simm.s32 $0x0;
	v31 =	vld [tilespmem:s22+$0xFFFFFFB0]  }
.LBB2_2:
0x34: {  	p0 =	sne.s32 s24, $0xFC0;
	v36 =	vld [tilespmem:s22+$0xFFFFFFF0]  }
0x35: {  	v27 =	vmax.f32 v27, v34;
	v34 =	vld [tilespmem:s22+$0x30]  }
0x36: {  	v26 =	vmax.f32 v26, v32;
	v28 =	vmax.f32 v28, v33;
	v29 =	vmax.f32 v29, v35;
	v32 =	vld [tilespmem:s22+$0x60]  }
0x37: {  	v24 =	vmax.f32 v27, v24;
	v25 =	vmax.f32 v26, v25;
	v26 =	vmax.f32 v28, v30;
	v27 =	vld [tilespmem:s22+$0x70]  }
0x38: {  	v21 =	vmax.f32 v24, v21;
	v23 =	vmax.f32 v25, v23;
	v28 =	vmax.f32 v29, v31;
	v24 =	vld [tilespmem:s22+$0xB0]  }
0x39: {  	v20 =	vmax.f32 v21, v20;
	v22 =	vmax.f32 v26, v22;
	v25 =	vmax.f32 v28, v36;
	v21 =	vld [tilespmem:s22+$0xF0];
	s22 =	sadd.s32 $0x200, s22  }
0x3a: {  	v18 =	vmax.f32 v23, v18;
	v19 =	vmax.f32 v22, v19;
	v26 =	vld [tilespmem:s22+$0xC0];
	v22 =	vmax.f32 v25, v34  }
0x3b: {  	v16 =	vmax.f32 v20, v16;
	v17 =	vmax.f32 v18, v17;
	v23 =	vld [tilespmem:s22+$0xD0];
	v18 =	vmax.f32 v19, v32  }
0x3c: {  	v16 =	vmax.f32 v16, v11;
	v17 =	vmax.f32 v17, v13;
	v19 =	vld [tilespmem:s22+$0xE0];
	v20 =	vmax.f32 v22, v27  }
0x3d: {  	v14 =	vmax.f32 v18, v14;
	v11 =	vld [tilespmem:s22+$0x80];
	v18 =	vmax.f32 v20, v24;
	v20 =	vmax.f32 v16, v10  }
0x3e: {  	v22 =	vmax.f32 v17, v12;
	v15 =	vmax.f32 v14, v15;
	v13 =	vld [tilespmem:s22+$0x90];
	v16 =	vmax.f32 v18, v21  }
0x3f: {  	v17 =	vmax.f32 v20, v22;
	v14 =	vld [tilespmem:s22+$0xA0];
	v18 =	vmax.f32 v15, v16;
	v10 =	vmov v26  }
0x40: {  	s25 =	sshra.s32 s23, $0x2;
	s23 =	smov.u32 s24;
	v16 =	vld [tilespmem:s22+$0x40];
	v21 =	vmax.f32 v17, v18;
	v12 =	vmov v23  }
0x41: {  	v17 =	vld [tilespmem:s22+$0x50];
	[tilespmem:s25+$0x11A00] =	vst v21;
	v22 =	vperm.xlane v21, v0;
	v15 =	vmov v19  }
0x42: {  	v20 =	vld [tilespmem:s22+$0x0]  }
0x43: {  	v18 =	vld [tilespmem:s22+$0x10];
	v22 =	vmax.f32 v21, v22  }
0x44: {  	v19 =	vld [tilespmem:s22+$0x20];
	v24 =	vperm.xlane v22, v1  }
0x45: {  	v21 =	vld [tilespmem:s22+$0xFFFFFFC0]  }
0x46: {  	v23 =	vld [tilespmem:s22+$0xFFFFFFD0];
	v26 =	vmax.f32 v22, v24  }
0x47: {  	v22 =	vld [tilespmem:s22+$0xFFFFFFE0];
	v27 =	vperm.xlane v26, v2  }
0x48: {  	v24 =	vld [tilespmem:s22+$0xFFFFFF80]  }
0x49: {  	v25 =	vld [tilespmem:s22+$0xFFFFFF90];
	v29 =	vmax.f32 v26, v27  }
0x4a: {  	v27 =	vld [tilespmem:s22+$0xFFFFFF00];
	v30 =	vperm.xlane v29, v3  }
0x4b: {  	v26 =	vld [tilespmem:s22+$0xFFFFFF10]  }
0x4c: {  	v28 =	vld [tilespmem:s22+$0xFFFFFF20];
	v30 =	vmax.f32 v29, v30  }
0x4d: {  	v29 =	vld [tilespmem:s22+$0xFFFFFF30];
	v8 =	vmin.f32 v8, v30;
	v9 =	vmax.f32 v9, v30  }
0x4e: {  	v34 =	vld [tilespmem:s22+$0xFFFFFF40]  }
.Ltmp0:
0x4f: {  	v32 =	vld [tilespmem:s22+$0xFFFFFF50];
	(pc) =	sbr.rel @p0 .LBB2_2-.Ltmp0, $4  }
0x50: {  	v33 =	vld [tilespmem:s22+$0xFFFFFF60]  }
0x51: {  	v35 =	vld [tilespmem:s22+$0xFFFFFF70]  }
0x52: {  	v30 =	vld [tilespmem:s22+$0xFFFFFFA0]  }
0x53: {  	s24 =	sadd.s32 $0x40, s24;
	v31 =	vld [tilespmem:s22+$0xFFFFFFB0]  }
0x54: {  	v36 =	vld [tilespmem:s22+$0xFFFFFFF0]  }
0x55: {  	v27 =	vmax.f32 v27, v34;
	v55 =	vld [tilespmem:s22+$0x30]  }
0x56: {  	v26 =	vmax.f32 v26, v32;
	v56 =	vld [tilespmem:s22+$0x60];
	v28 =	vmax.f32 v28, v33;
	v24 =	vmax.f32 v27, v24  }
0x57: {  	v58 =	vld [tilespmem:s22+$0x70];
	v25 =	vmax.f32 v26, v25;
	v29 =	vmax.f32 v29, v35;
	v21 =	vmax.f32 v24, v21  }
0x58: {  	v60 =	vld [tilespmem:s22+$0xB0];
	v23 =	vmax.f32 v25, v23;
	v57 =	vmax.f32 v28, v30;
	v20 =	vmax.f32 v21, v20  }
0x59: {  	v62 =	vld [tilespmem:s22+$0xF0];
	v18 =	vmax.f32 v23, v18;
	v59 =	vmax.f32 v29, v31;
	v22 =	vmax.f32 v57, v22  }
0x5a: {  	v16 =	vmax.f32 v20, v16;
	v17 =	vmax.f32 v18, v17;
	v61 =	vmax.f32 v59, v36  }
0x5b: {  	v19 =	vmax.f32 v22, v19;
	v11 =	vmax.f32 v16, v11;
	v63 =	vmax.f32 v61, v55  }
0x5c: {  	v13 =	vmax.f32 v17, v13;
	v18 =	vmax.f32 v19, v56;
	v19 =	vmax.f32 v63, v58  }
0x5d: {  	v10 =	vmax.f32 v11, v10;
	v14 =	vmax.f32 v18, v14;
	v16 =	vmax.f32 v19, v60  }
0x5e: {  	v11 =	vmax.f32 v13, v12;
	v12 =	vmax.f32 v14, v15;
	v13 =	vmax.f32 v16, v62  }
0x5f: {  	v10 =	vmax.f32 v10, v11;
	v11 =	vmax.f32 v12, v13  }
0x60: {  	v10 =	vmax.f32 v10, v11  }
0x61: {  	v11 =	vperm.xlane v10, v0;
	_ =	sdelay $0x1  }
0x62: {  	v11 =	vmax.f32 v10, v11  }
0x63: {  	v12 =	vperm.xlane v11, v1;
	_ =	sdelay $0x1  }
0x64: {  	v11 =	vmax.f32 v11, v12  }
0x65: {  	v12 =	vperm.xlane v11, v2;
	_ =	sdelay $0x1  }
0x66: {  	v11 =	vmax.f32 v11, v12  }
0x67: {  	v12 =	vperm.xlane v11, v3  }
0x68: {  	s30 =	sshra.s32 s23, $0x2  }
0x69: {  	s31 =	simm.s32 $0x11A20;
	[tilespmem:s30+$0x11A00] =	vst v10;
	v10 =	vmax.f32 v11, v12  }
0x6a: {  	v11 =	vld [tilespmem:s31+$0xFFFFFFE0];
	v8 =	vmin.f32 v8, v10;
	v9 =	vmax.f32 v9, v10  }
0x6b: {  	v13 =	vld [tilespmem:s31+$0xFFFFFFF0];
	v10 =	vadd.f32 v9, v8  }
0x6c: {  	v14 =	vld [tilespmem:s31+$0x0]  }
0x6d: {  	v15 =	vld [tilespmem:s31+$0x10];
	v10 =	vmul.f32 $5.000000000e-01, v10;
	_ =	sdelay $0x1  }
0x6e: {  	s22 =	simm.s32 $0x11A60;
	vm1 =	vge.f32 v11, v10  }
0x6f: {  	v16 =	vimm.s32 $0x0;
	v12 =	vld [tilespmem:s22+$0xFFFFFFE0];
	v17 =	vsel vm1, $0x1, v4;
	vm1 =	vge.f32 v13, v10  }
0x70: {  	v11 =	vld [tilespmem:s22+$0xFFFFFFF0];
	v16 =	vadd.s32 v17, v16;
	v17 =	vsel vm1, $0x1, v4;
	vm1 =	vge.f32 v14, v10  }
0x71: {  	v13 =	vld [tilespmem:s22+$0x0];
	v16 =	vadd.s32 v17, v16;
	v17 =	vsel vm1, $0x1, v4;
	vm1 =	vge.f32 v15, v10  }
0x72: {  	s23 =	simm.s32 $0x4;
	v14 =	vld [tilespmem:s22+$0x10];
	v15 =	vadd.s32 v17, v16;
	v16 =	vsel vm1, $0x1, v4  }
.LBB2_4:
0x73: {  	s23 =	sadd.s32 $0x4, s23  }
0x74: {  	v15 =	vadd.s32 v16, v15;
	p0 =	slt.u32 s23, $0x3C  }
.Ltmp1:
0x75: {  	s22 =	sadd.s32 $0x40, s22;
	vm1 =	vge.f32 v12, v10;
	(pc) =	sbr.rel @p0 .LBB2_4-.Ltmp1, $4  }
0x76: {  	v12 =	vld [tilespmem:s22+$0xFFFFFFE0];
	v16 =	vsel vm1, $0x1, v4;
	vm1 =	vge.f32 v11, v10  }
0x77: {  	v11 =	vld [tilespmem:s22+$0xFFFFFFF0];
	v15 =	vadd.s32 v16, v15;
	v16 =	vsel vm1, $0x1, v4;
	vm1 =	vge.f32 v13, v10  }
0x78: {  	v13 =	vld [tilespmem:s22+$0x0];
	v15 =	vadd.s32 v16, v15;
	v16 =	vsel vm1, $0x1, v4;
	vm1 =	vge.f32 v14, v10  }
0x79: {  	v14 =	vld [tilespmem:s22+$0x10];
	v15 =	vadd.s32 v16, v15;
	v16 =	vsel vm1, $0x1, v4  }
0x7a: {  	_ = 	snop  }
0x7b: {  	vm1 =	vge.f32 v12, v10  }
0x7c: {  	v12 =	vadd.s32 v16, v15;
	v15 =	vsel vm1, $0x1, v4;
	vm1 =	vge.f32 v11, v10  }
0x7d: {  	v11 =	vadd.s32 v15, v12;
	v12 =	vsel vm1, $0x1, v4;
	vm1 =	vge.f32 v13, v10  }
0x7e: {  	v11 =	vadd.s32 v12, v11;
	v12 =	vsel vm1, $0x1, v4;
	vm1 =	vge.f32 v14, v10  }
0x7f: {  	v11 =	vadd.s32 v12, v11;
	v12 =	vsel vm1, $0x1, v4  }
0x80: {  	v11 =	vadd.s32 v12, v11  }
0x81: {  	v12 =	vperm.xlane v11, v0;
	_ =	sdelay $0x1  }
0x82: {  	v11 =	vadd.s32 v11, v12  }
0x83: {  	v12 =	vperm.xlane v11, v1;
	_ =	sdelay $0x1  }
0x84: {  	v11 =	vadd.s32 v12, v11  }
0x85: {  	v12 =	vperm.xlane v11, v2;
	_ =	sdelay $0x1  }
0x86: {  	v11 =	vadd.s32 v12, v11  }
0x87: {  	v12 =	vperm.xlane v11, v3;
	_ =	sdelay $0x1  }
0x88: {  	v11 =	vadd.s32 v12, v11  }
0x89: {  	s22 =	simm.s32 $0x11A20;
	vm1 =	vgt.s32 v11, $0x3F  }
0x8a: {  	v11 =	vld [tilespmem:s22+$0xFFFFFFE0];
	v8 =	vsel vm1, v10, v8;
	v9 =	vsel vm1, v9, v10  }
0x8b: {  	v13 =	vld [tilespmem:s22+$0xFFFFFFF0];
	v10 =	vadd.f32 v9, v8  }
0x8c: {  	v14 =	vld [tilespmem:s22+$0x0]  }
0x8d: {  	v15 =	vld [tilespmem:s22+$0x10];
	v10 =	vmul.f32 $5.000000000e-01, v10;
	_ =	sdelay $0x1  }
0x8e: {  	s22 =	simm.s32 $0x11A60;
	vm1 =	vge.f32 v11, v10  }
0x8f: {  	v16 =	vimm.s32 $0x0;
	v12 =	vld [tilespmem:s22+$0xFFFFFFE0];
	v17 =	vsel vm1, $0x1, v4;
	vm1 =	vge.f32 v13, v10  }
0x90: {  	v11 =	vld [tilespmem:s22+$0xFFFFFFF0];
	v16 =	vadd.s32 v17, v16;
	v17 =	vsel vm1, $0x1, v4;
	vm1 =	vge.f32 v14, v10  }
0x91: {  	v13 =	vld [tilespmem:s22+$0x0];
	v16 =	vadd.s32 v17, v16;
	v17 =	vsel vm1, $0x1, v4;
	vm1 =	vge.f32 v15, v10  }
0x92: {  	s23 =	simm.s32 $0x4;
	v14 =	vld [tilespmem:s22+$0x10];
	v15 =	vadd.s32 v17, v16;
	v16 =	vsel vm1, $0x1, v4  }
.LBB2_6:
0x93: {  	s23 =	sadd.s32 $0x4, s23  }
0x94: {  	v15 =	vadd.s32 v16, v15;
	p0 =	slt.u32 s23, $0x3C  }
.Ltmp2:
0x95: {  	s22 =	sadd.s32 $0x40, s22;
	vm1 =	vge.f32 v12, v10;
	(pc) =	sbr.rel @p0 .LBB2_6-.Ltmp2, $4  }
0x96: {  	v12 =	vld [tilespmem:s22+$0xFFFFFFE0];
	v16 =	vsel vm1, $0x1, v4;
	vm1 =	vge.f32 v11, v10  }
0x97: {  	v11 =	vld [tilespmem:s22+$0xFFFFFFF0];
	v15 =	vadd.s32 v16, v15;
	v16 =	vsel vm1, $0x1, v4;
	vm1 =	vge.f32 v13, v10  }
0x98: {  	v13 =	vld [tilespmem:s22+$0x0];
	v15 =	vadd.s32 v16, v15;
	v16 =	vsel vm1, $0x1, v4;
	vm1 =	vge.f32 v14, v10  }
0x99: {  	v14 =	vld [tilespmem:s22+$0x10];
	v15 =	vadd.s32 v16, v15;
	v16 =	vsel vm1, $0x1, v4  }
0x9a: {  	_ = 	snop  }
0x9b: {  	vm1 =	vge.f32 v12, v10  }
0x9c: {  	v12 =	vadd.s32 v16, v15;
	v15 =	vsel vm1, $0x1, v4;
	vm1 =	vge.f32 v11, v10  }
0x9d: {  	v11 =	vadd.s32 v15, v12;
	v12 =	vsel vm1, $0x1, v4;
	vm1 =	vge.f32 v13, v10  }
0x9e: {  	v11 =	vadd.s32 v12, v11;
	v12 =	vsel vm1, $0x1, v4;
	vm1 =	vge.f32 v14, v10  }
0x9f: {  	v11 =	vadd.s32 v12, v11;
	v12 =	vsel vm1, $0x1, v4  }
0xa0: {  	v11 =	vadd.s32 v12, v11  }
0xa1: {  	v12 =	vperm.xlane v11, v0;
	_ =	sdelay $0x1  }
0xa2: {  	v11 =	vadd.s32 v11, v12  }
0xa3: {  	v12 =	vperm.xlane v11, v1;
	_ =	sdelay $0x1  }
0xa4: {  	v11 =	vadd.s32 v12, v11  }
0xa5: {  	v12 =	vperm.xlane v11, v2;
	_ =	sdelay $0x1  }
0xa6: {  	v11 =	vadd.s32 v12, v11  }
0xa7: {  	v12 =	vperm.xlane v11, v3;
	_ =	sdelay $0x1  }
0xa8: {  	v11 =	vadd.s32 v12, v11  }
0xa9: {  	s22 =	simm.s32 $0x11A20;
	vm1 =	vgt.s32 v11, $0x3F  }
0xaa: {  	v11 =	vld [tilespmem:s22+$0xFFFFFFE0];
	v8 =	vsel vm1, v10, v8;
	v9 =	vsel vm1, v9, v10  }
0xab: {  	v13 =	vld [tilespmem:s22+$0xFFFFFFF0];
	v10 =	vadd.f32 v9, v8  }
0xac: {  	v14 =	vld [tilespmem:s22+$0x0]  }
0xad: {  	v15 =	vld [tilespmem:s22+$0x10];
	v10 =	vmul.f32 $5.000000000e-01, v10;
	_ =	sdelay $0x1  }
0xae: {  	s22 =	simm.s32 $0x11A60;
	vm1 =	vge.f32 v11, v10  }
0xaf: {  	v16 =	vimm.s32 $0x0;
	v12 =	vld [tilespmem:s22+$0xFFFFFFE0];
	v17 =	vsel vm1, $0x1, v4;
	vm1 =	vge.f32 v13, v10  }
0xb0: {  	v11 =	vld [tilespmem:s22+$0xFFFFFFF0];
	v16 =	vadd.s32 v17, v16;
	v17 =	vsel vm1, $0x1, v4;
	vm1 =	vge.f32 v14, v10  }
0xb1: {  	v13 =	vld [tilespmem:s22+$0x0];
	v16 =	vadd.s32 v17, v16;
	v17 =	vsel vm1, $0x1, v4;
	vm1 =	vge.f32 v15, v10  }
0xb2: {  	s23 =	simm.s32 $0x4;
	v14 =	vld [tilespmem:s22+$0x10];
	v15 =	vadd.s32 v17, v16;
	v16 =	vsel vm1, $0x1, v4  }
.LBB2_8:
0xb3: {  	s23 =	sadd.s32 $0x4, s23  }
0xb4: {  	v15 =	vadd.s32 v16, v15;
	p0 =	slt.u32 s23, $0x3C  }
.Ltmp3:
0xb5: {  	s22 =	sadd.s32 $0x40, s22;
	vm1 =	vge.f32 v12, v10;
	(pc) =	sbr.rel @p0 .LBB2_8-.Ltmp3, $4  }
0xb6: {  	v12 =	vld [tilespmem:s22+$0xFFFFFFE0];
	v16 =	vsel vm1, $0x1, v4;
	vm1 =	vge.f32 v11, v10  }
0xb7: {  	v11 =	vld [tilespmem:s22+$0xFFFFFFF0];
	v15 =	vadd.s32 v16, v15;
	v16 =	vsel vm1, $0x1, v4;
	vm1 =	vge.f32 v13, v10  }
0xb8: {  	v13 =	vld [tilespmem:s22+$0x0];
	v15 =	vadd.s32 v16, v15;
	v16 =	vsel vm1, $0x1, v4;
	vm1 =	vge.f32 v14, v10  }
0xb9: {  	v14 =	vld [tilespmem:s22+$0x10];
	v15 =	vadd.s32 v16, v15;
	v16 =	vsel vm1, $0x1, v4  }
0xba: {  	_ = 	snop  }
0xbb: {  	vm1 =	vge.f32 v12, v10  }
0xbc: {  	v12 =	vadd.s32 v16, v15;
	v15 =	vsel vm1, $0x1, v4;
	vm1 =	vge.f32 v11, v10  }
0xbd: {  	v11 =	vadd.s32 v15, v12;
	v12 =	vsel vm1, $0x1, v4;
	vm1 =	vge.f32 v13, v10  }
0xbe: {  	v11 =	vadd.s32 v12, v11;
	v12 =	vsel vm1, $0x1, v4;
	vm1 =	vge.f32 v14, v10  }
0xbf: {  	v11 =	vadd.s32 v12, v11;
	v12 =	vsel vm1, $0x1, v4  }
0xc0: {  	v11 =	vadd.s32 v12, v11  }
0xc1: {  	v12 =	vperm.xlane v11, v0;
	_ =	sdelay $0x1  }
0xc2: {  	v11 =	vadd.s32 v11, v12  }
0xc3: {  	v12 =	vperm.xlane v11, v1;
	_ =	sdelay $0x1  }
0xc4: {  	v11 =	vadd.s32 v12, v11  }
0xc5: {  	v12 =	vperm.xlane v11, v2;
	_ =	sdelay $0x1  }
0xc6: {  	v11 =	vadd.s32 v12, v11  }
0xc7: {  	v12 =	vperm.xlane v11, v3;
	_ =	sdelay $0x1  }
0xc8: {  	v11 =	vadd.s32 v12, v11  }
0xc9: {  	s22 =	simm.s32 $0x11A20;
	vm1 =	vgt.s32 v11, $0x3F  }
0xca: {  	v8 =	vsel vm1, v10, v8;
	v9 =	vsel vm1, v9, v10;
	v10 =	vld [tilespmem:s22+$0xFFFFFFE0]  }
0xcb: {  	v12 =	vld [tilespmem:s22+$0xFFFFFFF0];
	v9 =	vadd.f32 v9, v8  }
0xcc: {  	v13 =	vld [tilespmem:s22+$0x0]  }
0xcd: {  	v14 =	vld [tilespmem:s22+$0x10];
	v9 =	vmul.f32 $5.000000000e-01, v9;
	_ =	sdelay $0x1  }
0xce: {  	s22 =	simm.s32 $0x11A60;
	vm1 =	vge.f32 v10, v9  }
0xcf: {  	v15 =	vimm.s32 $0x0;
	v11 =	vld [tilespmem:s22+$0xFFFFFFE0];
	v16 =	vsel vm1, $0x1, v4;
	vm1 =	vge.f32 v12, v9  }
0xd0: {  	v10 =	vld [tilespmem:s22+$0xFFFFFFF0];
	v15 =	vadd.s32 v16, v15;
	v16 =	vsel vm1, $0x1, v4;
	vm1 =	vge.f32 v13, v9  }
0xd1: {  	v12 =	vld [tilespmem:s22+$0x0];
	v15 =	vadd.s32 v16, v15;
	v16 =	vsel vm1, $0x1, v4;
	vm1 =	vge.f32 v14, v9  }
0xd2: {  	s23 =	simm.s32 $0x4;
	v13 =	vld [tilespmem:s22+$0x10];
	v14 =	vadd.s32 v16, v15;
	v15 =	vsel vm1, $0x1, v4  }
.LBB2_10:
0xd3: {  	s23 =	sadd.s32 $0x4, s23  }
0xd4: {  	v14 =	vadd.s32 v15, v14;
	p0 =	slt.u32 s23, $0x3C  }
.Ltmp4:
0xd5: {  	s22 =	sadd.s32 $0x40, s22;
	vm1 =	vge.f32 v11, v9;
	(pc) =	sbr.rel @p0 .LBB2_10-.Ltmp4, $4  }
0xd6: {  	v11 =	vld [tilespmem:s22+$0xFFFFFFE0];
	v15 =	vsel vm1, $0x1, v4;
	vm1 =	vge.f32 v10, v9  }
0xd7: {  	v10 =	vld [tilespmem:s22+$0xFFFFFFF0];
	v14 =	vadd.s32 v15, v14;
	v15 =	vsel vm1, $0x1, v4;
	vm1 =	vge.f32 v12, v9  }
0xd8: {  	v12 =	vld [tilespmem:s22+$0x0];
	v14 =	vadd.s32 v15, v14;
	v15 =	vsel vm1, $0x1, v4;
	vm1 =	vge.f32 v13, v9  }
0xd9: {  	v13 =	vld [tilespmem:s22+$0x10];
	v14 =	vadd.s32 v15, v14;
	v15 =	vsel vm1, $0x1, v4  }
0xda: {  	_ = 	snop  }
0xdb: {  	vm1 =	vge.f32 v11, v9  }
0xdc: {  	v11 =	vadd.s32 v15, v14;
	v14 =	vsel vm1, $0x1, v4;
	vm1 =	vge.f32 v10, v9  }
0xdd: {  	v10 =	vadd.s32 v14, v11;
	v11 =	vsel vm1, $0x1, v4;
	vm1 =	vge.f32 v12, v9  }
0xde: {  	v10 =	vadd.s32 v11, v10;
	v11 =	vsel vm1, $0x1, v4;
	vm1 =	vge.f32 v13, v9  }
0xdf: {  	v10 =	vadd.s32 v11, v10;
	v11 =	vsel vm1, $0x1, v4  }
0xe0: {  	v10 =	vadd.s32 v11, v10  }
0xe1: {  	v11 =	vperm.xlane v10, v0;
	_ =	sdelay $0x1  }
0xe2: {  	v10 =	vadd.s32 v10, v11  }
0xe3: {  	v11 =	vperm.xlane v10, v1;
	_ =	sdelay $0x1  }
0xe4: {  	v10 =	vadd.s32 v11, v10  }
0xe5: {  	v11 =	vperm.xlane v10, v2;
	_ =	sdelay $0x1  }
0xe6: {  	s22 =	simm.s32 $0x40;
	v10 =	vadd.s32 v11, v10  }
0xe7: {  	v12 =	vld [tilespmem:s22+$0xFFFFFFC0];
	v11 =	vperm.xlane v10, v3  }
0xe8: {  	v13 =	vld [tilespmem:s22+$0xFFFFFFD0]  }
0xe9: {  	v14 =	vld [tilespmem:s22+$0xFFFFFFE0];
	v10 =	vadd.s32 v11, v10  }
0xea: {  	vm1 =	vgt.s32 v10, $0x3F  }
0xeb: {  	v10 =	vsel vm1, v9, v8  }
0xec: {  	v15 =	vld [tilespmem:s22+$0xFFFFFFF0];
	vm6 =	vge.f32 v12, v10  }
0xed: {  	v19 =	vld [tilespmem:s22+$0x10];
	v8 =	vlaneseq.u32;
	vm3 =	vge.f32 v13, v10;
	v11 =	vsel vm6, $0x10, v4  }
0xee: {  	v9 =	vld [tilespmem:s22+$0x0];
	vm5 =	vge.f32 v14, v10;
	v12 =	vsel vm3, $0x10, v4;
	v11 =	vadd.s32 v8, v11  }
0xef: {  	vm2 =	vlt.s32 v8, v6;
	v13 =	vsel vm5, $0x10, v4;
	v12 =	vadd.s32 v11, v12  }
0xf0: {  	v16 =	vld [tilespmem:s22+$0x20];
	v14 =	vadd.s32 v12, v13;
	v13 =	vsel vm2, v8, v6  }
0xf1: {  	v17 =	vld [tilespmem:s22+$0x30]  }
0xf2: {  	vm1 =	vge.f32 v15, v10  }
0xf3: {  	vm4 =	vge.f32 v19, v10;
	v15 =	vsel vm1, $0x10, v4;
	vm2 =	vge.f32 v9, v10  }
0xf4: {  	s23 =	simm.s32 $0x0;
	v9 =	vlaneseq.u32;
	v15 =	vadd.s32 v14, v15;
	v18 =	vsel vm2, $0x10, v4  }
.LBB2_12:
0xf5: {  	s23 =	sadd.s32 $0x8, s23;
	[tilespmem:v13+s14+$0x0] =	vst.idx.msk vm6, v8;
	v13 =	vadd.s32 v15, v18;
	v18 =	vsel vm4, $0x10, v4;
	vm7 =	vge.f32 v16, v10  }
0xf6: {  	p0 =	slt.u32 s23, $0x7F8;
	v16 =	vadd.s32 v13, v18;
	v18 =	vsel vm7, $0x10, v4;
	vm6 =	vge.f32 v17, v10  }
0xf7: {  	vm8 =	vlt.s32 v16, v6;
	v17 =	vadd.s32 v16, v18;
	v18 =	vsel vm6, $0x10, v4  }
0xf8: {  	vm9 =	vlt.s32 v13, v6;
	vm10 =	vlt.s32 v17, v6;
	v18 =	vadd.s32 v17, v18  }
0xf9: {  	vm11 =	vlt.s32 v12, v6;
	vm12 =	vlt.s32 v14, v6;
	vm13 =	vlt.s32 v15, v6  }
0xfa: {  	vm15 =	vlt.s32 v11, v6;
	s22 =	sadd.s32 $0x80, s22;
	vm14 =	vlt.s32 v18, v6;
	v17 =	vsel vm10, v17, v6  }
0xfb: {  	v15 =	vsel vm13, v15, v6;
	v20 =	vsel vm9, v13, v6;
	v16 =	vsel vm8, v16, v6;
	v19 =	vld [tilespmem:s22+$0xFFFFFFC0]  }
0xfc: {  	v22 =	vsel vm15, v11, v6;
	v23 =	vsel vm11, v12, v6;
	v14 =	vsel vm12, v14, v6;
	v21 =	vld [tilespmem:s22+$0xFFFFFFD0]  }
0xfd: {  	vm9 =	vmmov vm5;
	vm8 =	vmmov vm3;
	v13 =	vsel vm14, v18, v6;
	v12 =	vld [tilespmem:s22+$0xFFFFFFE0]  }
0xfe: {  	v8 =	vadd.s32 $0x80, v8;
	v11 =	vadd.s32 $0x70, v9;
	v24 =	vld [tilespmem:s22+$0xFFFFFFF0]  }
0xff: {  	v26 =	vadd.s32 $0x10, v9;
	v27 =	vadd.s32 $0x20, v9;
	v28 =	vadd.s32 $0x60, v9;
	v25 =	vld [tilespmem:s22+$0x0];
	[tilespmem:v17+s14+$0x0] =	vst.idx.msk vm6, v11  }
0x100: {  	v29 =	vadd.s32 $0x30, v9;
	v11 =	vadd.s32 $0x50, v9;
	vm6 =	vge.f32 v19, v10;
	v19 =	vld [tilespmem:s22+$0x10];
	[tilespmem:v16+s14+$0x0] =	vst.idx.msk vm7, v28  }
.Ltmp5:
0x101: {  	v17 =	vsel vm6, $0x10, v4;
	vm3 =	vge.f32 v21, v10;
	v16 =	vld [tilespmem:s22+$0x20];
	v21 =	vadd.s32 $0x40, v9;
	[tilespmem:v20+s14+$0x0] =	vst.idx.msk vm4, v11;
	v9 =	vmovc v8;
	(pc) =	sbr.rel @p0 .LBB2_12-.Ltmp5, $4  }
0x102: {  	v11 =	vadd.s32 v18, v17;
	v18 =	vsel vm3, $0x10, v4;
	vm5 =	vge.f32 v12, v10;
	v17 =	vld [tilespmem:s22+$0x30];
	[tilespmem:v15+s14+$0x0] =	vst.idx.msk vm2, v21  }
0x103: {  	v12 =	vadd.s32 v11, v18;
	v15 =	vsel vm5, $0x10, v4;
	[tilespmem:v14+s14+$0x0] =	vst.idx.msk vm1, v29;
	vm1 =	vge.f32 v24, v10  }
0x104: {  	v14 =	vadd.s32 v12, v15;
	v15 =	vsel vm1, $0x10, v4;
	vm2 =	vge.f32 v25, v10;
	[tilespmem:v23+s14+$0x0] =	vst.idx.msk vm9, v27  }
0x105: {  	v15 =	vadd.s32 v14, v15;
	v18 =	vsel vm2, $0x10, v4;
	vm4 =	vge.f32 v19, v10;
	[tilespmem:v22+s14+$0x0] =	vst.idx.msk vm8, v26  }
0x106: {  	v18 =	vadd.s32 v15, v18;
	v19 =	vsel vm4, $0x10, v4;
	vm7 =	vge.f32 v16, v10  }
0x107: {  	v57 =	vadd.s32 v18, v19;
	v58 =	vsel vm7, $0x10, v4;
	vm8 =	vge.f32 v17, v10  }
0x108: {  	v10 =	vadd.s32 v57, v58;
	v17 =	vsel vm8, $0x10, v4  }
0x109: {  	v17 =	vadd.s32 v10, v17  }
0x10a: {  	v59 =	vperm.xlane v17, v0;
	_ =	sdelay $0x1  }
0x10b: {  	vm9 =	vgt.s32 v17, v59  }
0x10c: {  	v19 =	vsel vm9, v17, v59  }
0x10d: {  	v20 =	vperm.xlane v19, v1;
	_ =	sdelay $0x1  }
0x10e: {  	vm9 =	vgt.s32 v19, v20  }
0x10f: {  	v19 =	vsel vm9, v19, v20  }
0x110: {  	v20 =	vperm.xlane v19, v2;
	_ =	sdelay $0x1  }
0x111: {  	vm9 =	vgt.s32 v19, v20  }
0x112: {  	v19 =	vsel vm9, v19, v20  }
0x113: {  	v20 =	vperm.xlane v19, v3;
	_ =	sdelay $0x1  }
0x114: {  	vm9 =	vgt.s32 v19, v20  }
0x115: {  	v19 =	vsel vm9, v19, v20  }
0x116: {  	(v2sf) =	vpush v19, $0x0;
	_ =	sdelay $0xa  }
0x117: {  	vm11 =	vlt.s32 v15, v6  }
0x118: {  	v15 =	vsel vm11, v15, v6;
	vm14 =	vlt.s32 v10, v6  }
0x119: {  	vm10 =	vlt.s32 v57, v6;
	v10 =	vsel vm14, v10, v6  }
0x11a: {  	vm5 =	vmmov vm5;
	v16 =	vsel vm10, v57, v6;
	vm10 =	vlt.s32 v12, v6  }
0x11b: {  	vm12 =	vlt.s32 v11, v6;
	vm15 =	vlt.s32 v18, v6;
	v12 =	vsel vm10, v12, v6;
	s23 =	spop (v2sf)  }
0x11c: {  	[tilespmem:v13+s14+$0x0] =	vst.idx.msk vm6, v8;
	v62 =	vadd.s32 $0x40, v9;
	v18 =	vsel vm15, v18, v6;
	vm9 =	vlt.s32 v14, v6;
	s22 =	sshrl.u32 s23, $0x4  }
0x11d: {  	v60 =	vadd.s32 $0x70, v9;
	vm3 =	vmmov vm3;
	[tilespmem:v15+s14+$0x0] =	vst.idx.msk vm2, v62;
	v8 =	vsel vm9, v14, v6;
	s22 =	smin.u32 s22, $0xBF  }
0x11e: {  	v61 =	vadd.s32 $0x60, v9;
	[tilespmem:v10+s14+$0x0] =	vst.idx.msk vm8, v60;
	v10 =	vsel vm12, v11, v6;
	s25 =	sadd.s32 $0x1, s22  }
0x11f: {  	v63 =	vadd.s32 $0x20, v9;
	[tilespmem:v16+s14+$0x0] =	vst.idx.msk vm7, v61;
	p2 =	seq.s32 s25, $0x1  }
.Ltmp6:
0x120: {  	v11 =	vadd.s32 $0x50, v9;
	[tilespmem:v12+s14+$0x0] =	vst.idx.msk vm5, v63;
	(pc) =	sbr.rel @p2 .LBB2_14-.Ltmp6, $4  }
0x121: {  	[tilespmem:v18+s14+$0x0] =	vst.idx.msk vm4, v11;
	v11 =	vadd.s32 $0x30, v9  }
0x122: {  	s26 =	simm.s32 $0x0;
	[tilespmem:v8+s14+$0x0] =	vst.idx.msk vm1, v11;
	v8 =	vadd.s32 $0x10, v9;
	v9 =	vadd.s32 v7, v17  }
0x123: {  	s28 =	simm.s32 $0x10C00;
	s24 =	simm.s32 $0x10000;
	[tilespmem:v10+s14+$0x0] =	vst.idx.msk vm3, v8;
	v8 =	vshrl.u32 v9, $0x4;
	v10 =	vmov s26  }
0x124: {  	p0 =	por $0x0, $0x0;
	p1 =	por $0x0, $0x0;
	s26 =	simm.s32 $0x1;
	v9 =	vld [tilespmem:s28+$0x0];
	vm1 =	vlt.u32 v10, v8  }
0x125: {  	_ =	sdelay $0x3  }
0x126: {  	p2 =	seq.s32 s25, $0x2;
	v10 =	vnsel vm1, $0x0, v9  }
.Ltmp7:
0x127: {  	_ = 	snop;
	(pc) =	sbr.rel @p2 .LBB2_37-.Ltmp7, $4  }
0x128: {  	_ = 	snop  }
0x129: {  	s28 =	simm.s32 $0x10C10  }
0x12a: {  	v11 =	vmov s26;
	v9 =	vld [tilespmem:s28+$0x0]  }
0x12b: {  	s26 =	simm.s32 $0x2;
	vm2 =	vmmov vm1;
	p0 =	por $0x1, $0x1;
	vm3 =	vlt.u32 v11, v8;
	v11 =	vld.idx.msk [tilespmem:v10+s2+$0x0], $0xffff  }
0x12c: {  	_ =	sdelay $0x2  }
0x12d: {  	p2 =	seq.s32 s25, $0x3;
	v12 =	vnsel vm3, $0x0, v9  }
.Ltmp8:
0x12e: {  	s28 =	simm.s32 $0x10C20;
	(pc) =	sbr.rel @p2 .LBB2_39-.Ltmp8, $3  }
0x12f: {  	v9 =	vld [tilespmem:s28+$0x0];
	_ =	sdelay $0x1  }
0x130: {  	v13 =	vmov s26  }
0x131: {  	s29 =	simm.s32 $0x3;
	p1 =	por $0x1, $0x1;
	s26 =	simm.s32 $0x10000;
	vm1 =	vlt.u32 v13, v8;
	v10 =	vnsel vm2, $0xFF800000, v11;
	vm2 =	vmmov vm3;
	v11 =	vld.idx.msk [tilespmem:v12+s2+$0x0], $0xffff  }
.LBB2_40:
0x132: {  	s30 =	smov.u32 s29;
	s29 =	sadd.s32 $0x1, s29  }
0x133: {  	v12 =	vnsel vm1, $0x0, v9;
	s28 =	sadd.s32 $0x10, s28;
	[tilespmem:s26+$0x0] =	vst v10;
	s26 =	sadd.s32 $0x10, s26;
	p2 =	seq.s32 s25, s29  }
.Ltmp9:
0x134: {  	v9 =	vld [tilespmem:s28+$0x0];
	(pc) =	sbr.rel @!p2 .LBB2_40-.Ltmp9, $3  }
0x135: {  	_ =	sdelay $0x1  }
0x136: {  	v13 =	vmov s30  }
0x137: {  	v10 =	vnsel vm2, $0xFF800000, v11;
	vm2 =	vmmov vm1;
	vm1 =	vlt.u32 v13, v8;
	v11 =	vld.idx.msk [tilespmem:v12+s2+$0x0], $0xffff  }
.LBB2_41:
0x138: {  	v8 =	vnsel vm1, $0x0, v9;
	_ =	sdelay $0x4  }
0x139: {  	v8 =	vld.idx.msk [tilespmem:v8+s2+$0x0], $0xffff;
	_ =	sdelay $0x1  }
0x13a: {  	s25 =	sadd.s32 @p1 $0x10, s26;
	s28 =	simm.s32 $0x10000  }
0x13b: {  	s28 =	smov.u32 @p1 s25;
	v9 =	vnsel @p0 vm2, $0xFF800000, v11  }
0x13c: {  	[tilespmem:s26+$0x0] =	vst @p1 v10;
	vm1 =	vmmov vm1;
	s25 =	sadd.s32 @p0 $0x10, s28;
	v9 =	vpsel p0, v9, v0  }
0x13d: {  	s24 =	smov.u32 @p0 s25;
	[tilespmem:s28+$0x0] =	vst @p0 v9;
	v8 =	vnsel vm1, $0xFF800000, v8  }
0x13e: {  	[tilespmem:s24+$0x0] =	vst v8  }
0x13f: {  	p0 =	sgt.u32 s23, $0x1F  }
.Ltmp10:
0x140: {  	_ = 	snop;
	(pc) =	sbr.rel @!p0 .LBB2_20-.Ltmp10, $1  }
0x141: {  	_ =	sdelay $0x3  }
0x142: {  	s23 =	simm.s32 $0x1  }
0x143: {  	s24 =	simm.s32 $0x10;
	s25 =	simm.s32 $0x10000;
	s26 =	simm.s32 $0x10C00  }
.LBB2_17:
0x144: {  	p0 =	sne.s32 s24, $0x10  }
.Ltmp11:
0x145: {  	v10 =	vld [tilespmem:s26+$0x0];
	(pc) =	sbr.rel @!p0 .LBB2_19-.Ltmp11, $4  }
0x146: {  	s28 =	sshll.u32 s23, $0x4;
	v11 =	vld [tilespmem:s25+$0x0]  }
0x147: {  	v9 =	vld [tilespmem:s28+$0x10000]  }
0x148: {  	s29 =	sadd.s32 $0xFFFFFFF0, s24;
	v8 =	vld [tilespmem:s28+$0x10C00]  }
0x149: {  	vm1 =	vmmov vm0;
	vm2 =	vmmov vm0;
	s30 =	smov.u32 s26;
	s31 =	smov.u32 s25;
	s28 =	smov.u32 s24  }
.LBB2_18:
0x14a: {  	p0 =	sne.s32 s29, $0x10;
	_ =	sdelay $0x1  }
0x14b: {  	v12 =	vor.u32 s28, v5;
	s28 =	smov.u32 s29  }
0x14c: {  	vm4 =	vlt.s32 v8, v10;
	vm3 =	veq.f32 v9, v11  }
0x14d: {  	vm5 =	vgt.f32 v9, v11;
	vm3 =	vmand vm3, vm4  }
0x14e: {  	vm3 =	vmor vm5, vm3  }
0x14f: {  	v11 =	vsel vm3, v11, v9;
	v10 =	vsel vm3, v10, v8;
	vm2 =	vmand vm2, vm3  }
.Ltmp12:
0x150: {  	[tilespmem:v12+s15+$0x0] =	vst.idx.msk vm1, v11;
	(pc) =	sbr.rel @p0 .LBB2_18-.Ltmp12, $4  }
0x151: {  	s30 =	sadd.s32 $0xFFFFFFF0, s30;
	[tilespmem:v12+s14+$0x0] =	vst.idx.msk vm1, v10;
	vm1 =	vmmov vm2  }
0x152: {  	s31 =	sadd.s32 $0xFFFFFFF0, s31;
	v10 =	vld [tilespmem:s30+$0x0]  }
0x153: {  	v11 =	vld [tilespmem:s31+$0x0]  }
0x154: {  	s29 =	sadd.s32 $0xFFFFFFF0, s29  }
.LBB2_19:
0x155: {  	_ =	sdelay $0x2  }
0x156: {  	vm3 =	veq.f32 v9, v11;
	vm4 =	vlt.s32 v8, v10  }
0x157: {  	vm5 =	vgt.f32 v9, v11;
	vm3 =	vmand vm3, vm4  }
0x158: {  	v12 =	vor.u32 s28, v5;
	vm3 =	vmor vm5, vm3  }
0x159: {  	vm2 =	vmand vm2, vm3  }
0x15a: {  	s23 =	sadd.s32 $0x1, s23  }
0x15b: {  	p0 =	sne.s32 s23, s22  }
.Ltmp13:
0x15c: {  	v62 =	vsel vm3, v11, v9;
	(pc) =	sbr.rel @p0 .LBB2_17-.Ltmp13, $4  }
0x15d: {  	v63 =	vsel vm3, v10, v8;
	[tilespmem:v12+s15+$0x0] =	vst.idx.msk vm1, v62  }
0x15e: {  	[tilespmem:v12+s14+$0x0] =	vst.idx.msk vm1, v63  }
0x15f: {  	[tilespmem:v5+s15+$0x0] =	vst.idx.msk vm2, v9  }
0x160: {  	s24 =	sadd.s32 $0x10, s24;
	s25 =	sadd.s32 $0x10, s25;
	s26 =	sadd.s32 $0x10, s26;
	[tilespmem:v5+s14+$0x0] =	vst.idx.msk vm2, v8  }
.LBB2_20:
0x161: {  	v11 =	vimm.s32 $0x0  }
0x162: {  	v8 =	vshll.u32 v11, $0x4  }
0x163: {  	s22 =	simm.s32 $0x0;
	s23 =	simm.s32 $0x1;
	v12 =	vor.u32 v5, v8  }
.LBB2_21:
0x164: {  	p0 =	sne.s32 s23, $0x3F;
	_ =	sdelay $0x3  }
0x165: {  	v13 =	vld.idx.msk [tilespmem:v12+s15+$0x0], $0xffff  }
0x166: {  	v12 =	vld.idx.msk [tilespmem:v12+s14+$0x0], $0xffff;
	_ =	sdelay $0x5  }
0x167: {  	v8 =	vperm.xlane v13, v0;
	v9 =	vperm.xlane v12, v0;
	_ =	sdelay $0x1  }
0x168: {  	vm1 =	veq.f32 v8, v13;
	vm2 =	vlt.s32 v9, v12  }
0x169: {  	vm3 =	vgt.f32 v8, v13;
	vm1 =	vmand vm1, vm2  }
0x16a: {  	vm1 =	vmor vm3, vm1  }
0x16b: {  	v10 =	vsel vm1, v8, v13;
	v9 =	vsel vm1, v9, v12;
	v8 =	vand.u32 $0xF, v1  }
0x16c: {  	v14 =	vperm.xlane v10, v8;
	v15 =	vperm.xlane v9, v8;
	_ =	sdelay $0x1  }
0x16d: {  	vm1 =	veq.f32 v14, v10;
	vm2 =	vlt.s32 v15, v9  }
0x16e: {  	vm3 =	vgt.f32 v14, v10;
	vm1 =	vmand vm1, vm2  }
0x16f: {  	vm1 =	vmor vm3, vm1  }
0x170: {  	v10 =	vsel vm1, v14, v10;
	v14 =	vsel vm1, v15, v9;
	v9 =	vand.u32 $0xF, v2  }
0x171: {  	v15 =	vperm.xlane v10, v9;
	v16 =	vperm.xlane v14, v9;
	_ =	sdelay $0x1  }
0x172: {  	vm1 =	veq.f32 v15, v10;
	vm2 =	vlt.s32 v16, v14  }
0x173: {  	vm3 =	vgt.f32 v15, v10;
	vm1 =	vmand vm1, vm2  }
0x174: {  	vm1 =	vmor vm3, vm1  }
0x175: {  	v15 =	vsel vm1, v15, v10;
	v14 =	vsel vm1, v16, v14;
	v10 =	vand.u32 $0xF, v3  }
0x176: {  	v16 =	vperm.xlane v15, v10;
	v17 =	vperm.xlane v14, v10  }
0x177: {  	v18 =	vmov s22;
	s22 =	smov.u32 s23  }
0x178: {  	vm1 =	veq.f32 v16, v15;
	vm2 =	vlt.s32 v17, v14  }
0x179: {  	vm3 =	vgt.f32 v16, v15;
	vm1 =	vmand vm1, vm2  }
0x17a: {  	vm1 =	vmor vm3, vm1  }
0x17b: {  	v15 =	vsel vm1, v16, v15;
	v14 =	vsel vm1, v17, v14  }
0x17c: {  	vm1 =	veq.f32 v13, v15;
	vm2 =	veq.s32 v12, v14;
	[tilespmem:v18+s16+$0x0] =	vst.idx.msk $0x1, v15  }
.Ltmp14:
0x17d: {  	vm1 =	vmand vm1, vm2;
	[tilespmem:v18+s17+$0x0] =	vst.idx.msk $0x1, v14;
	(pc) =	sbr.rel @p0 .LBB2_21-.Ltmp14, $4  }
0x17e: {  	v12 =	vsel vm1, $0x1, v4  }
0x17f: {  	v11 =	vadd.s32 v12, v11  }
0x180: {  	v12 =	vshll.u32 v11, $0x4  }
0x181: {  	s23 =	sadd.s32 $0x1, s23;
	v12 =	vor.u32 v5, v12  }
0x182: {  	_ =	sdelay $0x3  }
0x183: {  	v11 =	vld.idx.msk [tilespmem:v12+s15+$0x0], $0xffff  }
0x184: {  	v12 =	vld.idx.msk [tilespmem:v12+s14+$0x0], $0xffff;
	_ =	sdelay $0x4  }
0x185: {  	v13 =	vperm.xlane v11, v0;
	v14 =	vperm.xlane v12, v0;
	_ =	sdelay $0x1  }
0x186: {  	vm1 =	veq.f32 v13, v11;
	vm2 =	vlt.s32 v14, v12  }
0x187: {  	vm3 =	vgt.f32 v13, v11;
	vm1 =	vmand vm1, vm2  }
0x188: {  	vm1 =	vmor vm3, vm1  }
0x189: {  	v11 =	vsel vm1, v13, v11;
	v12 =	vsel vm1, v14, v12  }
0x18a: {  	v13 =	vperm.xlane v11, v8;
	v14 =	vperm.xlane v12, v8;
	_ =	sdelay $0x1  }
0x18b: {  	vm1 =	veq.f32 v13, v11;
	vm2 =	vlt.s32 v14, v12  }
0x18c: {  	vm3 =	vgt.f32 v13, v11;
	vm1 =	vmand vm1, vm2  }
0x18d: {  	vm1 =	vmor vm3, vm1  }
0x18e: {  	v11 =	vsel vm1, v13, v11;
	v12 =	vsel vm1, v14, v12  }
0x18f: {  	v13 =	vperm.xlane v11, v9;
	v14 =	vperm.xlane v12, v9;
	_ =	sdelay $0x1  }
0x190: {  	vm1 =	veq.f32 v13, v11;
	vm2 =	vlt.s32 v14, v12  }
0x191: {  	vm3 =	vgt.f32 v13, v11;
	vm1 =	vmand vm1, vm2  }
0x192: {  	vm1 =	vmor vm3, vm1  }
0x193: {  	v11 =	vsel vm1, v13, v11;
	v12 =	vsel vm1, v14, v12  }
0x194: {  	v13 =	vperm.xlane v11, v10;
	v14 =	vperm.xlane v12, v10  }
0x195: {  	v15 =	vmov s22  }
0x196: {  	vm1 =	veq.f32 v13, v11;
	vm2 =	vlt.s32 v14, v12  }
0x197: {  	vm3 =	vgt.f32 v13, v11;
	vm1 =	vmand vm1, vm2  }
0x198: {  	vm1 =	vmor vm3, vm1  }
0x199: {  	v11 =	vsel vm1, v13, v11  }
0x19a: {  	v12 =	vsel vm1, v14, v12;
	[tilespmem:v15+s16+$0x0] =	vst.idx.msk $0x1, v11  }
0x19b: {  	s22 =	simm.s32 $0x0;
	[tilespmem:v15+s17+$0x0] =	vst.idx.msk $0x1, v12  }
0x19c: {  	[hbm4b:s5+s22] =	stream.linear.scatter [tilespmem:s16], [sflag:$0x1], $0x80, $0x38;
	[tilespmem:$0x11E00] =	vst v63  }
0x19d: {  	_ = 	snop  }
0x19e: {  	[hbm4b:s6+s22] =	stream.linear.scatter [tilespmem:s17], [sflag:$0x1], $0x80, $0x38;
	[tilespmem:$0x11E00] =	vst v63  }
0x19f: {  	_ =	swait.ge [sflag:s18], $0x8000  }
0x1a0: {  	[sflag:s18] =	ssyncset.done $0x0  }
0x1a1: {  	s23 =	simm.s32 $0x8100;
	[sflag:s18] =	ssyncadd.s32 $0xFFFF8000  }
0x1a2: {  	v13 =	vld [tilespmem:s23+$0xC0]  }
0x1a3: {  	v15 =	vld [tilespmem:s23+$0xD0]  }
0x1a4: {  	v18 =	vld [tilespmem:s23+$0xE0]  }
0x1a5: {  	v14 =	vld [tilespmem:s23+$0x80]  }
0x1a6: {  	v16 =	vld [tilespmem:s23+$0x90]  }
0x1a7: {  	v17 =	vld [tilespmem:s23+$0xA0]  }
0x1a8: {  	v19 =	vld [tilespmem:s23+$0x40]  }
0x1a9: {  	v20 =	vld [tilespmem:s23+$0x50]  }
0x1aa: {  	v23 =	vld [tilespmem:s23+$0x0]  }
0x1ab: {  	v21 =	vld [tilespmem:s23+$0x10]  }
0x1ac: {  	v22 =	vld [tilespmem:s23+$0x20]  }
0x1ad: {  	v24 =	vld [tilespmem:s23+$0xFFFFFFC0]  }
0x1ae: {  	v26 =	vld [tilespmem:s23+$0xFFFFFFD0]  }
0x1af: {  	v25 =	vld [tilespmem:s23+$0xFFFFFFE0]  }
0x1b0: {  	v27 =	vld [tilespmem:s23+$0xFFFFFF80]  }
0x1b1: {  	v28 =	vld [tilespmem:s23+$0xFFFFFF90]  }
0x1b2: {  	v30 =	vld [tilespmem:s23+$0xFFFFFF00]  }
0x1b3: {  	v29 =	vld [tilespmem:s23+$0xFFFFFF10]  }
0x1b4: {  	v31 =	vld [tilespmem:s23+$0xFFFFFF20]  }
0x1b5: {  	v32 =	vld [tilespmem:s23+$0xFFFFFF30]  }
0x1b6: {  	v37 =	vld [tilespmem:s23+$0xFFFFFF40]  }
0x1b7: {  	v35 =	vld [tilespmem:s23+$0xFFFFFF50]  }
0x1b8: {  	v36 =	vld [tilespmem:s23+$0xFFFFFF60]  }
0x1b9: {  	v38 =	vld [tilespmem:s23+$0xFFFFFF70]  }
0x1ba: {  	v33 =	vld [tilespmem:s23+$0xFFFFFFA0]  }
0x1bb: {  	s24 =	simm.s32 $0x40;
	v11 =	vimm.f32 $+Inf;
	v12 =	vimm.f32 $-Inf;
	v34 =	vld [tilespmem:s23+$0xFFFFFFB0]  }
.LBB2_23:
0x1bc: {  	p0 =	sne.s32 s24, $0xFC0;
	v39 =	vld [tilespmem:s23+$0xFFFFFFF0]  }
0x1bd: {  	v30 =	vmax.f32 v30, v37;
	v37 =	vld [tilespmem:s23+$0x30]  }
0x1be: {  	v29 =	vmax.f32 v29, v35;
	v31 =	vmax.f32 v31, v36;
	v32 =	vmax.f32 v32, v38;
	v35 =	vld [tilespmem:s23+$0x60]  }
0x1bf: {  	v27 =	vmax.f32 v30, v27;
	v28 =	vmax.f32 v29, v28;
	v29 =	vmax.f32 v31, v33;
	v30 =	vld [tilespmem:s23+$0x70]  }
0x1c0: {  	v24 =	vmax.f32 v27, v24;
	v26 =	vmax.f32 v28, v26;
	v31 =	vmax.f32 v32, v34;
	v27 =	vld [tilespmem:s23+$0xB0]  }
0x1c1: {  	v23 =	vmax.f32 v24, v23;
	v25 =	vmax.f32 v29, v25;
	v28 =	vmax.f32 v31, v39;
	v24 =	vld [tilespmem:s23+$0xF0];
	s23 =	sadd.s32 $0x200, s23  }
0x1c2: {  	v21 =	vmax.f32 v26, v21;
	v22 =	vmax.f32 v25, v22;
	v29 =	vld [tilespmem:s23+$0xC0];
	v25 =	vmax.f32 v28, v37  }
0x1c3: {  	v19 =	vmax.f32 v23, v19;
	v20 =	vmax.f32 v21, v20;
	v26 =	vld [tilespmem:s23+$0xD0];
	v21 =	vmax.f32 v22, v35  }
0x1c4: {  	v19 =	vmax.f32 v19, v14;
	v20 =	vmax.f32 v20, v16;
	v22 =	vld [tilespmem:s23+$0xE0];
	v23 =	vmax.f32 v25, v30  }
0x1c5: {  	v17 =	vmax.f32 v21, v17;
	v14 =	vld [tilespmem:s23+$0x80];
	v21 =	vmax.f32 v23, v27;
	v23 =	vmax.f32 v19, v13  }
0x1c6: {  	v25 =	vmax.f32 v20, v15;
	v18 =	vmax.f32 v17, v18;
	v16 =	vld [tilespmem:s23+$0x90];
	v19 =	vmax.f32 v21, v24  }
0x1c7: {  	v20 =	vmax.f32 v23, v25;
	v17 =	vld [tilespmem:s23+$0xA0];
	v21 =	vmax.f32 v18, v19;
	v13 =	vmov v29  }
0x1c8: {  	s25 =	sshra.s32 s22, $0x2;
	s22 =	smov.u32 s24;
	v19 =	vld [tilespmem:s23+$0x40];
	v24 =	vmax.f32 v20, v21;
	v15 =	vmov v26  }
0x1c9: {  	v20 =	vld [tilespmem:s23+$0x50];
	[tilespmem:s25+$0x11A00] =	vst v24;
	v25 =	vperm.xlane v24, v0;
	v18 =	vmov v22  }
0x1ca: {  	v23 =	vld [tilespmem:s23+$0x0]  }
0x1cb: {  	v21 =	vld [tilespmem:s23+$0x10];
	v25 =	vmax.f32 v24, v25  }
0x1cc: {  	v22 =	vld [tilespmem:s23+$0x20];
	v27 =	vperm.xlane v25, v1  }
0x1cd: {  	v24 =	vld [tilespmem:s23+$0xFFFFFFC0]  }
0x1ce: {  	v26 =	vld [tilespmem:s23+$0xFFFFFFD0];
	v29 =	vmax.f32 v25, v27  }
0x1cf: {  	v25 =	vld [tilespmem:s23+$0xFFFFFFE0];
	v30 =	vperm.xlane v29, v2  }
0x1d0: {  	v27 =	vld [tilespmem:s23+$0xFFFFFF80]  }
0x1d1: {  	v28 =	vld [tilespmem:s23+$0xFFFFFF90];
	v32 =	vmax.f32 v29, v30  }
0x1d2: {  	v30 =	vld [tilespmem:s23+$0xFFFFFF00];
	v33 =	vperm.xlane v32, v3  }
0x1d3: {  	v29 =	vld [tilespmem:s23+$0xFFFFFF10]  }
0x1d4: {  	v31 =	vld [tilespmem:s23+$0xFFFFFF20];
	v33 =	vmax.f32 v32, v33  }
0x1d5: {  	v32 =	vld [tilespmem:s23+$0xFFFFFF30];
	v11 =	vmin.f32 v11, v33;
	v12 =	vmax.f32 v12, v33  }
0x1d6: {  	v37 =	vld [tilespmem:s23+$0xFFFFFF40]  }
.Ltmp15:
0x1d7: {  	v35 =	vld [tilespmem:s23+$0xFFFFFF50];
	(pc) =	sbr.rel @p0 .LBB2_23-.Ltmp15, $4  }
0x1d8: {  	v36 =	vld [tilespmem:s23+$0xFFFFFF60]  }
0x1d9: {  	v38 =	vld [tilespmem:s23+$0xFFFFFF70]  }
0x1da: {  	v33 =	vld [tilespmem:s23+$0xFFFFFFA0]  }
0x1db: {  	s24 =	sadd.s32 $0x40, s24;
	v34 =	vld [tilespmem:s23+$0xFFFFFFB0]  }
0x1dc: {  	v39 =	vld [tilespmem:s23+$0xFFFFFFF0]  }
0x1dd: {  	v30 =	vmax.f32 v30, v37;
	v53 =	vld [tilespmem:s23+$0x30]  }
0x1de: {  	v29 =	vmax.f32 v29, v35;
	v54 =	vld [tilespmem:s23+$0x60];
	v31 =	vmax.f32 v31, v36;
	v27 =	vmax.f32 v30, v27  }
0x1df: {  	v56 =	vld [tilespmem:s23+$0x70];
	v28 =	vmax.f32 v29, v28;
	v32 =	vmax.f32 v32, v38;
	v24 =	vmax.f32 v27, v24  }
0x1e0: {  	v58 =	vld [tilespmem:s23+$0xB0];
	v26 =	vmax.f32 v28, v26;
	v55 =	vmax.f32 v31, v33;
	v23 =	vmax.f32 v24, v23  }
0x1e1: {  	v60 =	vld [tilespmem:s23+$0xF0];
	v21 =	vmax.f32 v26, v21;
	v57 =	vmax.f32 v32, v34;
	v25 =	vmax.f32 v55, v25  }
0x1e2: {  	v19 =	vmax.f32 v23, v19;
	v20 =	vmax.f32 v21, v20;
	v59 =	vmax.f32 v57, v39  }
0x1e3: {  	v22 =	vmax.f32 v25, v22;
	v14 =	vmax.f32 v19, v14;
	v61 =	vmax.f32 v59, v53  }
0x1e4: {  	v16 =	vmax.f32 v20, v16;
	v62 =	vmax.f32 v22, v54;
	v63 =	vmax.f32 v61, v56  }
0x1e5: {  	v13 =	vmax.f32 v14, v13;
	v17 =	vmax.f32 v62, v17;
	v19 =	vmax.f32 v63, v58  }
0x1e6: {  	v14 =	vmax.f32 v16, v15;
	v15 =	vmax.f32 v17, v18;
	v16 =	vmax.f32 v19, v60  }
0x1e7: {  	v13 =	vmax.f32 v13, v14;
	v14 =	vmax.f32 v15, v16  }
0x1e8: {  	v13 =	vmax.f32 v13, v14  }
0x1e9: {  	v14 =	vperm.xlane v13, v0;
	_ =	sdelay $0x1  }
0x1ea: {  	v14 =	vmax.f32 v13, v14  }
0x1eb: {  	v15 =	vperm.xlane v14, v1;
	_ =	sdelay $0x1  }
0x1ec: {  	v14 =	vmax.f32 v14, v15  }
0x1ed: {  	v15 =	vperm.xlane v14, v2;
	_ =	sdelay $0x1  }
0x1ee: {  	v14 =	vmax.f32 v14, v15  }
0x1ef: {  	v15 =	vperm.xlane v14, v3  }
0x1f0: {  	s22 =	sshra.s32 s22, $0x2  }
0x1f1: {  	s31 =	simm.s32 $0x11A20;
	[tilespmem:s22+$0x11A00] =	vst v13;
	v13 =	vmax.f32 v14, v15  }
0x1f2: {  	v14 =	vld [tilespmem:s31+$0xFFFFFFE0];
	v11 =	vmin.f32 v11, v13;
	v12 =	vmax.f32 v12, v13  }
0x1f3: {  	v16 =	vld [tilespmem:s31+$0xFFFFFFF0];
	v13 =	vadd.f32 v12, v11  }
0x1f4: {  	v17 =	vld [tilespmem:s31+$0x0]  }
0x1f5: {  	v18 =	vld [tilespmem:s31+$0x10];
	v13 =	vmul.f32 $5.000000000e-01, v13;
	_ =	sdelay $0x1  }
0x1f6: {  	s22 =	simm.s32 $0x11A60;
	vm1 =	vge.f32 v14, v13  }
0x1f7: {  	v19 =	vimm.s32 $0x0;
	v15 =	vld [tilespmem:s22+$0xFFFFFFE0];
	v20 =	vsel vm1, $0x1, v4;
	vm1 =	vge.f32 v16, v13  }
0x1f8: {  	v14 =	vld [tilespmem:s22+$0xFFFFFFF0];
	v19 =	vadd.s32 v20, v19;
	v20 =	vsel vm1, $0x1, v4;
	vm1 =	vge.f32 v17, v13  }
0x1f9: {  	v16 =	vld [tilespmem:s22+$0x0];
	v19 =	vadd.s32 v20, v19;
	v20 =	vsel vm1, $0x1, v4;
	vm1 =	vge.f32 v18, v13  }
0x1fa: {  	s23 =	simm.s32 $0x4;
	v17 =	vld [tilespmem:s22+$0x10];
	v18 =	vadd.s32 v20, v19;
	v19 =	vsel vm1, $0x1, v4  }
.LBB2_25:
0x1fb: {  	s23 =	sadd.s32 $0x4, s23  }
0x1fc: {  	v18 =	vadd.s32 v19, v18;
	p0 =	slt.u32 s23, $0x3C  }
.Ltmp16:
0x1fd: {  	s22 =	sadd.s32 $0x40, s22;
	vm1 =	vge.f32 v15, v13;
	(pc) =	sbr.rel @p0 .LBB2_25-.Ltmp16, $4  }
0x1fe: {  	v15 =	vld [tilespmem:s22+$0xFFFFFFE0];
	v19 =	vsel vm1, $0x1, v4;
	vm1 =	vge.f32 v14, v13  }
0x1ff: {  	v14 =	vld [tilespmem:s22+$0xFFFFFFF0];
	v18 =	vadd.s32 v19, v18;
	v19 =	vsel vm1, $0x1, v4;
	vm1 =	vge.f32 v16, v13  }
0x200: {  	v16 =	vld [tilespmem:s22+$0x0];
	v18 =	vadd.s32 v19, v18;
	v19 =	vsel vm1, $0x1, v4;
	vm1 =	vge.f32 v17, v13  }
0x201: {  	v17 =	vld [tilespmem:s22+$0x10];
	v18 =	vadd.s32 v19, v18;
	v19 =	vsel vm1, $0x1, v4  }
0x202: {  	_ = 	snop  }
0x203: {  	vm1 =	vge.f32 v15, v13  }
0x204: {  	v15 =	vadd.s32 v19, v18;
	v18 =	vsel vm1, $0x1, v4;
	vm1 =	vge.f32 v14, v13  }
0x205: {  	v14 =	vadd.s32 v18, v15;
	v15 =	vsel vm1, $0x1, v4;
	vm1 =	vge.f32 v16, v13  }
0x206: {  	v14 =	vadd.s32 v15, v14;
	v15 =	vsel vm1, $0x1, v4;
	vm1 =	vge.f32 v17, v13  }
0x207: {  	v14 =	vadd.s32 v15, v14;
	v15 =	vsel vm1, $0x1, v4  }
0x208: {  	v14 =	vadd.s32 v15, v14  }
0x209: {  	v15 =	vperm.xlane v14, v0;
	_ =	sdelay $0x1  }
0x20a: {  	v14 =	vadd.s32 v14, v15  }
0x20b: {  	v15 =	vperm.xlane v14, v1;
	_ =	sdelay $0x1  }
0x20c: {  	v14 =	vadd.s32 v15, v14  }
0x20d: {  	v15 =	vperm.xlane v14, v2;
	_ =	sdelay $0x1  }
0x20e: {  	v14 =	vadd.s32 v15, v14  }
0x20f: {  	v15 =	vperm.xlane v14, v3;
	_ =	sdelay $0x1  }
0x210: {  	v14 =	vadd.s32 v15, v14  }
0x211: {  	s22 =	simm.s32 $0x11A20;
	vm1 =	vgt.s32 v14, $0x3F  }
0x212: {  	v14 =	vld [tilespmem:s22+$0xFFFFFFE0];
	v11 =	vsel vm1, v13, v11;
	v12 =	vsel vm1, v12, v13  }
0x213: {  	v16 =	vld [tilespmem:s22+$0xFFFFFFF0];
	v13 =	vadd.f32 v12, v11  }
0x214: {  	v17 =	vld [tilespmem:s22+$0x0]  }
0x215: {  	v18 =	vld [tilespmem:s22+$0x10];
	v13 =	vmul.f32 $5.000000000e-01, v13;
	_ =	sdelay $0x1  }
0x216: {  	s22 =	simm.s32 $0x11A60;
	vm1 =	vge.f32 v14, v13  }
0x217: {  	v19 =	vimm.s32 $0x0;
	v15 =	vld [tilespmem:s22+$0xFFFFFFE0];
	v20 =	vsel vm1, $0x1, v4;
	vm1 =	vge.f32 v16, v13  }
0x218: {  	v14 =	vld [tilespmem:s22+$0xFFFFFFF0];
	v19 =	vadd.s32 v20, v19;
	v20 =	vsel vm1, $0x1, v4;
	vm1 =	vge.f32 v17, v13  }
0x219: {  	v16 =	vld [tilespmem:s22+$0x0];
	v19 =	vadd.s32 v20, v19;
	v20 =	vsel vm1, $0x1, v4;
	vm1 =	vge.f32 v18, v13  }
0x21a: {  	s23 =	simm.s32 $0x4;
	v17 =	vld [tilespmem:s22+$0x10];
	v18 =	vadd.s32 v20, v19;
	v19 =	vsel vm1, $0x1, v4  }
.LBB2_27:
0x21b: {  	s23 =	sadd.s32 $0x4, s23  }
0x21c: {  	v18 =	vadd.s32 v19, v18;
	p0 =	slt.u32 s23, $0x3C  }
.Ltmp17:
0x21d: {  	s22 =	sadd.s32 $0x40, s22;
	vm1 =	vge.f32 v15, v13;
	(pc) =	sbr.rel @p0 .LBB2_27-.Ltmp17, $4  }
0x21e: {  	v15 =	vld [tilespmem:s22+$0xFFFFFFE0];
	v19 =	vsel vm1, $0x1, v4;
	vm1 =	vge.f32 v14, v13  }
0x21f: {  	v14 =	vld [tilespmem:s22+$0xFFFFFFF0];
	v18 =	vadd.s32 v19, v18;
	v19 =	vsel vm1, $0x1, v4;
	vm1 =	vge.f32 v16, v13  }
0x220: {  	v16 =	vld [tilespmem:s22+$0x0];
	v18 =	vadd.s32 v19, v18;
	v19 =	vsel vm1, $0x1, v4;
	vm1 =	vge.f32 v17, v13  }
0x221: {  	v17 =	vld [tilespmem:s22+$0x10];
	v18 =	vadd.s32 v19, v18;
	v19 =	vsel vm1, $0x1, v4  }
0x222: {  	_ = 	snop  }
0x223: {  	vm1 =	vge.f32 v15, v13  }
0x224: {  	v15 =	vadd.s32 v19, v18;
	v18 =	vsel vm1, $0x1, v4;
	vm1 =	vge.f32 v14, v13  }
0x225: {  	v14 =	vadd.s32 v18, v15;
	v15 =	vsel vm1, $0x1, v4;
	vm1 =	vge.f32 v16, v13  }
0x226: {  	v14 =	vadd.s32 v15, v14;
	v15 =	vsel vm1, $0x1, v4;
	vm1 =	vge.f32 v17, v13  }
0x227: {  	v14 =	vadd.s32 v15, v14;
	v15 =	vsel vm1, $0x1, v4  }
0x228: {  	v14 =	vadd.s32 v15, v14  }
0x229: {  	v15 =	vperm.xlane v14, v0;
	_ =	sdelay $0x1  }
0x22a: {  	v14 =	vadd.s32 v14, v15  }
0x22b: {  	v15 =	vperm.xlane v14, v1;
	_ =	sdelay $0x1  }
0x22c: {  	v14 =	vadd.s32 v15, v14  }
0x22d: {  	v15 =	vperm.xlane v14, v2;
	_ =	sdelay $0x1  }
0x22e: {  	v14 =	vadd.s32 v15, v14  }
0x22f: {  	v15 =	vperm.xlane v14, v3;
	_ =	sdelay $0x1  }
0x230: {  	v14 =	vadd.s32 v15, v14  }
0x231: {  	s22 =	simm.s32 $0x11A20;
	vm1 =	vgt.s32 v14, $0x3F  }
0x232: {  	v14 =	vld [tilespmem:s22+$0xFFFFFFE0];
	v11 =	vsel vm1, v13, v11;
	v12 =	vsel vm1, v12, v13  }
0x233: {  	v16 =	vld [tilespmem:s22+$0xFFFFFFF0];
	v13 =	vadd.f32 v12, v11  }
0x234: {  	v17 =	vld [tilespmem:s22+$0x0]  }
0x235: {  	v18 =	vld [tilespmem:s22+$0x10];
	v13 =	vmul.f32 $5.000000000e-01, v13;
	_ =	sdelay $0x1  }
0x236: {  	s22 =	simm.s32 $0x11A60;
	vm1 =	vge.f32 v14, v13  }
0x237: {  	v19 =	vimm.s32 $0x0;
	v15 =	vld [tilespmem:s22+$0xFFFFFFE0];
	v20 =	vsel vm1, $0x1, v4;
	vm1 =	vge.f32 v16, v13  }
0x238: {  	v14 =	vld [tilespmem:s22+$0xFFFFFFF0];
	v19 =	vadd.s32 v20, v19;
	v20 =	vsel vm1, $0x1, v4;
	vm1 =	vge.f32 v17, v13  }
0x239: {  	v16 =	vld [tilespmem:s22+$0x0];
	v19 =	vadd.s32 v20, v19;
	v20 =	vsel vm1, $0x1, v4;
	vm1 =	vge.f32 v18, v13  }
0x23a: {  	s23 =	simm.s32 $0x4;
	v17 =	vld [tilespmem:s22+$0x10];
	v18 =	vadd.s32 v20, v19;
	v19 =	vsel vm1, $0x1, v4  }
.LBB2_29:
0x23b: {  	s23 =	sadd.s32 $0x4, s23  }
0x23c: {  	v18 =	vadd.s32 v19, v18;
	p0 =	slt.u32 s23, $0x3C  }
.Ltmp18:
0x23d: {  	s22 =	sadd.s32 $0x40, s22;
	vm1 =	vge.f32 v15, v13;
	(pc) =	sbr.rel @p0 .LBB2_29-.Ltmp18, $4  }
0x23e: {  	v15 =	vld [tilespmem:s22+$0xFFFFFFE0];
	v19 =	vsel vm1, $0x1, v4;
	vm1 =	vge.f32 v14, v13  }
0x23f: {  	v14 =	vld [tilespmem:s22+$0xFFFFFFF0];
	v18 =	vadd.s32 v19, v18;
	v19 =	vsel vm1, $0x1, v4;
	vm1 =	vge.f32 v16, v13  }
0x240: {  	v16 =	vld [tilespmem:s22+$0x0];
	v18 =	vadd.s32 v19, v18;
	v19 =	vsel vm1, $0x1, v4;
	vm1 =	vge.f32 v17, v13  }
0x241: {  	v17 =	vld [tilespmem:s22+$0x10];
	v18 =	vadd.s32 v19, v18;
	v19 =	vsel vm1, $0x1, v4  }
0x242: {  	_ = 	snop  }
0x243: {  	vm1 =	vge.f32 v15, v13  }
0x244: {  	v15 =	vadd.s32 v19, v18;
	v18 =	vsel vm1, $0x1, v4;
	vm1 =	vge.f32 v14, v13  }
0x245: {  	v14 =	vadd.s32 v18, v15;
	v15 =	vsel vm1, $0x1, v4;
	vm1 =	vge.f32 v16, v13  }
0x246: {  	v14 =	vadd.s32 v15, v14;
	v15 =	vsel vm1, $0x1, v4;
	vm1 =	vge.f32 v17, v13  }
0x247: {  	v14 =	vadd.s32 v15, v14;
	v15 =	vsel vm1, $0x1, v4  }
0x248: {  	v14 =	vadd.s32 v15, v14  }
0x249: {  	v15 =	vperm.xlane v14, v0;
	_ =	sdelay $0x1  }
0x24a: {  	v14 =	vadd.s32 v14, v15  }
0x24b: {  	v15 =	vperm.xlane v14, v1;
	_ =	sdelay $0x1  }
0x24c: {  	v14 =	vadd.s32 v15, v14  }
0x24d: {  	v15 =	vperm.xlane v14, v2;
	_ =	sdelay $0x1  }
0x24e: {  	v14 =	vadd.s32 v15, v14  }
0x24f: {  	v15 =	vperm.xlane v14, v3;
	_ =	sdelay $0x1  }
0x250: {  	v14 =	vadd.s32 v15, v14  }
0x251: {  	s22 =	simm.s32 $0x11A20;
	vm1 =	vgt.s32 v14, $0x3F  }
0x252: {  	v11 =	vsel vm1, v13, v11;
	v12 =	vsel vm1, v12, v13;
	v13 =	vld [tilespmem:s22+$0xFFFFFFE0]  }
0x253: {  	v15 =	vld [tilespmem:s22+$0xFFFFFFF0];
	v12 =	vadd.f32 v12, v11  }
0x254: {  	v16 =	vld [tilespmem:s22+$0x0]  }
0x255: {  	v17 =	vld [tilespmem:s22+$0x10];
	v12 =	vmul.f32 $5.000000000e-01, v12;
	_ =	sdelay $0x1  }
0x256: {  	s22 =	simm.s32 $0x11A60;
	vm1 =	vge.f32 v13, v12  }
0x257: {  	v18 =	vimm.s32 $0x0;
	v14 =	vld [tilespmem:s22+$0xFFFFFFE0];
	v19 =	vsel vm1, $0x1, v4;
	vm1 =	vge.f32 v15, v12  }
0x258: {  	v13 =	vld [tilespmem:s22+$0xFFFFFFF0];
	v18 =	vadd.s32 v19, v18;
	v19 =	vsel vm1, $0x1, v4;
	vm1 =	vge.f32 v16, v12  }
0x259: {  	v15 =	vld [tilespmem:s22+$0x0];
	v18 =	vadd.s32 v19, v18;
	v19 =	vsel vm1, $0x1, v4;
	vm1 =	vge.f32 v17, v12  }
0x25a: {  	s23 =	simm.s32 $0x4;
	v16 =	vld [tilespmem:s22+$0x10];
	v17 =	vadd.s32 v19, v18;
	v18 =	vsel vm1, $0x1, v4  }
.LBB2_31:
0x25b: {  	s23 =	sadd.s32 $0x4, s23  }
0x25c: {  	v17 =	vadd.s32 v18, v17;
	p0 =	slt.u32 s23, $0x3C  }
.Ltmp19:
0x25d: {  	s22 =	sadd.s32 $0x40, s22;
	vm1 =	vge.f32 v14, v12;
	(pc) =	sbr.rel @p0 .LBB2_31-.Ltmp19, $4  }
0x25e: {  	v14 =	vld [tilespmem:s22+$0xFFFFFFE0];
	v18 =	vsel vm1, $0x1, v4;
	vm1 =	vge.f32 v13, v12  }
0x25f: {  	v13 =	vld [tilespmem:s22+$0xFFFFFFF0];
	v17 =	vadd.s32 v18, v17;
	v18 =	vsel vm1, $0x1, v4;
	vm1 =	vge.f32 v15, v12  }
0x260: {  	v15 =	vld [tilespmem:s22+$0x0];
	v17 =	vadd.s32 v18, v17;
	v18 =	vsel vm1, $0x1, v4;
	vm1 =	vge.f32 v16, v12  }
0x261: {  	v16 =	vld [tilespmem:s22+$0x10];
	v17 =	vadd.s32 v18, v17;
	v18 =	vsel vm1, $0x1, v4  }
0x262: {  	_ = 	snop  }
0x263: {  	vm1 =	vge.f32 v14, v12  }
0x264: {  	v14 =	vadd.s32 v18, v17;
	v17 =	vsel vm1, $0x1, v4;
	vm1 =	vge.f32 v13, v12  }
0x265: {  	v13 =	vadd.s32 v17, v14;
	v14 =	vsel vm1, $0x1, v4;
	vm1 =	vge.f32 v15, v12  }
0x266: {  	v13 =	vadd.s32 v14, v13;
	v14 =	vsel vm1, $0x1, v4;
	vm1 =	vge.f32 v16, v12  }
0x267: {  	v13 =	vadd.s32 v14, v13;
	v14 =	vsel vm1, $0x1, v4  }
0x268: {  	v13 =	vadd.s32 v14, v13  }
0x269: {  	v14 =	vperm.xlane v13, v0;
	_ =	sdelay $0x1  }
0x26a: {  	v13 =	vadd.s32 v13, v14  }
0x26b: {  	v14 =	vperm.xlane v13, v1;
	_ =	sdelay $0x1  }
0x26c: {  	v13 =	vadd.s32 v14, v13  }
0x26d: {  	v14 =	vperm.xlane v13, v2;
	_ =	sdelay $0x1  }
0x26e: {  	s22 =	simm.s32 $0x8040;
	v13 =	vadd.s32 v14, v13  }
0x26f: {  	v15 =	vld [tilespmem:s22+$0xFFFFFFC0];
	v14 =	vperm.xlane v13, v3  }
0x270: {  	v16 =	vld [tilespmem:s22+$0xFFFFFFD0]  }
0x271: {  	v17 =	vld [tilespmem:s22+$0xFFFFFFE0];
	v13 =	vadd.s32 v14, v13  }
0x272: {  	vm1 =	vgt.s32 v13, $0x3F  }
0x273: {  	v13 =	vsel vm1, v12, v11  }
0x274: {  	v18 =	vld [tilespmem:s22+$0xFFFFFFF0];
	vm6 =	vge.f32 v15, v13  }
0x275: {  	v22 =	vld [tilespmem:s22+$0x10];
	v11 =	vlaneseq.u32;
	vm3 =	vge.f32 v16, v13;
	v14 =	vsel vm6, $0x10, v4  }
0x276: {  	v12 =	vld [tilespmem:s22+$0x0];
	vm5 =	vge.f32 v17, v13;
	v15 =	vsel vm3, $0x10, v4;
	v14 =	vadd.s32 v11, v14  }
0x277: {  	vm2 =	vlt.s32 v11, v6;
	v16 =	vsel vm5, $0x10, v4;
	v15 =	vadd.s32 v14, v15  }
0x278: {  	v19 =	vld [tilespmem:s22+$0x20];
	v17 =	vadd.s32 v15, v16;
	v16 =	vsel vm2, v11, v6  }
0x279: {  	v20 =	vld [tilespmem:s22+$0x30]  }
0x27a: {  	vm1 =	vge.f32 v18, v13  }
0x27b: {  	vm4 =	vge.f32 v22, v13;
	v18 =	vsel vm1, $0x10, v4;
	vm2 =	vge.f32 v12, v13  }
0x27c: {  	s23 =	simm.s32 $0x0;
	v12 =	vlaneseq.u32;
	v18 =	vadd.s32 v17, v18;
	v21 =	vsel vm2, $0x10, v4  }
.LBB2_33:
0x27d: {  	s23 =	sadd.s32 $0x8, s23;
	[tilespmem:v16+s14+$0x0] =	vst.idx.msk vm6, v11;
	v16 =	vadd.s32 v18, v21;
	v21 =	vsel vm4, $0x10, v4;
	vm7 =	vge.f32 v19, v13  }
0x27e: {  	p0 =	slt.u32 s23, $0x7F8;
	v19 =	vadd.s32 v16, v21;
	v21 =	vsel vm7, $0x10, v4;
	vm6 =	vge.f32 v20, v13  }
0x27f: {  	vm8 =	vlt.s32 v19, v6;
	v20 =	vadd.s32 v19, v21;
	v21 =	vsel vm6, $0x10, v4  }
0x280: {  	vm9 =	vlt.s32 v16, v6;
	vm10 =	vlt.s32 v20, v6;
	v21 =	vadd.s32 v20, v21  }
0x281: {  	vm11 =	vlt.s32 v15, v6;
	vm12 =	vlt.s32 v17, v6;
	vm13 =	vlt.s32 v18, v6  }
0x282: {  	vm15 =	vlt.s32 v14, v6;
	s22 =	sadd.s32 $0x80, s22;
	vm14 =	vlt.s32 v21, v6;
	v20 =	vsel vm10, v20, v6  }
0x283: {  	v18 =	vsel vm13, v18, v6;
	v23 =	vsel vm9, v16, v6;
	v19 =	vsel vm8, v19, v6;
	v22 =	vld [tilespmem:s22+$0xFFFFFFC0]  }
0x284: {  	v25 =	vsel vm15, v14, v6;
	v26 =	vsel vm11, v15, v6;
	v17 =	vsel vm12, v17, v6;
	v24 =	vld [tilespmem:s22+$0xFFFFFFD0]  }
0x285: {  	vm9 =	vmmov vm5;
	vm8 =	vmmov vm3;
	v16 =	vsel vm14, v21, v6;
	v15 =	vld [tilespmem:s22+$0xFFFFFFE0]  }
0x286: {  	v11 =	vadd.s32 $0x80, v11;
	v14 =	vadd.s32 $0x70, v12;
	v27 =	vld [tilespmem:s22+$0xFFFFFFF0]  }
0x287: {  	v29 =	vadd.s32 $0x10, v12;
	v30 =	vadd.s32 $0x20, v12;
	v31 =	vadd.s32 $0x60, v12;
	v28 =	vld [tilespmem:s22+$0x0];
	[tilespmem:v20+s14+$0x0] =	vst.idx.msk vm6, v14  }
0x288: {  	v32 =	vadd.s32 $0x30, v12;
	v14 =	vadd.s32 $0x50, v12;
	vm6 =	vge.f32 v22, v13;
	v22 =	vld [tilespmem:s22+$0x10];
	[tilespmem:v19+s14+$0x0] =	vst.idx.msk vm7, v31  }
.Ltmp20:
0x289: {  	v20 =	vsel vm6, $0x10, v4;
	vm3 =	vge.f32 v24, v13;
	v19 =	vld [tilespmem:s22+$0x20];
	v24 =	vadd.s32 $0x40, v12;
	[tilespmem:v23+s14+$0x0] =	vst.idx.msk vm4, v14;
	v12 =	vmovc v11;
	(pc) =	sbr.rel @p0 .LBB2_33-.Ltmp20, $4  }
0x28a: {  	v14 =	vadd.s32 v21, v20;
	v21 =	vsel vm3, $0x10, v4;
	vm5 =	vge.f32 v15, v13;
	v20 =	vld [tilespmem:s22+$0x30];
	[tilespmem:v18+s14+$0x0] =	vst.idx.msk vm2, v24  }
0x28b: {  	v15 =	vadd.s32 v14, v21;
	v18 =	vsel vm5, $0x10, v4;
	[tilespmem:v17+s14+$0x0] =	vst.idx.msk vm1, v32;
	vm1 =	vge.f32 v27, v13  }
0x28c: {  	v17 =	vadd.s32 v15, v18;
	v18 =	vsel vm1, $0x10, v4;
	vm2 =	vge.f32 v28, v13;
	[tilespmem:v26+s14+$0x0] =	vst.idx.msk vm9, v30  }
0x28d: {  	v18 =	vadd.s32 v17, v18;
	v21 =	vsel vm2, $0x10, v4;
	vm4 =	vge.f32 v22, v13;
	[tilespmem:v25+s14+$0x0] =	vst.idx.msk vm8, v29  }
0x28e: {  	v21 =	vadd.s32 v18, v21;
	v22 =	vsel vm4, $0x10, v4;
	vm7 =	vge.f32 v19, v13  }
0x28f: {  	v57 =	vadd.s32 v21, v22;
	v58 =	vsel vm7, $0x10, v4;
	vm8 =	vge.f32 v20, v13  }
0x290: {  	v13 =	vadd.s32 v57, v58;
	v20 =	vsel vm8, $0x10, v4  }
0x291: {  	v20 =	vadd.s32 v13, v20  }
0x292: {  	v59 =	vperm.xlane v20, v0;
	_ =	sdelay $0x1  }
0x293: {  	vm9 =	vgt.s32 v20, v59  }
0x294: {  	v22 =	vsel vm9, v20, v59  }
0x295: {  	v23 =	vperm.xlane v22, v1;
	_ =	sdelay $0x1  }
0x296: {  	vm9 =	vgt.s32 v22, v23  }
0x297: {  	v22 =	vsel vm9, v22, v23  }
0x298: {  	v23 =	vperm.xlane v22, v2;
	_ =	sdelay $0x1  }
0x299: {  	vm9 =	vgt.s32 v22, v23  }
0x29a: {  	v22 =	vsel vm9, v22, v23  }
0x29b: {  	v23 =	vperm.xlane v22, v3;
	_ =	sdelay $0x1  }
0x29c: {  	vm9 =	vgt.s32 v22, v23  }
0x29d: {  	v22 =	vsel vm9, v22, v23  }
0x29e: {  	(v2sf) =	vpush v22, $0x0;
	_ =	sdelay $0xa  }
0x29f: {  	vm11 =	vlt.s32 v18, v6  }
0x2a0: {  	v18 =	vsel vm11, v18, v6;
	vm14 =	vlt.s32 v13, v6  }
0x2a1: {  	vm10 =	vlt.s32 v57, v6;
	v13 =	vsel vm14, v13, v6  }
0x2a2: {  	vm5 =	vmmov vm5;
	v19 =	vsel vm10, v57, v6;
	vm10 =	vlt.s32 v15, v6  }
0x2a3: {  	vm12 =	vlt.s32 v14, v6;
	vm15 =	vlt.s32 v21, v6;
	v15 =	vsel vm10, v15, v6;
	s23 =	spop (v2sf)  }
0x2a4: {  	[tilespmem:v16+s14+$0x0] =	vst.idx.msk vm6, v11;
	v62 =	vadd.s32 $0x40, v12;
	v21 =	vsel vm15, v21, v6;
	vm9 =	vlt.s32 v17, v6;
	s22 =	sshrl.u32 s23, $0x4  }
0x2a5: {  	v60 =	vadd.s32 $0x70, v12;
	vm3 =	vmmov vm3;
	[tilespmem:v18+s14+$0x0] =	vst.idx.msk vm2, v62;
	v11 =	vsel vm9, v17, v6;
	s22 =	smin.u32 s22, $0xBF  }
0x2a6: {  	v61 =	vadd.s32 $0x60, v12;
	[tilespmem:v13+s14+$0x0] =	vst.idx.msk vm8, v60;
	v13 =	vsel vm12, v14, v6;
	s25 =	sadd.s32 $0x1, s22  }
0x2a7: {  	v63 =	vadd.s32 $0x20, v12;
	[tilespmem:v19+s14+$0x0] =	vst.idx.msk vm7, v61;
	p2 =	seq.s32 s25, $0x1  }
.Ltmp21:
0x2a8: {  	v14 =	vadd.s32 $0x50, v12;
	[tilespmem:v15+s14+$0x0] =	vst.idx.msk vm5, v63;
	(pc) =	sbr.rel @p2 .LBB2_35-.Ltmp21, $4  }
0x2a9: {  	[tilespmem:v21+s14+$0x0] =	vst.idx.msk vm4, v14;
	v14 =	vadd.s32 $0x30, v12  }
0x2aa: {  	s26 =	simm.s32 $0x0;
	[tilespmem:v11+s14+$0x0] =	vst.idx.msk vm1, v14;
	v11 =	vadd.s32 $0x10, v12;
	v12 =	vadd.s32 v7, v20  }
0x2ab: {  	s28 =	simm.s32 $0x10C00;
	s24 =	simm.s32 $0x10000;
	[tilespmem:v13+s14+$0x0] =	vst.idx.msk vm3, v11;
	v11 =	vshrl.u32 v12, $0x4;
	v13 =	vmov s26  }
0x2ac: {  	p0 =	por $0x0, $0x0;
	p1 =	por $0x0, $0x0;
	s26 =	simm.s32 $0x1;
	v12 =	vld [tilespmem:s28+$0x0];
	vm1 =	vlt.u32 v13, v11  }
0x2ad: {  	_ =	sdelay $0x3  }
0x2ae: {  	p2 =	seq.s32 s25, $0x2;
	v13 =	vnsel vm1, $0x0, v12  }
.Ltmp22:
0x2af: {  	_ = 	snop;
	(pc) =	sbr.rel @p2 .LBB2_52-.Ltmp22, $4  }
0x2b0: {  	_ = 	snop  }
0x2b1: {  	s28 =	simm.s32 $0x10C10  }
0x2b2: {  	v14 =	vmov s26;
	v12 =	vld [tilespmem:s28+$0x0]  }
0x2b3: {  	s26 =	simm.s32 $0x2;
	vm2 =	vmmov vm1;
	p0 =	por $0x1, $0x1;
	vm3 =	vlt.u32 v14, v11;
	v14 =	vld.idx.msk [tilespmem:v13+s12+$0x0], $0xffff  }
0x2b4: {  	_ =	sdelay $0x2  }
0x2b5: {  	p2 =	seq.s32 s25, $0x3;
	v15 =	vnsel vm3, $0x0, v12  }
.Ltmp23:
0x2b6: {  	s28 =	simm.s32 $0x10C20;
	(pc) =	sbr.rel @p2 .LBB2_54-.Ltmp23, $3  }
0x2b7: {  	v12 =	vld [tilespmem:s28+$0x0];
	_ =	sdelay $0x1  }
0x2b8: {  	v16 =	vmov s26  }
0x2b9: {  	s29 =	simm.s32 $0x3;
	p1 =	por $0x1, $0x1;
	s26 =	simm.s32 $0x10000;
	vm1 =	vlt.u32 v16, v11;
	v13 =	vnsel vm2, $0xFF800000, v14;
	vm2 =	vmmov vm3;
	v14 =	vld.idx.msk [tilespmem:v15+s12+$0x0], $0xffff  }
.LBB2_55:
0x2ba: {  	s30 =	smov.u32 s29;
	s29 =	sadd.s32 $0x1, s29  }
0x2bb: {  	v15 =	vnsel vm1, $0x0, v12;
	s28 =	sadd.s32 $0x10, s28;
	[tilespmem:s26+$0x0] =	vst v13;
	s26 =	sadd.s32 $0x10, s26;
	p2 =	seq.s32 s25, s29  }
.Ltmp24:
0x2bc: {  	v12 =	vld [tilespmem:s28+$0x0];
	(pc) =	sbr.rel @!p2 .LBB2_55-.Ltmp24, $3  }
0x2bd: {  	_ =	sdelay $0x1  }
0x2be: {  	v16 =	vmov s30  }
0x2bf: {  	v13 =	vnsel vm2, $0xFF800000, v14;
	vm2 =	vmmov vm1;
	vm1 =	vlt.u32 v16, v11;
	v14 =	vld.idx.msk [tilespmem:v15+s12+$0x0], $0xffff  }
.LBB2_56:
0x2c0: {  	v11 =	vnsel vm1, $0x0, v12;
	_ =	sdelay $0x4  }
0x2c1: {  	v11 =	vld.idx.msk [tilespmem:v11+s12+$0x0], $0xffff;
	_ =	sdelay $0x1  }
0x2c2: {  	s25 =	sadd.s32 @p1 $0x10, s26;
	s28 =	simm.s32 $0x10000  }
0x2c3: {  	s28 =	smov.u32 @p1 s25;
	v12 =	vnsel @p0 vm2, $0xFF800000, v14  }
0x2c4: {  	[tilespmem:s26+$0x0] =	vst @p1 v13;
	vm1 =	vmmov vm1;
	s25 =	sadd.s32 @p0 $0x10, s28;
	v12 =	vpsel p0, v12, v0  }
0x2c5: {  	s24 =	smov.u32 @p0 s25;
	[tilespmem:s28+$0x0] =	vst @p0 v12;
	v11 =	vnsel vm1, $0xFF800000, v11  }
0x2c6: {  	[tilespmem:s24+$0x0] =	vst v11  }
0x2c7: {  	p0 =	sgt.u32 s23, $0x1F  }
.Ltmp25:
0x2c8: {  	_ = 	snop;
	(pc) =	sbr.rel @!p0 .LBB2_47-.Ltmp25, $1  }
0x2c9: {  	_ =	sdelay $0x3  }
0x2ca: {  	s23 =	simm.s32 $0x1  }
0x2cb: {  	s24 =	simm.s32 $0x10;
	s25 =	simm.s32 $0x10000;
	s26 =	simm.s32 $0x10C00  }
.LBB2_44:
0x2cc: {  	p0 =	sne.s32 s24, $0x10  }
.Ltmp26:
0x2cd: {  	v13 =	vld [tilespmem:s26+$0x0];
	(pc) =	sbr.rel @!p0 .LBB2_46-.Ltmp26, $4  }
0x2ce: {  	s28 =	sshll.u32 s23, $0x4;
	v14 =	vld [tilespmem:s25+$0x0]  }
0x2cf: {  	v12 =	vld [tilespmem:s28+$0x10000]  }
0x2d0: {  	vm1 =	vmmov $0xffff;
	s29 =	sadd.s32 $0xFFFFFFF0, s24;
	v11 =	vld [tilespmem:s28+$0x10C00]  }
0x2d1: {  	s30 =	smov.u32 s26;
	s31 =	smov.u32 s25;
	vm2 =	vmmov vm1;
	s28 =	smov.u32 s24  }
.LBB2_45:
0x2d2: {  	p0 =	sne.s32 s29, $0x10;
	_ =	sdelay $0x1  }
0x2d3: {  	v15 =	vor.u32 s28, v5;
	s28 =	smov.u32 s29  }
0x2d4: {  	vm4 =	vlt.s32 v11, v13;
	vm3 =	veq.f32 v12, v14  }
0x2d5: {  	vm5 =	vgt.f32 v12, v14;
	vm3 =	vmand vm3, vm4  }
0x2d6: {  	vm3 =	vmor vm5, vm3  }
0x2d7: {  	v14 =	vsel vm3, v14, v12;
	v13 =	vsel vm3, v13, v11;
	vm1 =	vmand vm1, vm3  }
.Ltmp27:
0x2d8: {  	[tilespmem:v15+s15+$0x0] =	vst.idx.msk vm2, v14;
	(pc) =	sbr.rel @p0 .LBB2_45-.Ltmp27, $4  }
0x2d9: {  	s30 =	sadd.s32 $0xFFFFFFF0, s30;
	[tilespmem:v15+s14+$0x0] =	vst.idx.msk vm2, v13;
	vm2 =	vmmov vm1  }
0x2da: {  	s31 =	sadd.s32 $0xFFFFFFF0, s31;
	v13 =	vld [tilespmem:s30+$0x0]  }
0x2db: {  	v14 =	vld [tilespmem:s31+$0x0]  }
0x2dc: {  	s29 =	sadd.s32 $0xFFFFFFF0, s29  }
.LBB2_46:
0x2dd: {  	_ =	sdelay $0x2  }
0x2de: {  	vm3 =	veq.f32 v12, v14;
	vm4 =	vlt.s32 v11, v13  }
0x2df: {  	vm5 =	vgt.f32 v12, v14;
	vm3 =	vmand vm3, vm4  }
0x2e0: {  	v15 =	vor.u32 s28, v5;
	vm3 =	vmor vm5, vm3  }
0x2e1: {  	vm1 =	vmand vm1, vm3  }
0x2e2: {  	s23 =	sadd.s32 $0x1, s23  }
0x2e3: {  	p0 =	sne.s32 s23, s22  }
.Ltmp28:
0x2e4: {  	v62 =	vsel vm3, v14, v12;
	(pc) =	sbr.rel @p0 .LBB2_44-.Ltmp28, $4  }
0x2e5: {  	v63 =	vsel vm3, v13, v11;
	[tilespmem:v15+s15+$0x0] =	vst.idx.msk vm2, v62  }
0x2e6: {  	[tilespmem:v15+s14+$0x0] =	vst.idx.msk vm2, v63  }
0x2e7: {  	[tilespmem:v5+s15+$0x0] =	vst.idx.msk vm1, v12  }
0x2e8: {  	s24 =	sadd.s32 $0x10, s24;
	s25 =	sadd.s32 $0x10, s25;
	s26 =	sadd.s32 $0x10, s26;
	[tilespmem:v5+s14+$0x0] =	vst.idx.msk vm1, v11  }
.LBB2_47:
0x2e9: {  	v11 =	vimm.s32 $0x0  }
0x2ea: {  	v12 =	vshll.u32 v11, $0x4  }
0x2eb: {  	s22 =	simm.s32 $0x0;
	s23 =	simm.s32 $0x1;
	v12 =	vor.u32 v5, v12  }
.LBB2_48:
0x2ec: {  	p0 =	sne.s32 s23, $0x3F;
	_ =	sdelay $0x3  }
0x2ed: {  	v13 =	vld.idx.msk [tilespmem:v12+s15+$0x0], $0xffff  }
0x2ee: {  	v12 =	vld.idx.msk [tilespmem:v12+s14+$0x0], $0xffff;
	_ =	sdelay $0x5  }
0x2ef: {  	v14 =	vperm.xlane v13, v0;
	v15 =	vperm.xlane v12, v0;
	_ =	sdelay $0x1  }
0x2f0: {  	vm1 =	veq.f32 v14, v13;
	vm2 =	vlt.s32 v15, v12  }
0x2f1: {  	vm3 =	vgt.f32 v14, v13;
	vm1 =	vmand vm1, vm2  }
0x2f2: {  	vm1 =	vmor vm3, vm1  }
0x2f3: {  	v14 =	vsel vm1, v14, v13;
	v15 =	vsel vm1, v15, v12  }
0x2f4: {  	v16 =	vperm.xlane v14, v8;
	v17 =	vperm.xlane v15, v8;
	_ =	sdelay $0x1  }
0x2f5: {  	vm1 =	veq.f32 v16, v14;
	vm2 =	vlt.s32 v17, v15  }
0x2f6: {  	vm3 =	vgt.f32 v16, v14;
	vm1 =	vmand vm1, vm2  }
0x2f7: {  	vm1 =	vmor vm3, vm1  }
0x2f8: {  	v14 =	vsel vm1, v16, v14;
	v15 =	vsel vm1, v17, v15  }
0x2f9: {  	v16 =	vperm.xlane v14, v9;
	v17 =	vperm.xlane v15, v9;
	_ =	sdelay $0x1  }
0x2fa: {  	vm1 =	veq.f32 v16, v14;
	vm2 =	vlt.s32 v17, v15  }
0x2fb: {  	vm3 =	vgt.f32 v16, v14;
	vm1 =	vmand vm1, vm2  }
0x2fc: {  	vm1 =	vmor vm3, vm1  }
0x2fd: {  	v14 =	vsel vm1, v16, v14;
	v15 =	vsel vm1, v17, v15  }
0x2fe: {  	v16 =	vperm.xlane v14, v10;
	v17 =	vperm.xlane v15, v10  }
0x2ff: {  	v18 =	vmov s22;
	s22 =	smov.u32 s23  }
0x300: {  	vm1 =	veq.f32 v16, v14;
	vm2 =	vlt.s32 v17, v15  }
0x301: {  	vm3 =	vgt.f32 v16, v14;
	vm1 =	vmand vm1, vm2  }
0x302: {  	vm1 =	vmor vm3, vm1  }
0x303: {  	v14 =	vsel vm1, v16, v14;
	v15 =	vsel vm1, v17, v15  }
0x304: {  	vm1 =	veq.f32 v13, v14;
	vm2 =	veq.s32 v12, v15;
	[tilespmem:v18+s19+$0x0] =	vst.idx.msk $0x1, v14  }
.Ltmp29:
0x305: {  	vm1 =	vmand vm1, vm2;
	[tilespmem:v18+s20+$0x0] =	vst.idx.msk $0x1, v15;
	(pc) =	sbr.rel @p0 .LBB2_48-.Ltmp29, $4  }
0x306: {  	v12 =	vsel vm1, $0x1, v4  }
0x307: {  	v11 =	vadd.s32 v12, v11  }
0x308: {  	v12 =	vshll.u32 v11, $0x4  }
0x309: {  	s23 =	sadd.s32 $0x1, s23;
	v12 =	vor.u32 v5, v12  }
0x30a: {  	_ =	sdelay $0x3  }
0x30b: {  	v11 =	vld.idx.msk [tilespmem:v12+s15+$0x0], $0xffff  }
0x30c: {  	v58 =	vld.idx.msk [tilespmem:v12+s14+$0x0], $0xffff;
	_ =	sdelay $0x4  }
0x30d: {  	v13 =	vperm.xlane v11, v0;
	v14 =	vperm.xlane v58, v0;
	_ =	sdelay $0x1  }
0x30e: {  	vm1 =	veq.f32 v13, v11;
	vm2 =	vlt.s32 v14, v58  }
0x30f: {  	vm3 =	vgt.f32 v13, v11;
	vm1 =	vmand vm1, vm2  }
0x310: {  	vm1 =	vmor vm3, vm1  }
0x311: {  	v11 =	vsel vm1, v13, v11;
	v12 =	vsel vm1, v14, v58  }
0x312: {  	v13 =	vperm.xlane v11, v8;
	v8 =	vperm.xlane v12, v8;
	_ =	sdelay $0x1  }
0x313: {  	vm1 =	veq.f32 v13, v11;
	vm2 =	vlt.s32 v8, v12  }
0x314: {  	vm3 =	vgt.f32 v13, v11;
	vm1 =	vmand vm1, vm2  }
0x315: {  	vm1 =	vmor vm3, vm1  }
0x316: {  	v11 =	vsel vm1, v13, v11;
	v8 =	vsel vm1, v8, v12  }
0x317: {  	v59 =	vperm.xlane v11, v9;
	v60 =	vperm.xlane v8, v9;
	_ =	sdelay $0x1  }
0x318: {  	vm1 =	veq.f32 v59, v11;
	vm2 =	vlt.s32 v60, v8  }
0x319: {  	vm3 =	vgt.f32 v59, v11;
	vm1 =	vmand vm1, vm2  }
0x31a: {  	vm1 =	vmor vm3, vm1  }
0x31b: {  	v11 =	vsel vm1, v59, v11;
	v8 =	vsel vm1, v60, v8  }
0x31c: {  	v61 =	vperm.xlane v11, v10;
	v62 =	vperm.xlane v8, v10  }
0x31d: {  	v63 =	vmov s22  }
0x31e: {  	vm1 =	veq.f32 v61, v11;
	vm2 =	vlt.s32 v62, v8  }
0x31f: {  	vm3 =	vgt.f32 v61, v11;
	vm1 =	vmand vm1, vm2  }
0x320: {  	vm1 =	vmor vm3, vm1  }
0x321: {  	v9 =	vsel vm1, v61, v11  }
0x322: {  	v8 =	vsel vm1, v62, v8;
	[tilespmem:v63+s19+$0x0] =	vst.idx.msk $0x1, v9  }
0x323: {  	[tilespmem:v63+s20+$0x0] =	vst.idx.msk $0x1, v8  }
0x324: {  	[hbm4b:s7+s2] =	stream.linear.scatter [tilespmem:s19], [sflag:$0x2], $0x80, $0x38;
	[tilespmem:$0x11E00] =	vst v63  }
0x325: {  	_ = 	snop  }
0x326: {  	[hbm4b:s8+s2] =	stream.linear.scatter [tilespmem:s20], [sflag:$0x2], $0x80, $0x38;
	[tilespmem:$0x11E00] =	vst v63  }
0x327: {  	_ =	swait.ge [sflag:s13], $0x80  }
0x328: {  	[sflag:s13] =	ssyncset.done $0x0  }
0x329: {  	[sflag:s13] =	ssyncadd.s32 $0xFFFFFF80  }
0x32a: {  	_ =	swait.ge [sflag:s13], $0x80  }
0x32b: {  	[sflag:s13] =	ssyncset.done $0x0  }
0x32c: {  	s21 =	sadd.s32 $0x1, s21;
	[sflag:s13] =	ssyncadd.s32 $0xFFFFFF80  }
0x32d: {  	p0 =	sne.s32 s21, s9;
	_ =	swait.ge [sflag:s18], $0x80  }
.Ltmp30:
0x32e: {  	[sflag:s18] =	ssyncset.done $0x0;
	(pc) =	sbr.rel @p0 .LBB2_1-.Ltmp30, $4  }
.Ltmp31:
0x32f: {  	[sflag:s18] =	ssyncadd.s32 $0xFFFFFF80;
	(pc) =	sbr.rel @!p0 .LBB2_50-.Ltmp31, $4  }
0x330: {  	_ =	swait.ge [sflag:s18], $0x80  }
0x331: {  	[sflag:s18] =	ssyncset.done $0x0  }
0x332: {  	[sflag:s18] =	ssyncadd.s32 $0xFFFFFF80  }
0x333: {  	_ = 	snop  }
.LBB2_14:
.Ltmp32:
0x334: {  	(pc) =	sbr.rel .LBB2_41-.Ltmp32, $2  }
0x335: {  	_ =	sdelay $0x2  }
0x336: {  	s26 =	simm.s32 $0x10000  }
.LBB2_35:
.Ltmp33:
0x337: {  	(pc) =	sbr.rel .LBB2_56-.Ltmp33, $2  }
0x338: {  	_ =	sdelay $0x2  }
0x339: {  	s26 =	simm.s32 $0x10000  }
.LBB2_37:
.Ltmp34:
0x33a: {  	(pc) =	sbr.rel .LBB2_41-.Ltmp34, $2  }
0x33b: {  	_ =	sdelay $0x2  }
0x33c: {  	vm1 =	vmmov vm3;
	s26 =	simm.s32 $0x10000  }
.LBB2_52:
.Ltmp35:
0x33d: {  	(pc) =	sbr.rel .LBB2_56-.Ltmp35, $2  }
0x33e: {  	_ =	sdelay $0x2  }
0x33f: {  	vm1 =	vmmov vm3;
	s26 =	simm.s32 $0x10000  }
.LBB2_39:
.Ltmp36:
0x340: {  	(pc) =	sbr.rel .LBB2_41-.Ltmp36, $2  }
0x341: {  	_ =	sdelay $0x2  }
0x342: {  	s26 =	simm.s32 $0x10000  }
.LBB2_54:
.Ltmp37:
0x343: {  	(pc) =	sbr.rel .LBB2_56-.Ltmp37, $2  }
0x344: {  	_ =	sdelay $0x2  }
0x345: {  	s26 =	simm.s32 $0x10000  }
.LBB2_50:
0x346: {  	_ =	sfence.sel $0x180000  }
0x347: {  	[bflag:$0x0] =	sbarrier.arrive $0xFFFF  }
0x348: {  	p0 =	sne.s32 s1, $0x0;
	_ =	strace $0x90000047  }
0x349: {  	s0 =	sadd.s32 @!p0 $0x100000, s0;
	[bflag:$0x2] =	sbarrier.arrive $0xFFFF  }
0x34a: {  	[sflag:s0] =	ssyncadd.tile.s32 @!p0 $0x1;
	_ =	shalt  }
.Lfunc_end2:
_tile_overlayer_lowered:
.L_overlay_start_2:
0x34b: {  	(tag) =	ssettag $0x2  }
0x34c: {  	s0 =	rddreg [dreg:$0x0];
	s2 =	stileid.u32  }
0x34d: {  	s1 =	rddreg [dreg:$0x1];
	p0 =	sne.s32 s2, $0x0  }
0x34e: {  	s3 =	rddreg [dreg:$0x2];
	[bflag:$0x3] =	sbarrier.arrive $0xFFFF;
	s2 =	simm.s32 @!p0 $0x1C03  }
0x34f: {  	[timem:s3], [sflag:s2] =	dma.local @!p0 [hbm:s0], s1  }
0x350: {  	s0 =	simm.s32 @!p0 $0x3  }
0x351: {  	_ =	swait.ge @!p0 [sflag:s0], s1  }
0x352: {  	s1 =	ssub.s32 @!p0 $0x0, s1;
	[sflag:s0] =	ssyncset.done @!p0 $0x0  }
0x353: {  	[sflag:s0] =	ssyncadd.s32 @!p0 s1  }
0x354: {  	[bflag:$0x3] =	sbarrier.arrive $0xFFFF  }
0x355: {  	_ =	shalt  }

</sc_bundles>
